<compile_context>
chip_gen: v7x
topology: tpu7x:2x2x1
jax: 0.10.2.dev20260603
libtpu: 0.0.44.dev20260713+nightly
codegen_flags: <defaults>
</compile_context>

<pallas_src>
import jax
import jax.numpy as jnp
from jax import lax
from jax.experimental import pallas as pl
from jax.experimental.pallas import tpu as pltpu
from jax.experimental.pallas import tpu_sc as plsc

N = 10000
D = 128
E = 320000

NC = 2
NS = 16
NW = NC * NS

C = 128
CHUNKS = 80
TCH = NC * NS * CHUNKS
K0 = 62
K1 = 2 * CHUNKS - K0
E_PAD = NW * CHUNKS * C
DUMMY = N


NPAD = 10240
RPT = NPAD // NS
ZB = 128
ROW_BLKS = RPT // ZB

_MESH = plsc.VectorSubcoreMesh(core_axis_name="c", subcore_axis_name="s")


def _agg_body(x_hbm, src_hbm, dst_hbm, za_hbm, agg_out,
              sidx, didx, rows, agg_sh):
    c = lax.axis_index("c")
    s = lax.axis_index("s")
    base = s * RPT

    pltpu.sync_copy(za_hbm, rows.at[pl.ds(0, ZB)])
    for k in range(ROW_BLKS):
        pltpu.sync_copy(rows.at[pl.ds(0, ZB)], agg_sh.at[pl.ds(base + k * ZB, ZB)])
    plsc.subcore_barrier()

    nch = jnp.where(c == 0, K0, K1)
    start = jnp.where(c == 0, s * K0, NS * K0 + s * K1)

    def chunk(j, carry):
        cid = start + j
        pltpu.sync_copy(src_hbm.at[cid], sidx)
        pltpu.sync_copy(dst_hbm.at[cid], didx)
        pltpu.sync_copy(x_hbm.at[sidx], rows)
        pltpu.sync_copy(rows, agg_sh.at[didx], add=True)
        return carry

    lax.fori_loop(0, nch, chunk, 0)
    plsc.subcore_barrier()

    for k in range(ROW_BLKS):
        pltpu.sync_copy(agg_sh.at[pl.ds(base + k * ZB, ZB)], rows.at[pl.ds(0, ZB)])
        pltpu.sync_copy(rows.at[pl.ds(0, ZB)], agg_out.at[c, pl.ds(base + k * ZB, ZB)])


def _cnt_body(dst_hbm, zc_hbm, on_hbm, cnt_out, didx, rows, cnt_sh):
    c = lax.axis_index("c")
    s = lax.axis_index("s")
    wid = s * NC + c
    base = s * RPT

    pltpu.sync_copy(zc_hbm, rows.at[pl.ds(0, ZB)])
    for k in range(ROW_BLKS):
        pltpu.sync_copy(rows.at[pl.ds(0, ZB)], cnt_sh.at[pl.ds(base + k * ZB, ZB)])
    pltpu.sync_copy(on_hbm, rows)
    plsc.subcore_barrier()

    def chunk(j, carry):
        pltpu.sync_copy(dst_hbm.at[wid, j], didx)
        pltpu.sync_copy(rows, cnt_sh.at[didx], add=True)
        return carry

    lax.fori_loop(0, CHUNKS, chunk, 0)
    plsc.subcore_barrier()

    for k in range(ROW_BLKS):
        pltpu.sync_copy(cnt_sh.at[pl.ds(base + k * ZB, ZB)], rows.at[pl.ds(0, ZB)])
        pltpu.sync_copy(rows.at[pl.ds(0, ZB)], cnt_out.at[c, pl.ds(base + k * ZB, ZB)])


_sc_agg = pl.kernel(
    _agg_body,
    out_type=jax.ShapeDtypeStruct((NC, NPAD, D), jnp.float32),
    mesh=_MESH,
    scratch_types=[
        pltpu.VMEM((C,), jnp.int32),
        pltpu.VMEM((C,), jnp.int32),
        pltpu.VMEM((C, D), jnp.float32),
        pltpu.VMEM_SHARED((NPAD, D), jnp.float32),
    ],
)

_sc_cnt = pl.kernel(
    _cnt_body,
    out_type=jax.ShapeDtypeStruct((NC, NPAD, D), jnp.float32),
    mesh=_MESH,
    scratch_types=[
        pltpu.VMEM((C,), jnp.int32),
        pltpu.VMEM((C, D), jnp.float32),
        pltpu.VMEM_SHARED((NPAD, D), jnp.float32),
    ],
)


def _tc_body(x_ref, agg_ref, cnt_ref, wl_ref, wr_ref, b_ref, o_ref):
    a = agg_ref[0] + agg_ref[1]
    cn = cnt_ref[0, :, 0:1] + cnt_ref[1, :, 0:1]
    inv = 1.0 / jnp.maximum(cn, 1.0)
    am = a * inv
    acc = lax.dot_general(am, wl_ref[...], (((1,), (1,)), ((), ())),
                          preferred_element_type=jnp.float32)
    acc = acc + lax.dot_general(x_ref[...], wr_ref[...],
                                (((1,), (1,)), ((), ())),
                                preferred_element_type=jnp.float32)
    o_ref[...] = jnp.maximum(acc + b_ref[...], 0.0)


_TC_R = 1000


def _tc_layer(x, agg, cnt, Wl, Wr, b2d):
    grid = N // _TC_R
    return pl.pallas_call(
        _tc_body,
        grid=(grid,),
        in_specs=[
            pl.BlockSpec((_TC_R, D), lambda i: (i, 0)),
            pl.BlockSpec((NC, _TC_R, D), lambda i: (0, i, 0)),
            pl.BlockSpec((NC, _TC_R, D), lambda i: (0, i, 0)),
            pl.BlockSpec((D, D), lambda i: (0, 0)),
            pl.BlockSpec((D, D), lambda i: (0, 0)),
            pl.BlockSpec((1, D), lambda i: (0, 0)),
        ],
        out_specs=pl.BlockSpec((_TC_R, D), lambda i: (i, 0)),
        out_shape=jax.ShapeDtypeStruct((N, D), jnp.float32),
    )(x, agg, cnt, Wl, Wr, b2d)


@jax.jit
def kernel(x, edge_index, W1_l, b1, W1_r, W2_l, b2, W2_r):
    src = edge_index[0].astype(jnp.int32)
    dst = edge_index[1].astype(jnp.int32)
    pad = E_PAD - E
    src = jnp.concatenate([src, jnp.zeros((pad,), jnp.int32)])
    dst = jnp.concatenate([dst, jnp.full((pad,), DUMMY, jnp.int32)])
    srcf = src.reshape(TCH, C)
    dstf = dst.reshape(TCH, C)
    dst = dst.reshape(NW, CHUNKS, C)
    zeros_a = jnp.zeros((ZB, D), jnp.float32)
    ones_c = jnp.ones((C, D), jnp.float32)

    cnt = _sc_cnt(dst, zeros_a, ones_c)
    agg1 = _sc_agg(x, srcf, dstf, zeros_a)
    h1 = _tc_layer(x, agg1, cnt, W1_l, W1_r, b1.reshape(1, D))
    agg2 = _sc_agg(h1, srcf, dstf, zeros_a)
    h2 = _tc_layer(h1, agg2, cnt, W2_l, W2_r, b2.reshape(1, D))
    return h2

# --- scband reference (transcript-rebuilt; emitter-appended) ---
"""Pipeline reference for scband-graph-sagenet-2310692405679 (READ-ONLY COPY).

The authoritative reference and input builder live on the scoring server;
editing this copy changes nothing except your own understanding.
"""

import jax, jax.numpy as jnp
import numpy as np

N_NODES = 10000
N_EDGES = 320000
D = 128

def setup_inputs(seed: int = 0) -> dict:
    key = jax.random.key(seed)
    ks = jax.random.split(key, 9)
    x = jax.random.normal(ks[0], (N_NODES, D), dtype=jnp.float32)
    edge_index = jax.random.randint(ks[1], (2, N_EDGES), 0, N_NODES, dtype=jnp.int64)
    s = 1.0 / np.sqrt(D)
    W1_l = jax.random.uniform(ks[2], (D, D), dtype=jnp.float32, minval=-s, maxval=s)
    b1 = jax.random.uniform(ks[3], (D,), dtype=jnp.float32, minval=-s, maxval=s)
    W1_r = jax.random.uniform(ks[4], (D, D), dtype=jnp.float32, minval=-s, maxval=s)
    W2_l = jax.random.uniform(ks[5], (D, D), dtype=jnp.float32, minval=-s, maxval=s)
    b2 = jax.random.uniform(ks[6], (D,), dtype=jnp.float32, minval=-s, maxval=s)
    W2_r = jax.random.uniform(ks[7], (D, D), dtype=jnp.float32, minval=-s, maxval=s)
    return {"x": x, "edge_index": edge_index, "W1_l": W1_l, "b1": b1, "W1_r": W1_r, "W2_l": W2_l, "b2": b2, "W2_r": W2_r}

def _sage_conv(x, src, dst, Wl, b, Wr):
    n = x.shape[0]
    msgs = jnp.take(x, src, axis=0)
    agg = jax.ops.segment_sum(msgs, dst, num_segments=n)
    cnt = jax.ops.segment_sum(jnp.ones((src.shape[0], 1), dtype=x.dtype), dst, num_segments=n)
    agg = agg / jnp.clip(cnt, 1.0, None)
    return agg @ Wl.T + b + x @ Wr.T

def reference(x, edge_index, W1_l, b1, W1_r, W2_l, b2, W2_r):
    src = edge_index[0]
    dst = edge_index[1]
    # layer 1: SAGEConv (mean aggr) + relu; dropout is identity in eval mode
    h = jax.nn.relu(_sage_conv(x, src, dst, W1_l, b1, W1_r))
    # layer 2
    h = jax.nn.relu(_sage_conv(h, src, dst, W2_l, b2, W2_r))
    return h

if __name__ == "__main__":
    import jax
    _d = setup_inputs()
    print(jax.jit(kernel)(*tuple(_d.values())))

</pallas_src>

<mosaic_0001>
#map = affine_map<(d0, d1) -> (0, 0)>
#map1 = affine_map<(d0, d1) -> (0, 0, 0)>
module attributes {stable_mosaic.version = 14 : i64} {
  func.func @_agg_body(%arg0: i32, %arg1: i32, %arg2: memref<10000x128xf32, #tpu.memory_space<hbm>>, %arg3: memref<2560x128xi32, #tpu.memory_space<hbm>>, %arg4: memref<2560x128xi32, #tpu.memory_space<hbm>>, %arg5: memref<128x128xf32, #tpu.memory_space<hbm>>, %arg6: memref<2x10240x128xf32, #tpu.memory_space<hbm>>, %arg7: memref<128xi32, #tpu.memory_space<vmem>>, %arg8: memref<128xi32, #tpu.memory_space<vmem>>, %arg9: memref<128x128xf32, #tpu.memory_space<vmem>>, %arg10: memref<10240x128xf32, #tpu.memory_space<vmem_shared>>) attributes {dimension_semantics = [#tpu.dimension_semantics<core_parallel>, #tpu.dimension_semantics<subcore_parallel>], iteration_bounds = array<i64: 2, 16>, scalar_prefetch = 0 : i64, scratch_operands = 4 : i64, tpu.core_type = #tpu.core_type<sc_vector_subcore>, window_params = [{transform_indices = #map}, {transform_indices = #map}, {transform_indices = #map}, {transform_indices = #map}, {transform_indices = #map1}]} {
    %mul3A = arith.constant 640 : i32
    %mul3A_0 = arith.muli %arg1, %mul3A : i32
    "tpu.region"() ({
      %run_scoped3A = tpu.sem_alloc : memref<!tpu.dma_semaphore, #tpu.memory_space<semaphore_mem>>
      %dma_start3A = arith.constant 0 : i32
      %dma_start3A_51 = arith.constant 0 : i32
      %dma_start3A_52 = tpu.memref_slice %arg9[%dma_start3A, %dma_start3A_51] : memref<128x128xf32, #tpu.memory_space<vmem>> -> memref<128x128xf32, #tpu.memory_space<vmem>>
      %dma_start3A_53 = arith.constant 0 : i32
      %dma_start3A_54 = arith.constant 0 : i32
      %dma_start3A_55 = tpu.memref_slice %arg9[%dma_start3A_53, %dma_start3A_54] : memref<128x128xf32, #tpu.memory_space<vmem>> -> memref<128x128xf32, #tpu.memory_space<vmem>>
      tpu.enqueue_dma source(%arg5 : memref<128x128xf32, #tpu.memory_space<hbm>>) target(%dma_start3A_55 : memref<128x128xf32, #tpu.memory_space<vmem>>) target_semaphore(%run_scoped3A : memref<!tpu.dma_semaphore, #tpu.memory_space<semaphore_mem>>)
      %dma_wait3A = arith.constant 0 : i32
      %dma_wait3A_56 = arith.constant 0 : i32
      %dma_wait3A_57 = tpu.memref_slice %arg9[%dma_wait3A, %dma_wait3A_56] : memref<128x128xf32, #tpu.memory_space<vmem>> -> memref<128x128xf32, #tpu.memory_space<vmem>>
      %dma_wait3A_58 = arith.constant 0 : i32
      %dma_wait3A_59 = arith.constant 0 : i32
      %dma_wait3A_60 = tpu.memref_slice %arg9[%dma_wait3A_58, %dma_wait3A_59] : memref<128x128xf32, #tpu.memory_space<vmem>> -> memref<128x128xf32, #tpu.memory_space<vmem>>
      tpu.wait_dma2 semaphore(%run_scoped3A : memref<!tpu.dma_semaphore, #tpu.memory_space<semaphore_mem>>) src(%arg5 : memref<128x128xf32, #tpu.memory_space<hbm>>) dst(%dma_wait3A_60 : memref<128x128xf32, #tpu.memory_space<vmem>>)
      tpu.yield
    }) : () -> ()
    %add3A = arith.constant 0 : i32
    %add3A_1 = arith.addi %mul3A_0, %add3A : i32
    "tpu.region"() ({
      %run_scoped3A = tpu.sem_alloc : memref<!tpu.dma_semaphore, #tpu.memory_space<semaphore_mem>>
      %dma_start3A = arith.constant 0 : i32
      %dma_start3A_51 = arith.constant 0 : i32
      %dma_start3A_52 = tpu.memref_slice %arg9[%dma_start3A, %dma_start3A_51] : memref<128x128xf32, #tpu.memory_space<vmem>> -> memref<128x128xf32, #tpu.memory_space<vmem>>
      %dma_start3A_53 = arith.constant 0 : i32
      %dma_start3A_54 = tpu.memref_slice %arg10[%add3A_1, %dma_start3A_53] : memref<10240x128xf32, #tpu.memory_space<vmem_shared>> -> memref<128x128xf32, #tpu.memory_space<vmem_shared>>
      %dma_start3A_55 = arith.constant 0 : i32
      %dma_start3A_56 = tpu.memref_slice %arg10[%add3A_1, %dma_start3A_55] : memref<10240x128xf32, #tpu.memory_space<vmem_shared>> -> memref<128x128xf32, #tpu.memory_space<vmem_shared>>
      %dma_start3A_57 = arith.constant 0 : i32
      %dma_start3A_58 = arith.constant 0 : i32
      %dma_start3A_59 = tpu.memref_slice %arg9[%dma_start3A_57, %dma_start3A_58] : memref<128x128xf32, #tpu.memory_space<vmem>> -> memref<128x128xf32, #tpu.memory_space<vmem>>
      tpu.enqueue_dma source(%dma_start3A_59 : memref<128x128xf32, #tpu.memory_space<vmem>>) target(%dma_start3A_56 : memref<128x128xf32, #tpu.memory_space<vmem_shared>>) target_semaphore(%run_scoped3A : memref<!tpu.dma_semaphore, #tpu.memory_space<semaphore_mem>>)
      %dma_wait3A = arith.constant 0 : i32
      %dma_wait3A_60 = arith.constant 0 : i32
      %dma_wait3A_61 = tpu.memref_slice %arg9[%dma_wait3A, %dma_wait3A_60] : memref<128x128xf32, #tpu.memory_space<vmem>> -> memref<128x128xf32, #tpu.memory_space<vmem>>
      %dma_wait3A_62 = arith.constant 0 : i32
      %dma_wait3A_63 = tpu.memref_slice %arg10[%add3A_1, %dma_wait3A_62] : memref<10240x128xf32, #tpu.memory_space<vmem_shared>> -> memref<128x128xf32, #tpu.memory_space<vmem_shared>>
      %dma_wait3A_64 = arith.constant 0 : i32
      %dma_wait3A_65 = tpu.memref_slice %arg10[%add3A_1, %dma_wait3A_64] : memref<10240x128xf32, #tpu.memory_space<vmem_shared>> -> memref<128x128xf32, #tpu.memory_space<vmem_shared>>
      %dma_wait3A_66 = arith.constant 0 : i32
      %dma_wait3A_67 = arith.constant 0 : i32
      %dma_wait3A_68 = tpu.memref_slice %arg9[%dma_wait3A_66, %dma_wait3A_67] : memref<128x128xf32, #tpu.memory_space<vmem>> -> memref<128x128xf32, #tpu.memory_space<vmem>>
      tpu.wait_dma2 semaphore(%run_scoped3A : memref<!tpu.dma_semaphore, #tpu.memory_space<semaphore_mem>>) src(%dma_wait3A_68 : memref<128x128xf32, #tpu.memory_space<vmem>>) dst(%dma_wait3A_65 : memref<128x128xf32, #tpu.memory_space<vmem_shared>>)
      tpu.yield
    }) : () -> ()
    %add3A_2 = arith.constant 128 : i32
    %add3A_3 = arith.addi %mul3A_0, %add3A_2 : i32
    "tpu.region"() ({
      %run_scoped3A = tpu.sem_alloc : memref<!tpu.dma_semaphore, #tpu.memory_space<semaphore_mem>>
      %dma_start3A = arith.constant 0 : i32
      %dma_start3A_51 = arith.constant 0 : i32
      %dma_start3A_52 = tpu.memref_slice %arg9[%dma_start3A, %dma_start3A_51] : memref<128x128xf32, #tpu.memory_space<vmem>> -> memref<128x128xf32, #tpu.memory_space<vmem>>
      %dma_start3A_53 = arith.constant 0 : i32
      %dma_start3A_54 = tpu.memref_slice %arg10[%add3A_3, %dma_start3A_53] : memref<10240x128xf32, #tpu.memory_space<vmem_shared>> -> memref<128x128xf32, #tpu.memory_space<vmem_shared>>
      %dma_start3A_55 = arith.constant 0 : i32
      %dma_start3A_56 = tpu.memref_slice %arg10[%add3A_3, %dma_start3A_55] : memref<10240x128xf32, #tpu.memory_space<vmem_shared>> -> memref<128x128xf32, #tpu.memory_space<vmem_shared>>
      %dma_start3A_57 = arith.constant 0 : i32
      %dma_start3A_58 = arith.constant 0 : i32
      %dma_start3A_59 = tpu.memref_slice %arg9[%dma_start3A_57, %dma_start3A_58] : memref<128x128xf32, #tpu.memory_space<vmem>> -> memref<128x128xf32, #tpu.memory_space<vmem>>
      tpu.enqueue_dma source(%dma_start3A_59 : memref<128x128xf32, #tpu.memory_space<vmem>>) target(%dma_start3A_56 : memref<128x128xf32, #tpu.memory_space<vmem_shared>>) target_semaphore(%run_scoped3A : memref<!tpu.dma_semaphore, #tpu.memory_space<semaphore_mem>>)
      %dma_wait3A = arith.constant 0 : i32
      %dma_wait3A_60 = arith.constant 0 : i32
      %dma_wait3A_61 = tpu.memref_slice %arg9[%dma_wait3A, %dma_wait3A_60] : memref<128x128xf32, #tpu.memory_space<vmem>> -> memref<128x128xf32, #tpu.memory_space<vmem>>
      %dma_wait3A_62 = arith.constant 0 : i32
      %dma_wait3A_63 = tpu.memref_slice %arg10[%add3A_3, %dma_wait3A_62] : memref<10240x128xf32, #tpu.memory_space<vmem_shared>> -> memref<128x128xf32, #tpu.memory_space<vmem_shared>>
      %dma_wait3A_64 = arith.constant 0 : i32
      %dma_wait3A_65 = tpu.memref_slice %arg10[%add3A_3, %dma_wait3A_64] : memref<10240x128xf32, #tpu.memory_space<vmem_shared>> -> memref<128x128xf32, #tpu.memory_space<vmem_shared>>
      %dma_wait3A_66 = arith.constant 0 : i32
      %dma_wait3A_67 = arith.constant 0 : i32
      %dma_wait3A_68 = tpu.memref_slice %arg9[%dma_wait3A_66, %dma_wait3A_67] : memref<128x128xf32, #tpu.memory_space<vmem>> -> memref<128x128xf32, #tpu.memory_space<vmem>>
      tpu.wait_dma2 semaphore(%run_scoped3A : memref<!tpu.dma_semaphore, #tpu.memory_space<semaphore_mem>>) src(%dma_wait3A_68 : memref<128x128xf32, #tpu.memory_space<vmem>>) dst(%dma_wait3A_65 : memref<128x128xf32, #tpu.memory_space<vmem_shared>>)
      tpu.yield
    }) : () -> ()
    %add3A_4 = arith.constant 256 : i32
    %add3A_5 = arith.addi %mul3A_0, %add3A_4 : i32
    "tpu.region"() ({
      %run_scoped3A = tpu.sem_alloc : memref<!tpu.dma_semaphore, #tpu.memory_space<semaphore_mem>>
      %dma_start3A = arith.constant 0 : i32
      %dma_start3A_51 = arith.constant 0 : i32
      %dma_start3A_52 = tpu.memref_slice %arg9[%dma_start3A, %dma_start3A_51] : memref<128x128xf32, #tpu.memory_space<vmem>> -> memref<128x128xf32, #tpu.memory_space<vmem>>
      %dma_start3A_53 = arith.constant 0 : i32
      %dma_start3A_54 = tpu.memref_slice %arg10[%add3A_5, %dma_start3A_53] : memref<10240x128xf32, #tpu.memory_space<vmem_shared>> -> memref<128x128xf32, #tpu.memory_space<vmem_shared>>
      %dma_start3A_55 = arith.constant 0 : i32
      %dma_start3A_56 = tpu.memref_slice %arg10[%add3A_5, %dma_start3A_55] : memref<10240x128xf32, #tpu.memory_space<vmem_shared>> -> memref<128x128xf32, #tpu.memory_space<vmem_shared>>
      %dma_start3A_57 = arith.constant 0 : i32
      %dma_start3A_58 = arith.constant 0 : i32
      %dma_start3A_59 = tpu.memref_slice %arg9[%dma_start3A_57, %dma_start3A_58] : memref<128x128xf32, #tpu.memory_space<vmem>> -> memref<128x128xf32, #tpu.memory_space<vmem>>
      tpu.enqueue_dma source(%dma_start3A_59 : memref<128x128xf32, #tpu.memory_space<vmem>>) target(%dma_start3A_56 : memref<128x128xf32, #tpu.memory_space<vmem_shared>>) target_semaphore(%run_scoped3A : memref<!tpu.dma_semaphore, #tpu.memory_space<semaphore_mem>>)
      %dma_wait3A = arith.constant 0 : i32
      %dma_wait3A_60 = arith.constant 0 : i32
      %dma_wait3A_61 = tpu.memref_slice %arg9[%dma_wait3A, %dma_wait3A_60] : memref<128x128xf32, #tpu.memory_space<vmem>> -> memref<128x128xf32, #tpu.memory_space<vmem>>
      %dma_wait3A_62 = arith.constant 0 : i32
      %dma_wait3A_63 = tpu.memref_slice %arg10[%add3A_5, %dma_wait3A_62] : memref<10240x128xf32, #tpu.memory_space<vmem_shared>> -> memref<128x128xf32, #tpu.memory_space<vmem_shared>>
      %dma_wait3A_64 = arith.constant 0 : i32
      %dma_wait3A_65 = tpu.memref_slice %arg10[%add3A_5, %dma_wait3A_64] : memref<10240x128xf32, #tpu.memory_space<vmem_shared>> -> memref<128x128xf32, #tpu.memory_space<vmem_shared>>
      %dma_wait3A_66 = arith.constant 0 : i32
      %dma_wait3A_67 = arith.constant 0 : i32
      %dma_wait3A_68 = tpu.memref_slice %arg9[%dma_wait3A_66, %dma_wait3A_67] : memref<128x128xf32, #tpu.memory_space<vmem>> -> memref<128x128xf32, #tpu.memory_space<vmem>>
      tpu.wait_dma2 semaphore(%run_scoped3A : memref<!tpu.dma_semaphore, #tpu.memory_space<semaphore_mem>>) src(%dma_wait3A_68 : memref<128x128xf32, #tpu.memory_space<vmem>>) dst(%dma_wait3A_65 : memref<128x128xf32, #tpu.memory_space<vmem_shared>>)
      tpu.yield
    }) : () -> ()
    %add3A_6 = arith.constant 384 : i32
    %add3A_7 = arith.addi %mul3A_0, %add3A_6 : i32
    "tpu.region"() ({
      %run_scoped3A = tpu.sem_alloc : memref<!tpu.dma_semaphore, #tpu.memory_space<semaphore_mem>>
      %dma_start3A = arith.constant 0 : i32
      %dma_start3A_51 = arith.constant 0 : i32
      %dma_start3A_52 = tpu.memref_slice %arg9[%dma_start3A, %dma_start3A_51] : memref<128x128xf32, #tpu.memory_space<vmem>> -> memref<128x128xf32, #tpu.memory_space<vmem>>
      %dma_start3A_53 = arith.constant 0 : i32
      %dma_start3A_54 = tpu.memref_slice %arg10[%add3A_7, %dma_start3A_53] : memref<10240x128xf32, #tpu.memory_space<vmem_shared>> -> memref<128x128xf32, #tpu.memory_space<vmem_shared>>
      %dma_start3A_55 = arith.constant 0 : i32
      %dma_start3A_56 = tpu.memref_slice %arg10[%add3A_7, %dma_start3A_55] : memref<10240x128xf32, #tpu.memory_space<vmem_shared>> -> memref<128x128xf32, #tpu.memory_space<vmem_shared>>
      %dma_start3A_57 = arith.constant 0 : i32
      %dma_start3A_58 = arith.constant 0 : i32
      %dma_start3A_59 = tpu.memref_slice %arg9[%dma_start3A_57, %dma_start3A_58] : memref<128x128xf32, #tpu.memory_space<vmem>> -> memref<128x128xf32, #tpu.memory_space<vmem>>
      tpu.enqueue_dma source(%dma_start3A_59 : memref<128x128xf32, #tpu.memory_space<vmem>>) target(%dma_start3A_56 : memref<128x128xf32, #tpu.memory_space<vmem_shared>>) target_semaphore(%run_scoped3A : memref<!tpu.dma_semaphore, #tpu.memory_space<semaphore_mem>>)
      %dma_wait3A = arith.constant 0 : i32
      %dma_wait3A_60 = arith.constant 0 : i32
      %dma_wait3A_61 = tpu.memref_slice %arg9[%dma_wait3A, %dma_wait3A_60] : memref<128x128xf32, #tpu.memory_space<vmem>> -> memref<128x128xf32, #tpu.memory_space<vmem>>
      %dma_wait3A_62 = arith.constant 0 : i32
      %dma_wait3A_63 = tpu.memref_slice %arg10[%add3A_7, %dma_wait3A_62] : memref<10240x128xf32, #tpu.memory_space<vmem_shared>> -> memref<128x128xf32, #tpu.memory_space<vmem_shared>>
      %dma_wait3A_64 = arith.constant 0 : i32
      %dma_wait3A_65 = tpu.memref_slice %arg10[%add3A_7, %dma_wait3A_64] : memref<10240x128xf32, #tpu.memory_space<vmem_shared>> -> memref<128x128xf32, #tpu.memory_space<vmem_shared>>
      %dma_wait3A_66 = arith.constant 0 : i32
      %dma_wait3A_67 = arith.constant 0 : i32
      %dma_wait3A_68 = tpu.memref_slice %arg9[%dma_wait3A_66, %dma_wait3A_67] : memref<128x128xf32, #tpu.memory_space<vmem>> -> memref<128x128xf32, #tpu.memory_space<vmem>>
      tpu.wait_dma2 semaphore(%run_scoped3A : memref<!tpu.dma_semaphore, #tpu.memory_space<semaphore_mem>>) src(%dma_wait3A_68 : memref<128x128xf32, #tpu.memory_space<vmem>>) dst(%dma_wait3A_65 : memref<128x128xf32, #tpu.memory_space<vmem_shared>>)
      tpu.yield
    }) : () -> ()
    %add3A_8 = arith.constant 512 : i32
    %add3A_9 = arith.addi %mul3A_0, %add3A_8 : i32
    "tpu.region"() ({
      %run_scoped3A = tpu.sem_alloc : memref<!tpu.dma_semaphore, #tpu.memory_space<semaphore_mem>>
      %dma_start3A = arith.constant 0 : i32
      %dma_start3A_51 = arith.constant 0 : i32
      %dma_start3A_52 = tpu.memref_slice %arg9[%dma_start3A, %dma_start3A_51] : memref<128x128xf32, #tpu.memory_space<vmem>> -> memref<128x128xf32, #tpu.memory_space<vmem>>
      %dma_start3A_53 = arith.constant 0 : i32
      %dma_start3A_54 = tpu.memref_slice %arg10[%add3A_9, %dma_start3A_53] : memref<10240x128xf32, #tpu.memory_space<vmem_shared>> -> memref<128x128xf32, #tpu.memory_space<vmem_shared>>
      %dma_start3A_55 = arith.constant 0 : i32
      %dma_start3A_56 = tpu.memref_slice %arg10[%add3A_9, %dma_start3A_55] : memref<10240x128xf32, #tpu.memory_space<vmem_shared>> -> memref<128x128xf32, #tpu.memory_space<vmem_shared>>
      %dma_start3A_57 = arith.constant 0 : i32
      %dma_start3A_58 = arith.constant 0 : i32
      %dma_start3A_59 = tpu.memref_slice %arg9[%dma_start3A_57, %dma_start3A_58] : memref<128x128xf32, #tpu.memory_space<vmem>> -> memref<128x128xf32, #tpu.memory_space<vmem>>
      tpu.enqueue_dma source(%dma_start3A_59 : memref<128x128xf32, #tpu.memory_space<vmem>>) target(%dma_start3A_56 : memref<128x128xf32, #tpu.memory_space<vmem_shared>>) target_semaphore(%run_scoped3A : memref<!tpu.dma_semaphore, #tpu.memory_space<semaphore_mem>>)
      %dma_wait3A = arith.constant 0 : i32
      %dma_wait3A_60 = arith.constant 0 : i32
      %dma_wait3A_61 = tpu.memref_slice %arg9[%dma_wait3A, %dma_wait3A_60] : memref<128x128xf32, #tpu.memory_space<vmem>> -> memref<128x128xf32, #tpu.memory_space<vmem>>
      %dma_wait3A_62 = arith.constant 0 : i32
      %dma_wait3A_63 = tpu.memref_slice %arg10[%add3A_9, %dma_wait3A_62] : memref<10240x128xf32, #tpu.memory_space<vmem_shared>> -> memref<128x128xf32, #tpu.memory_space<vmem_shared>>
      %dma_wait3A_64 = arith.constant 0 : i32
      %dma_wait3A_65 = tpu.memref_slice %arg10[%add3A_9, %dma_wait3A_64] : memref<10240x128xf32, #tpu.memory_space<vmem_shared>> -> memref<128x128xf32, #tpu.memory_space<vmem_shared>>
      %dma_wait3A_66 = arith.constant 0 : i32
      %dma_wait3A_67 = arith.constant 0 : i32
      %dma_wait3A_68 = tpu.memref_slice %arg9[%dma_wait3A_66, %dma_wait3A_67] : memref<128x128xf32, #tpu.memory_space<vmem>> -> memref<128x128xf32, #tpu.memory_space<vmem>>
      tpu.wait_dma2 semaphore(%run_scoped3A : memref<!tpu.dma_semaphore, #tpu.memory_space<semaphore_mem>>) src(%dma_wait3A_68 : memref<128x128xf32, #tpu.memory_space<vmem>>) dst(%dma_wait3A_65 : memref<128x128xf32, #tpu.memory_space<vmem_shared>>)
      tpu.yield
    }) : () -> ()
    %barrier3A = arith.constant 0 : index
    tpu.barrier barrier_id(%barrier3A)
    %eq3A = arith.constant 0 : i32
    %eq3A_10 = arith.cmpi eq, %arg0, %eq3A : i32
    %jit3A = arith.constant 62 : i32
    %jit3A_11 = arith.constant 98 : i32
    %select_n3A = arith.select %eq3A_10, %jit3A, %jit3A_11 : i32
    %eq3A_12 = arith.constant 0 : i32
    %eq3A_13 = arith.cmpi eq, %arg0, %eq3A_12 : i32
    %mul3A_14 = arith.constant 62 : i32
    %mul3A_15 = arith.muli %arg1, %mul3A_14 : i32
    %mul3A_16 = arith.constant 98 : i32
    %mul3A_17 = arith.muli %arg1, %mul3A_16 : i32
    %add3A_18 = arith.constant 992 : i32
    %add3A_19 = arith.addi %add3A_18, %mul3A_17 : i32
    %select_n3A_20 = arith.select %eq3A_13, %mul3A_15, %add3A_19 : i32
    %while3A = arith.constant 0 : i32
    %while3A_21 = arith.constant 0 : i32
    %while3A_22 = arith.subi %select_n3A, %while3A_21 : i32
    %while3A_23 = arith.addi %while3A_21, %while3A_22 : i32
    %while3A_24 = arith.constant 1 : i32
    %while3A_25 = arith.divsi %while3A_22, %while3A_24 : i32
    %while3A_26 = arith.muli %while3A_25, %while3A_24 : i32
    %while3A_27 = arith.addi %while3A_21, %while3A_26 : i32
    %while3A_28 = arith.constant 1 : i32
    scf.for %while3A_51 = %while3A_21 to %while3A_27 step %while3A_28  : i32 {
      %add3A_52 = arith.addi %select_n3A_20, %while3A_51 : i32
      "tpu.region"() ({
        %run_scoped3A = tpu.sem_alloc : memref<!tpu.dma_semaphore, #tpu.memory_space<semaphore_mem>>
        %dma_start3A = arith.constant 0 : i32
        %dma_start3A_53 = tpu.memref_slice %arg3[%add3A_52, %dma_start3A] : memref<2560x128xi32, #tpu.memory_space<hbm>> -> memref<1x128xi32, #tpu.memory_space<hbm>>
        %dma_start3A_54 = tpu.memref_squeeze %dma_start3A_53 : memref<1x128xi32, #tpu.memory_space<hbm>> -> memref<128xi32, #tpu.memory_space<hbm>>
        %dma_start3A_55 = arith.constant 0 : i32
        %dma_start3A_56 = tpu.memref_slice %arg3[%add3A_52, %dma_start3A_55] : memref<2560x128xi32, #tpu.memory_space<hbm>> -> memref<1x128xi32, #tpu.memory_space<hbm>>
        %dma_start3A_57 = tpu.memref_squeeze %dma_start3A_56 : memref<1x128xi32, #tpu.memory_space<hbm>> -> memref<128xi32, #tpu.memory_space<hbm>>
        tpu.enqueue_dma source(%dma_start3A_57 : memref<128xi32, #tpu.memory_space<hbm>>) target(%arg7 : memref<128xi32, #tpu.memory_space<vmem>>) target_semaphore(%run_scoped3A : memref<!tpu.dma_semaphore, #tpu.memory_space<semaphore_mem>>)
        %dma_wait3A = arith.constant 0 : i32
        %dma_wait3A_58 = tpu.memref_slice %arg3[%add3A_52, %dma_wait3A] : memref<2560x128xi32, #tpu.memory_space<hbm>> -> memref<1x128xi32, #tpu.memory_space<hbm>>
        %dma_wait3A_59 = tpu.memref_squeeze %dma_wait3A_58 : memref<1x128xi32, #tpu.memory_space<hbm>> -> memref<128xi32, #tpu.memory_space<hbm>>
        %dma_wait3A_60 = arith.constant 0 : i32
        %dma_wait3A_61 = tpu.memref_slice %arg3[%add3A_52, %dma_wait3A_60] : memref<2560x128xi32, #tpu.memory_space<hbm>> -> memref<1x128xi32, #tpu.memory_space<hbm>>
        %dma_wait3A_62 = tpu.memref_squeeze %dma_wait3A_61 : memref<1x128xi32, #tpu.memory_space<hbm>> -> memref<128xi32, #tpu.memory_space<hbm>>
        tpu.wait_dma2 semaphore(%run_scoped3A : memref<!tpu.dma_semaphore, #tpu.memory_space<semaphore_mem>>) src(%dma_wait3A_62 : memref<128xi32, #tpu.memory_space<hbm>>) dst(%arg7 : memref<128xi32, #tpu.memory_space<vmem>>)
        tpu.yield
      }) : () -> ()
      "tpu.region"() ({
        %run_scoped3A = tpu.sem_alloc : memref<!tpu.dma_semaphore, #tpu.memory_space<semaphore_mem>>
        %dma_start3A = arith.constant 0 : i32
        %dma_start3A_53 = tpu.memref_slice %arg4[%add3A_52, %dma_start3A] : memref<2560x128xi32, #tpu.memory_space<hbm>> -> memref<1x128xi32, #tpu.memory_space<hbm>>
        %dma_start3A_54 = tpu.memref_squeeze %dma_start3A_53 : memref<1x128xi32, #tpu.memory_space<hbm>> -> memref<128xi32, #tpu.memory_space<hbm>>
        %dma_start3A_55 = arith.constant 0 : i32
        %dma_start3A_56 = tpu.memref_slice %arg4[%add3A_52, %dma_start3A_55] : memref<2560x128xi32, #tpu.memory_space<hbm>> -> memref<1x128xi32, #tpu.memory_space<hbm>>
        %dma_start3A_57 = tpu.memref_squeeze %dma_start3A_56 : memref<1x128xi32, #tpu.memory_space<hbm>> -> memref<128xi32, #tpu.memory_space<hbm>>
        tpu.enqueue_dma source(%dma_start3A_57 : memref<128xi32, #tpu.memory_space<hbm>>) target(%arg8 : memref<128xi32, #tpu.memory_space<vmem>>) target_semaphore(%run_scoped3A : memref<!tpu.dma_semaphore, #tpu.memory_space<semaphore_mem>>)
        %dma_wait3A = arith.constant 0 : i32
        %dma_wait3A_58 = tpu.memref_slice %arg4[%add3A_52, %dma_wait3A] : memref<2560x128xi32, #tpu.memory_space<hbm>> -> memref<1x128xi32, #tpu.memory_space<hbm>>
        %dma_wait3A_59 = tpu.memref_squeeze %dma_wait3A_58 : memref<1x128xi32, #tpu.memory_space<hbm>> -> memref<128xi32, #tpu.memory_space<hbm>>
        %dma_wait3A_60 = arith.constant 0 : i32
        %dma_wait3A_61 = tpu.memref_slice %arg4[%add3A_52, %dma_wait3A_60] : memref<2560x128xi32, #tpu.memory_space<hbm>> -> memref<1x128xi32, #tpu.memory_space<hbm>>
        %dma_wait3A_62 = tpu.memref_squeeze %dma_wait3A_61 : memref<1x128xi32, #tpu.memory_space<hbm>> -> memref<128xi32, #tpu.memory_space<hbm>>
        tpu.wait_dma2 semaphore(%run_scoped3A : memref<!tpu.dma_semaphore, #tpu.memory_space<semaphore_mem>>) src(%dma_wait3A_62 : memref<128xi32, #tpu.memory_space<hbm>>) dst(%arg8 : memref<128xi32, #tpu.memory_space<vmem>>)
        tpu.yield
      }) : () -> ()
      "tpu.region"() ({
        %run_scoped3A = tpu.sem_alloc : memref<!tpu.dma_semaphore, #tpu.memory_space<semaphore_mem>>
        %dma_start3A = arith.constant 0 : i32
        %dma_start3A_53 = arith.constant 0 : i32
        %dma_start3A_54 = tpu.memref_slice %arg2[%dma_start3A, %dma_start3A_53] : memref<10000x128xf32, #tpu.memory_space<hbm>> -> memref<10000x128xf32, #tpu.memory_space<hbm>>
        tpu.enqueue_indirect_dma source(%dma_start3A_54 : memref<10000x128xf32, #tpu.memory_space<hbm>>) target(%arg9 : memref<128x128xf32, #tpu.memory_space<vmem>>) offsets(%arg7 : memref<128xi32, #tpu.memory_space<vmem>>) semaphore(%run_scoped3A : memref<!tpu.dma_semaphore, #tpu.memory_space<semaphore_mem>>)
        %dma_wait3A = arith.constant 0 : i32
        %dma_wait3A_55 = arith.constant 0 : i32
        %dma_wait3A_56 = tpu.memref_slice %arg2[%dma_wait3A, %dma_wait3A_55] : memref<10000x128xf32, #tpu.memory_space<hbm>> -> memref<10000x128xf32, #tpu.memory_space<hbm>>
        tpu.wait_indirect_dma semaphore(%run_scoped3A : memref<!tpu.dma_semaphore, #tpu.memory_space<semaphore_mem>>) src(%dma_wait3A_56 : memref<10000x128xf32, #tpu.memory_space<hbm>>) dst(%arg9 : memref<128x128xf32, #tpu.memory_space<vmem>>)
        tpu.yield
      }) : () -> ()
      "tpu.region"() ({
        %run_scoped3A = tpu.sem_alloc : memref<!tpu.dma_semaphore, #tpu.memory_space<semaphore_mem>>
        %dma_start3A = arith.constant 0 : i32
        %dma_start3A_53 = arith.constant 0 : i32
        %dma_start3A_54 = tpu.memref_slice %arg10[%dma_start3A, %dma_start3A_53] : memref<10240x128xf32, #tpu.memory_space<vmem_shared>> -> memref<10240x128xf32, #tpu.memory_space<vmem_shared>>
        tpu.enqueue_indirect_dma source(%arg9 : memref<128x128xf32, #tpu.memory_space<vmem>>) target(%dma_start3A_54 : memref<10240x128xf32, #tpu.memory_space<vmem_shared>>) offsets(%arg8 : memref<128xi32, #tpu.memory_space<vmem>>) semaphore(%run_scoped3A : memref<!tpu.dma_semaphore, #tpu.memory_space<semaphore_mem>>) {add = true}
        %dma_wait3A = arith.constant 0 : i32
        %dma_wait3A_55 = arith.constant 0 : i32
        %dma_wait3A_56 = tpu.memref_slice %arg10[%dma_wait3A, %dma_wait3A_55] : memref<10240x128xf32, #tpu.memory_space<vmem_shared>> -> memref<10240x128xf32, #tpu.memory_space<vmem_shared>>
        tpu.wait_indirect_dma semaphore(%run_scoped3A : memref<!tpu.dma_semaphore, #tpu.memory_space<semaphore_mem>>) src(%arg9 : memref<128x128xf32, #tpu.memory_space<vmem>>) dst(%dma_wait3A_56 : memref<10240x128xf32, #tpu.memory_space<vmem_shared>>)
        tpu.yield
      }) : () -> ()
    }
    %while3A_29 = arith.constant 1 : i32
    scf.for %while3A_51 = %while3A_27 to %while3A_23 step %while3A_29  : i32 {
      %add3A_52 = arith.addi %select_n3A_20, %while3A_51 : i32
      "tpu.region"() ({
        %run_scoped3A = tpu.sem_alloc : memref<!tpu.dma_semaphore, #tpu.memory_space<semaphore_mem>>
        %dma_start3A = arith.constant 0 : i32
        %dma_start3A_53 = tpu.memref_slice %arg3[%add3A_52, %dma_start3A] : memref<2560x128xi32, #tpu.memory_space<hbm>> -> memref<1x128xi32, #tpu.memory_space<hbm>>
        %dma_start3A_54 = tpu.memref_squeeze %dma_start3A_53 : memref<1x128xi32, #tpu.memory_space<hbm>> -> memref<128xi32, #tpu.memory_space<hbm>>
        %dma_start3A_55 = arith.constant 0 : i32
        %dma_start3A_56 = tpu.memref_slice %arg3[%add3A_52, %dma_start3A_55] : memref<2560x128xi32, #tpu.memory_space<hbm>> -> memref<1x128xi32, #tpu.memory_space<hbm>>
        %dma_start3A_57 = tpu.memref_squeeze %dma_start3A_56 : memref<1x128xi32, #tpu.memory_space<hbm>> -> memref<128xi32, #tpu.memory_space<hbm>>
        tpu.enqueue_dma source(%dma_start3A_57 : memref<128xi32, #tpu.memory_space<hbm>>) target(%arg7 : memref<128xi32, #tpu.memory_space<vmem>>) target_semaphore(%run_scoped3A : memref<!tpu.dma_semaphore, #tpu.memory_space<semaphore_mem>>)
        %dma_wait3A = arith.constant 0 : i32
        %dma_wait3A_58 = tpu.memref_slice %arg3[%add3A_52, %dma_wait3A] : memref<2560x128xi32, #tpu.memory_space<hbm>> -> memref<1x128xi32, #tpu.memory_space<hbm>>
        %dma_wait3A_59 = tpu.memref_squeeze %dma_wait3A_58 : memref<1x128xi32, #tpu.memory_space<hbm>> -> memref<128xi32, #tpu.memory_space<hbm>>
        %dma_wait3A_60 = arith.constant 0 : i32
        %dma_wait3A_61 = tpu.memref_slice %arg3[%add3A_52, %dma_wait3A_60] : memref<2560x128xi32, #tpu.memory_space<hbm>> -> memref<1x128xi32, #tpu.memory_space<hbm>>
        %dma_wait3A_62 = tpu.memref_squeeze %dma_wait3A_61 : memref<1x128xi32, #tpu.memory_space<hbm>> -> memref<128xi32, #tpu.memory_space<hbm>>
        tpu.wait_dma2 semaphore(%run_scoped3A : memref<!tpu.dma_semaphore, #tpu.memory_space<semaphore_mem>>) src(%dma_wait3A_62 : memref<128xi32, #tpu.memory_space<hbm>>) dst(%arg7 : memref<128xi32, #tpu.memory_space<vmem>>)
        tpu.yield
      }) : () -> ()
      "tpu.region"() ({
        %run_scoped3A = tpu.sem_alloc : memref<!tpu.dma_semaphore, #tpu.memory_space<semaphore_mem>>
        %dma_start3A = arith.constant 0 : i32
        %dma_start3A_53 = tpu.memref_slice %arg4[%add3A_52, %dma_start3A] : memref<2560x128xi32, #tpu.memory_space<hbm>> -> memref<1x128xi32, #tpu.memory_space<hbm>>
        %dma_start3A_54 = tpu.memref_squeeze %dma_start3A_53 : memref<1x128xi32, #tpu.memory_space<hbm>> -> memref<128xi32, #tpu.memory_space<hbm>>
        %dma_start3A_55 = arith.constant 0 : i32
        %dma_start3A_56 = tpu.memref_slice %arg4[%add3A_52, %dma_start3A_55] : memref<2560x128xi32, #tpu.memory_space<hbm>> -> memref<1x128xi32, #tpu.memory_space<hbm>>
        %dma_start3A_57 = tpu.memref_squeeze %dma_start3A_56 : memref<1x128xi32, #tpu.memory_space<hbm>> -> memref<128xi32, #tpu.memory_space<hbm>>
        tpu.enqueue_dma source(%dma_start3A_57 : memref<128xi32, #tpu.memory_space<hbm>>) target(%arg8 : memref<128xi32, #tpu.memory_space<vmem>>) target_semaphore(%run_scoped3A : memref<!tpu.dma_semaphore, #tpu.memory_space<semaphore_mem>>)
        %dma_wait3A = arith.constant 0 : i32
        %dma_wait3A_58 = tpu.memref_slice %arg4[%add3A_52, %dma_wait3A] : memref<2560x128xi32, #tpu.memory_space<hbm>> -> memref<1x128xi32, #tpu.memory_space<hbm>>
        %dma_wait3A_59 = tpu.memref_squeeze %dma_wait3A_58 : memref<1x128xi32, #tpu.memory_space<hbm>> -> memref<128xi32, #tpu.memory_space<hbm>>
        %dma_wait3A_60 = arith.constant 0 : i32
        %dma_wait3A_61 = tpu.memref_slice %arg4[%add3A_52, %dma_wait3A_60] : memref<2560x128xi32, #tpu.memory_space<hbm>> -> memref<1x128xi32, #tpu.memory_space<hbm>>
        %dma_wait3A_62 = tpu.memref_squeeze %dma_wait3A_61 : memref<1x128xi32, #tpu.memory_space<hbm>> -> memref<128xi32, #tpu.memory_space<hbm>>
        tpu.wait_dma2 semaphore(%run_scoped3A : memref<!tpu.dma_semaphore, #tpu.memory_space<semaphore_mem>>) src(%dma_wait3A_62 : memref<128xi32, #tpu.memory_space<hbm>>) dst(%arg8 : memref<128xi32, #tpu.memory_space<vmem>>)
        tpu.yield
      }) : () -> ()
      "tpu.region"() ({
        %run_scoped3A = tpu.sem_alloc : memref<!tpu.dma_semaphore, #tpu.memory_space<semaphore_mem>>
        %dma_start3A = arith.constant 0 : i32
        %dma_start3A_53 = arith.constant 0 : i32
        %dma_start3A_54 = tpu.memref_slice %arg2[%dma_start3A, %dma_start3A_53] : memref<10000x128xf32, #tpu.memory_space<hbm>> -> memref<10000x128xf32, #tpu.memory_space<hbm>>
        tpu.enqueue_indirect_dma source(%dma_start3A_54 : memref<10000x128xf32, #tpu.memory_space<hbm>>) target(%arg9 : memref<128x128xf32, #tpu.memory_space<vmem>>) offsets(%arg7 : memref<128xi32, #tpu.memory_space<vmem>>) semaphore(%run_scoped3A : memref<!tpu.dma_semaphore, #tpu.memory_space<semaphore_mem>>)
        %dma_wait3A = arith.constant 0 : i32
        %dma_wait3A_55 = arith.constant 0 : i32
        %dma_wait3A_56 = tpu.memref_slice %arg2[%dma_wait3A, %dma_wait3A_55] : memref<10000x128xf32, #tpu.memory_space<hbm>> -> memref<10000x128xf32, #tpu.memory_space<hbm>>
        tpu.wait_indirect_dma semaphore(%run_scoped3A : memref<!tpu.dma_semaphore, #tpu.memory_space<semaphore_mem>>) src(%dma_wait3A_56 : memref<10000x128xf32, #tpu.memory_space<hbm>>) dst(%arg9 : memref<128x128xf32, #tpu.memory_space<vmem>>)
        tpu.yield
      }) : () -> ()
      "tpu.region"() ({
        %run_scoped3A = tpu.sem_alloc : memref<!tpu.dma_semaphore, #tpu.memory_space<semaphore_mem>>
        %dma_start3A = arith.constant 0 : i32
        %dma_start3A_53 = arith.constant 0 : i32
        %dma_start3A_54 = tpu.memref_slice %arg10[%dma_start3A, %dma_start3A_53] : memref<10240x128xf32, #tpu.memory_space<vmem_shared>> -> memref<10240x128xf32, #tpu.memory_space<vmem_shared>>
        tpu.enqueue_indirect_dma source(%arg9 : memref<128x128xf32, #tpu.memory_space<vmem>>) target(%dma_start3A_54 : memref<10240x128xf32, #tpu.memory_space<vmem_shared>>) offsets(%arg8 : memref<128xi32, #tpu.memory_space<vmem>>) semaphore(%run_scoped3A : memref<!tpu.dma_semaphore, #tpu.memory_space<semaphore_mem>>) {add = true}
        %dma_wait3A = arith.constant 0 : i32
        %dma_wait3A_55 = arith.constant 0 : i32
        %dma_wait3A_56 = tpu.memref_slice %arg10[%dma_wait3A, %dma_wait3A_55] : memref<10240x128xf32, #tpu.memory_space<vmem_shared>> -> memref<10240x128xf32, #tpu.memory_space<vmem_shared>>
        tpu.wait_indirect_dma semaphore(%run_scoped3A : memref<!tpu.dma_semaphore, #tpu.memory_space<semaphore_mem>>) src(%arg9 : memref<128x128xf32, #tpu.memory_space<vmem>>) dst(%dma_wait3A_56 : memref<10240x128xf32, #tpu.memory_space<vmem_shared>>)
        tpu.yield
      }) : () -> ()
    }
    %barrier3A_30 = arith.constant 0 : index
    tpu.barrier barrier_id(%barrier3A_30)
    %add3A_31 = arith.constant 0 : i32
    %add3A_32 = arith.addi %mul3A_0, %add3A_31 : i32
    "tpu.region"() ({
      %run_scoped3A = tpu.sem_alloc : memref<!tpu.dma_semaphore, #tpu.memory_space<semaphore_mem>>
      %dma_start3A = arith.constant 0 : i32
      %dma_start3A_51 = arith.constant 0 : i32
      %dma_start3A_52 = tpu.memref_slice %arg9[%dma_start3A, %dma_start3A_51] : memref<128x128xf32, #tpu.memory_space<vmem>> -> memref<128x128xf32, #tpu.memory_space<vmem>>
      %dma_start3A_53 = arith.constant 0 : i32
      %dma_start3A_54 = tpu.memref_slice %arg10[%add3A_32, %dma_start3A_53] : memref<10240x128xf32, #tpu.memory_space<vmem_shared>> -> memref<128x128xf32, #tpu.memory_space<vmem_shared>>
      %dma_start3A_55 = arith.constant 0 : i32
      %dma_start3A_56 = arith.constant 0 : i32
      %dma_start3A_57 = tpu.memref_slice %arg9[%dma_start3A_55, %dma_start3A_56] : memref<128x128xf32, #tpu.memory_space<vmem>> -> memref<128x128xf32, #tpu.memory_space<vmem>>
      %dma_start3A_58 = arith.constant 0 : i32
      %dma_start3A_59 = tpu.memref_slice %arg10[%add3A_32, %dma_start3A_58] : memref<10240x128xf32, #tpu.memory_space<vmem_shared>> -> memref<128x128xf32, #tpu.memory_space<vmem_shared>>
      tpu.enqueue_dma source(%dma_start3A_59 : memref<128x128xf32, #tpu.memory_space<vmem_shared>>) target(%dma_start3A_57 : memref<128x128xf32, #tpu.memory_space<vmem>>) target_semaphore(%run_scoped3A : memref<!tpu.dma_semaphore, #tpu.memory_space<semaphore_mem>>)
      %dma_wait3A = arith.constant 0 : i32
      %dma_wait3A_60 = arith.constant 0 : i32
      %dma_wait3A_61 = tpu.memref_slice %arg9[%dma_wait3A, %dma_wait3A_60] : memref<128x128xf32, #tpu.memory_space<vmem>> -> memref<128x128xf32, #tpu.memory_space<vmem>>
      %dma_wait3A_62 = arith.constant 0 : i32
      %dma_wait3A_63 = tpu.memref_slice %arg10[%add3A_32, %dma_wait3A_62] : memref<10240x128xf32, #tpu.memory_space<vmem_shared>> -> memref<128x128xf32, #tpu.memory_space<vmem_shared>>
      %dma_wait3A_64 = arith.constant 0 : i32
      %dma_wait3A_65 = arith.constant 0 : i32
      %dma_wait3A_66 = tpu.memref_slice %arg9[%dma_wait3A_64, %dma_wait3A_65] : memref<128x128xf32, #tpu.memory_space<vmem>> -> memref<128x128xf32, #tpu.memory_space<vmem>>
      %dma_wait3A_67 = arith.constant 0 : i32
      %dma_wait3A_68 = tpu.memref_slice %arg10[%add3A_32, %dma_wait3A_67] : memref<10240x128xf32, #tpu.memory_space<vmem_shared>> -> memref<128x128xf32, #tpu.memory_space<vmem_shared>>
      tpu.wait_dma2 semaphore(%run_scoped3A : memref<!tpu.dma_semaphore, #tpu.memory_space<semaphore_mem>>) src(%dma_wait3A_68 : memref<128x128xf32, #tpu.memory_space<vmem_shared>>) dst(%dma_wait3A_66 : memref<128x128xf32, #tpu.memory_space<vmem>>)
      tpu.yield
    }) : () -> ()
    %add3A_33 = arith.constant 0 : i32
    %add3A_34 = arith.addi %mul3A_0, %add3A_33 : i32
    "tpu.region"() ({
      %run_scoped3A = tpu.sem_alloc : memref<!tpu.dma_semaphore, #tpu.memory_space<semaphore_mem>>
      %dma_start3A = arith.constant 0 : i32
      %dma_start3A_51 = arith.constant 0 : i32
      %dma_start3A_52 = tpu.memref_slice %arg9[%dma_start3A, %dma_start3A_51] : memref<128x128xf32, #tpu.memory_space<vmem>> -> memref<128x128xf32, #tpu.memory_space<vmem>>
      %dma_start3A_53 = arith.constant 0 : i32
      %dma_start3A_54 = tpu.memref_slice %arg6[%arg0, %add3A_34, %dma_start3A_53] : memref<2x10240x128xf32, #tpu.memory_space<hbm>> -> memref<1x128x128xf32, #tpu.memory_space<hbm>>
      %dma_start3A_55 = tpu.memref_squeeze %dma_start3A_54 : memref<1x128x128xf32, #tpu.memory_space<hbm>> -> memref<128x128xf32, #tpu.memory_space<hbm>>
      %dma_start3A_56 = arith.constant 0 : i32
      %dma_start3A_57 = tpu.memref_slice %arg6[%arg0, %add3A_34, %dma_start3A_56] : memref<2x10240x128xf32, #tpu.memory_space<hbm>> -> memref<1x128x128xf32, #tpu.memory_space<hbm>>
      %dma_start3A_58 = tpu.memref_squeeze %dma_start3A_57 : memref<1x128x128xf32, #tpu.memory_space<hbm>> -> memref<128x128xf32, #tpu.memory_space<hbm>>
      %dma_start3A_59 = arith.constant 0 : i32
      %dma_start3A_60 = arith.constant 0 : i32
      %dma_start3A_61 = tpu.memref_slice %arg9[%dma_start3A_59, %dma_start3A_60] : memref<128x128xf32, #tpu.memory_space<vmem>> -> memref<128x128xf32, #tpu.memory_space<vmem>>
      tpu.enqueue_dma source(%dma_start3A_61 : memref<128x128xf32, #tpu.memory_space<vmem>>) target(%dma_start3A_58 : memref<128x128xf32, #tpu.memory_space<hbm>>) target_semaphore(%run_scoped3A : memref<!tpu.dma_semaphore, #tpu.memory_space<semaphore_mem>>)
      %dma_wait3A = arith.constant 0 : i32
      %dma_wait3A_62 = arith.constant 0 : i32
      %dma_wait3A_63 = tpu.memref_slice %arg9[%dma_wait3A, %dma_wait3A_62] : memref<128x128xf32, #tpu.memory_space<vmem>> -> memref<128x128xf32, #tpu.memory_space<vmem>>
      %dma_wait3A_64 = arith.constant 0 : i32
      %dma_wait3A_65 = tpu.memref_slice %arg6[%arg0, %add3A_34, %dma_wait3A_64] : memref<2x10240x128xf32, #tpu.memory_space<hbm>> -> memref<1x128x128xf32, #tpu.memory_space<hbm>>
      %dma_wait3A_66 = tpu.memref_squeeze %dma_wait3A_65 : memref<1x128x128xf32, #tpu.memory_space<hbm>> -> memref<128x128xf32, #tpu.memory_space<hbm>>
      %dma_wait3A_67 = arith.constant 0 : i32
      %dma_wait3A_68 = tpu.memref_slice %arg6[%arg0, %add3A_34, %dma_wait3A_67] : memref<2x10240x128xf32, #tpu.memory_space<hbm>> -> memref<1x128x128xf32, #tpu.memory_space<hbm>>
      %dma_wait3A_69 = tpu.memref_squeeze %dma_wait3A_68 : memref<1x128x128xf32, #tpu.memory_space<hbm>> -> memref<128x128xf32, #tpu.memory_space<hbm>>
      %dma_wait3A_70 = arith.constant 0 : i32
      %dma_wait3A_71 = arith.constant 0 : i32
      %dma_wait3A_72 = tpu.memref_slice %arg9[%dma_wait3A_70, %dma_wait3A_71] : memref<128x128xf32, #tpu.memory_space<vmem>> -> memref<128x128xf32, #tpu.memory_space<vmem>>
      tpu.wait_dma2 semaphore(%run_scoped3A : memref<!tpu.dma_semaphore, #tpu.memory_space<semaphore_mem>>) src(%dma_wait3A_72 : memref<128x128xf32, #tpu.memory_space<vmem>>) dst(%dma_wait3A_69 : memref<128x128xf32, #tpu.memory_space<hbm>>)
      tpu.yield
    }) : () -> ()
    %add3A_35 = arith.constant 128 : i32
    %add3A_36 = arith.addi %mul3A_0, %add3A_35 : i32
    "tpu.region"() ({
      %run_scoped3A = tpu.sem_alloc : memref<!tpu.dma_semaphore, #tpu.memory_space<semaphore_mem>>
      %dma_start3A = arith.constant 0 : i32
      %dma_start3A_51 = arith.constant 0 : i32
      %dma_start3A_52 = tpu.memref_slice %arg9[%dma_start3A, %dma_start3A_51] : memref<128x128xf32, #tpu.memory_space<vmem>> -> memref<128x128xf32, #tpu.memory_space<vmem>>
      %dma_start3A_53 = arith.constant 0 : i32
      %dma_start3A_54 = tpu.memref_slice %arg10[%add3A_36, %dma_start3A_53] : memref<10240x128xf32, #tpu.memory_space<vmem_shared>> -> memref<128x128xf32, #tpu.memory_space<vmem_shared>>
      %dma_start3A_55 = arith.constant 0 : i32
      %dma_start3A_56 = arith.constant 0 : i32
      %dma_start3A_57 = tpu.memref_slice %arg9[%dma_start3A_55, %dma_start3A_56] : memref<128x128xf32, #tpu.memory_space<vmem>> -> memref<128x128xf32, #tpu.memory_space<vmem>>
      %dma_start3A_58 = arith.constant 0 : i32
      %dma_start3A_59 = tpu.memref_slice %arg10[%add3A_36, %dma_start3A_58] : memref<10240x128xf32, #tpu.memory_space<vmem_shared>> -> memref<128x128xf32, #tpu.memory_space<vmem_shared>>
      tpu.enqueue_dma source(%dma_start3A_59 : memref<128x128xf32, #tpu.memory_space<vmem_shared>>) target(%dma_start3A_57 : memref<128x128xf32, #tpu.memory_space<vmem>>) target_semaphore(%run_scoped3A : memref<!tpu.dma_semaphore, #tpu.memory_space<semaphore_mem>>)
      %dma_wait3A = arith.constant 0 : i32
      %dma_wait3A_60 = arith.constant 0 : i32
      %dma_wait3A_61 = tpu.memref_slice %arg9[%dma_wait3A, %dma_wait3A_60] : memref<128x128xf32, #tpu.memory_space<vmem>> -> memref<128x128xf32, #tpu.memory_space<vmem>>
      %dma_wait3A_62 = arith.constant 0 : i32
      %dma_wait3A_63 = tpu.memref_slice %arg10[%add3A_36, %dma_wait3A_62] : memref<10240x128xf32, #tpu.memory_space<vmem_shared>> -> memref<128x128xf32, #tpu.memory_space<vmem_shared>>
      %dma_wait3A_64 = arith.constant 0 : i32
      %dma_wait3A_65 = arith.constant 0 : i32
      %dma_wait3A_66 = tpu.memref_slice %arg9[%dma_wait3A_64, %dma_wait3A_65] : memref<128x128xf32, #tpu.memory_space<vmem>> -> memref<128x128xf32, #tpu.memory_space<vmem>>
      %dma_wait3A_67 = arith.constant 0 : i32
      %dma_wait3A_68 = tpu.memref_slice %arg10[%add3A_36, %dma_wait3A_67] : memref<10240x128xf32, #tpu.memory_space<vmem_shared>> -> memref<128x128xf32, #tpu.memory_space<vmem_shared>>
      tpu.wait_dma2 semaphore(%run_scoped3A : memref<!tpu.dma_semaphore, #tpu.memory_space<semaphore_mem>>) src(%dma_wait3A_68 : memref<128x128xf32, #tpu.memory_space<vmem_shared>>) dst(%dma_wait3A_66 : memref<128x128xf32, #tpu.memory_space<vmem>>)
      tpu.yield
    }) : () -> ()
    %add3A_37 = arith.constant 128 : i32
    %add3A_38 = arith.addi %mul3A_0, %add3A_37 : i32
    "tpu.region"() ({
      %run_scoped3A = tpu.sem_alloc : memref<!tpu.dma_semaphore, #tpu.memory_space<semaphore_mem>>
      %dma_start3A = arith.constant 0 : i32
      %dma_start3A_51 = arith.constant 0 : i32
      %dma_start3A_52 = tpu.memref_slice %arg9[%dma_start3A, %dma_start3A_51] : memref<128x128xf32, #tpu.memory_space<vmem>> -> memref<128x128xf32, #tpu.memory_space<vmem>>
      %dma_start3A_53 = arith.constant 0 : i32
      %dma_start3A_54 = tpu.memref_slice %arg6[%arg0, %add3A_38, %dma_start3A_53] : memref<2x10240x128xf32, #tpu.memory_space<hbm>> -> memref<1x128x128xf32, #tpu.memory_space<hbm>>
      %dma_start3A_55 = tpu.memref_squeeze %dma_start3A_54 : memref<1x128x128xf32, #tpu.memory_space<hbm>> -> memref<128x128xf32, #tpu.memory_space<hbm>>
      %dma_start3A_56 = arith.constant 0 : i32
      %dma_start3A_57 = tpu.memref_slice %arg6[%arg0, %add3A_38, %dma_start3A_56] : memref<2x10240x128xf32, #tpu.memory_space<hbm>> -> memref<1x128x128xf32, #tpu.memory_space<hbm>>
      %dma_start3A_58 = tpu.memref_squeeze %dma_start3A_57 : memref<1x128x128xf32, #tpu.memory_space<hbm>> -> memref<128x128xf32, #tpu.memory_space<hbm>>
      %dma_start3A_59 = arith.constant 0 : i32
      %dma_start3A_60 = arith.constant 0 : i32
      %dma_start3A_61 = tpu.memref_slice %arg9[%dma_start3A_59, %dma_start3A_60] : memref<128x128xf32, #tpu.memory_space<vmem>> -> memref<128x128xf32, #tpu.memory_space<vmem>>
      tpu.enqueue_dma source(%dma_start3A_61 : memref<128x128xf32, #tpu.memory_space<vmem>>) target(%dma_start3A_58 : memref<128x128xf32, #tpu.memory_space<hbm>>) target_semaphore(%run_scoped3A : memref<!tpu.dma_semaphore, #tpu.memory_space<semaphore_mem>>)
      %dma_wait3A = arith.constant 0 : i32
      %dma_wait3A_62 = arith.constant 0 : i32
      %dma_wait3A_63 = tpu.memref_slice %arg9[%dma_wait3A, %dma_wait3A_62] : memref<128x128xf32, #tpu.memory_space<vmem>> -> memref<128x128xf32, #tpu.memory_space<vmem>>
      %dma_wait3A_64 = arith.constant 0 : i32
      %dma_wait3A_65 = tpu.memref_slice %arg6[%arg0, %add3A_38, %dma_wait3A_64] : memref<2x10240x128xf32, #tpu.memory_space<hbm>> -> memref<1x128x128xf32, #tpu.memory_space<hbm>>
      %dma_wait3A_66 = tpu.memref_squeeze %dma_wait3A_65 : memref<1x128x128xf32, #tpu.memory_space<hbm>> -> memref<128x128xf32, #tpu.memory_space<hbm>>
      %dma_wait3A_67 = arith.constant 0 : i32
      %dma_wait3A_68 = tpu.memref_slice %arg6[%arg0, %add3A_38, %dma_wait3A_67] : memref<2x10240x128xf32, #tpu.memory_space<hbm>> -> memref<1x128x128xf32, #tpu.memory_space<hbm>>
      %dma_wait3A_69 = tpu.memref_squeeze %dma_wait3A_68 : memref<1x128x128xf32, #tpu.memory_space<hbm>> -> memref<128x128xf32, #tpu.memory_space<hbm>>
      %dma_wait3A_70 = arith.constant 0 : i32
      %dma_wait3A_71 = arith.constant 0 : i32
      %dma_wait3A_72 = tpu.memref_slice %arg9[%dma_wait3A_70, %dma_wait3A_71] : memref<128x128xf32, #tpu.memory_space<vmem>> -> memref<128x128xf32, #tpu.memory_space<vmem>>
      tpu.wait_dma2 semaphore(%run_scoped3A : memref<!tpu.dma_semaphore, #tpu.memory_space<semaphore_mem>>) src(%dma_wait3A_72 : memref<128x128xf32, #tpu.memory_space<vmem>>) dst(%dma_wait3A_69 : memref<128x128xf32, #tpu.memory_space<hbm>>)
      tpu.yield
    }) : () -> ()
    %add3A_39 = arith.constant 256 : i32
    %add3A_40 = arith.addi %mul3A_0, %add3A_39 : i32
    "tpu.region"() ({
      %run_scoped3A = tpu.sem_alloc : memref<!tpu.dma_semaphore, #tpu.memory_space<semaphore_mem>>
      %dma_start3A = arith.constant 0 : i32
      %dma_start3A_51 = arith.constant 0 : i32
      %dma_start3A_52 = tpu.memref_slice %arg9[%dma_start3A, %dma_start3A_51] : memref<128x128xf32, #tpu.memory_space<vmem>> -> memref<128x128xf32, #tpu.memory_space<vmem>>
      %dma_start3A_53 = arith.constant 0 : i32
      %dma_start3A_54 = tpu.memref_slice %arg10[%add3A_40, %dma_start3A_53] : memref<10240x128xf32, #tpu.memory_space<vmem_shared>> -> memref<128x128xf32, #tpu.memory_space<vmem_shared>>
      %dma_start3A_55 = arith.constant 0 : i32
      %dma_start3A_56 = arith.constant 0 : i32
      %dma_start3A_57 = tpu.memref_slice %arg9[%dma_start3A_55, %dma_start3A_56] : memref<128x128xf32, #tpu.memory_space<vmem>> -> memref<128x128xf32, #tpu.memory_space<vmem>>
      %dma_start3A_58 = arith.constant 0 : i32
      %dma_start3A_59 = tpu.memref_slice %arg10[%add3A_40, %dma_start3A_58] : memref<10240x128xf32, #tpu.memory_space<vmem_shared>> -> memref<128x128xf32, #tpu.memory_space<vmem_shared>>
      tpu.enqueue_dma source(%dma_start3A_59 : memref<128x128xf32, #tpu.memory_space<vmem_shared>>) target(%dma_start3A_57 : memref<128x128xf32, #tpu.memory_space<vmem>>) target_semaphore(%run_scoped3A : memref<!tpu.dma_semaphore, #tpu.memory_space<semaphore_mem>>)
      %dma_wait3A = arith.constant 0 : i32
      %dma_wait3A_60 = arith.constant 0 : i32
      %dma_wait3A_61 = tpu.memref_slice %arg9[%dma_wait3A, %dma_wait3A_60] : memref<128x128xf32, #tpu.memory_space<vmem>> -> memref<128x128xf32, #tpu.memory_space<vmem>>
      %dma_wait3A_62 = arith.constant 0 : i32
      %dma_wait3A_63 = tpu.memref_slice %arg10[%add3A_40, %dma_wait3A_62] : memref<10240x128xf32, #tpu.memory_space<vmem_shared>> -> memref<128x128xf32, #tpu.memory_space<vmem_shared>>
      %dma_wait3A_64 = arith.constant 0 : i32
      %dma_wait3A_65 = arith.constant 0 : i32
      %dma_wait3A_66 = tpu.memref_slice %arg9[%dma_wait3A_64, %dma_wait3A_65] : memref<128x128xf32, #tpu.memory_space<vmem>> -> memref<128x128xf32, #tpu.memory_space<vmem>>
      %dma_wait3A_67 = arith.constant 0 : i32
      %dma_wait3A_68 = tpu.memref_slice %arg10[%add3A_40, %dma_wait3A_67] : memref<10240x128xf32, #tpu.memory_space<vmem_shared>> -> memref<128x128xf32, #tpu.memory_space<vmem_shared>>
      tpu.wait_dma2 semaphore(%run_scoped3A : memref<!tpu.dma_semaphore, #tpu.memory_space<semaphore_mem>>) src(%dma_wait3A_68 : memref<128x128xf32, #tpu.memory_space<vmem_shared>>) dst(%dma_wait3A_66 : memref<128x128xf32, #tpu.memory_space<vmem>>)
      tpu.yield
    }) : () -> ()
    %add3A_41 = arith.constant 256 : i32
    %add3A_42 = arith.addi %mul3A_0, %add3A_41 : i32
    "tpu.region"() ({
      %run_scoped3A = tpu.sem_alloc : memref<!tpu.dma_semaphore, #tpu.memory_space<semaphore_mem>>
      %dma_start3A = arith.constant 0 : i32
      %dma_start3A_51 = arith.constant 0 : i32
      %dma_start3A_52 = tpu.memref_slice %arg9[%dma_start3A, %dma_start3A_51] : memref<128x128xf32, #tpu.memory_space<vmem>> -> memref<128x128xf32, #tpu.memory_space<vmem>>
      %dma_start3A_53 = arith.constant 0 : i32
      %dma_start3A_54 = tpu.memref_slice %arg6[%arg0, %add3A_42, %dma_start3A_53] : memref<2x10240x128xf32, #tpu.memory_space<hbm>> -> memref<1x128x128xf32, #tpu.memory_space<hbm>>
      %dma_start3A_55 = tpu.memref_squeeze %dma_start3A_54 : memref<1x128x128xf32, #tpu.memory_space<hbm>> -> memref<128x128xf32, #tpu.memory_space<hbm>>
      %dma_start3A_56 = arith.constant 0 : i32
      %dma_start3A_57 = tpu.memref_slice %arg6[%arg0, %add3A_42, %dma_start3A_56] : memref<2x10240x128xf32, #tpu.memory_space<hbm>> -> memref<1x128x128xf32, #tpu.memory_space<hbm>>
      %dma_start3A_58 = tpu.memref_squeeze %dma_start3A_57 : memref<1x128x128xf32, #tpu.memory_space<hbm>> -> memref<128x128xf32, #tpu.memory_space<hbm>>
      %dma_start3A_59 = arith.constant 0 : i32
      %dma_start3A_60 = arith.constant 0 : i32
      %dma_start3A_61 = tpu.memref_slice %arg9[%dma_start3A_59, %dma_start3A_60] : memref<128x128xf32, #tpu.memory_space<vmem>> -> memref<128x128xf32, #tpu.memory_space<vmem>>
      tpu.enqueue_dma source(%dma_start3A_61 : memref<128x128xf32, #tpu.memory_space<vmem>>) target(%dma_start3A_58 : memref<128x128xf32, #tpu.memory_space<hbm>>) target_semaphore(%run_scoped3A : memref<!tpu.dma_semaphore, #tpu.memory_space<semaphore_mem>>)
      %dma_wait3A = arith.constant 0 : i32
      %dma_wait3A_62 = arith.constant 0 : i32
      %dma_wait3A_63 = tpu.memref_slice %arg9[%dma_wait3A, %dma_wait3A_62] : memref<128x128xf32, #tpu.memory_space<vmem>> -> memref<128x128xf32, #tpu.memory_space<vmem>>
      %dma_wait3A_64 = arith.constant 0 : i32
      %dma_wait3A_65 = tpu.memref_slice %arg6[%arg0, %add3A_42, %dma_wait3A_64] : memref<2x10240x128xf32, #tpu.memory_space<hbm>> -> memref<1x128x128xf32, #tpu.memory_space<hbm>>
      %dma_wait3A_66 = tpu.memref_squeeze %dma_wait3A_65 : memref<1x128x128xf32, #tpu.memory_space<hbm>> -> memref<128x128xf32, #tpu.memory_space<hbm>>
      %dma_wait3A_67 = arith.constant 0 : i32
      %dma_wait3A_68 = tpu.memref_slice %arg6[%arg0, %add3A_42, %dma_wait3A_67] : memref<2x10240x128xf32, #tpu.memory_space<hbm>> -> memref<1x128x128xf32, #tpu.memory_space<hbm>>
      %dma_wait3A_69 = tpu.memref_squeeze %dma_wait3A_68 : memref<1x128x128xf32, #tpu.memory_space<hbm>> -> memref<128x128xf32, #tpu.memory_space<hbm>>
      %dma_wait3A_70 = arith.constant 0 : i32
      %dma_wait3A_71 = arith.constant 0 : i32
      %dma_wait3A_72 = tpu.memref_slice %arg9[%dma_wait3A_70, %dma_wait3A_71] : memref<128x128xf32, #tpu.memory_space<vmem>> -> memref<128x128xf32, #tpu.memory_space<vmem>>
      tpu.wait_dma2 semaphore(%run_scoped3A : memref<!tpu.dma_semaphore, #tpu.memory_space<semaphore_mem>>) src(%dma_wait3A_72 : memref<128x128xf32, #tpu.memory_space<vmem>>) dst(%dma_wait3A_69 : memref<128x128xf32, #tpu.memory_space<hbm>>)
      tpu.yield
    }) : () -> ()
    %add3A_43 = arith.constant 384 : i32
    %add3A_44 = arith.addi %mul3A_0, %add3A_43 : i32
    "tpu.region"() ({
      %run_scoped3A = tpu.sem_alloc : memref<!tpu.dma_semaphore, #tpu.memory_space<semaphore_mem>>
      %dma_start3A = arith.constant 0 : i32
      %dma_start3A_51 = arith.constant 0 : i32
      %dma_start3A_52 = tpu.memref_slice %arg9[%dma_start3A, %dma_start3A_51] : memref<128x128xf32, #tpu.memory_space<vmem>> -> memref<128x128xf32, #tpu.memory_space<vmem>>
      %dma_start3A_53 = arith.constant 0 : i32
      %dma_start3A_54 = tpu.memref_slice %arg10[%add3A_44, %dma_start3A_53] : memref<10240x128xf32, #tpu.memory_space<vmem_shared>> -> memref<128x128xf32, #tpu.memory_space<vmem_shared>>
      %dma_start3A_55 = arith.constant 0 : i32
      %dma_start3A_56 = arith.constant 0 : i32
      %dma_start3A_57 = tpu.memref_slice %arg9[%dma_start3A_55, %dma_start3A_56] : memref<128x128xf32, #tpu.memory_space<vmem>> -> memref<128x128xf32, #tpu.memory_space<vmem>>
      %dma_start3A_58 = arith.constant 0 : i32
      %dma_start3A_59 = tpu.memref_slice %arg10[%add3A_44, %dma_start3A_58] : memref<10240x128xf32, #tpu.memory_space<vmem_shared>> -> memref<128x128xf32, #tpu.memory_space<vmem_shared>>
      tpu.enqueue_dma source(%dma_start3A_59 : memref<128x128xf32, #tpu.memory_space<vmem_shared>>) target(%dma_start3A_57 : memref<128x128xf32, #tpu.memory_space<vmem>>) target_semaphore(%run_scoped3A : memref<!tpu.dma_semaphore, #tpu.memory_space<semaphore_mem>>)
      %dma_wait3A = arith.constant 0 : i32
      %dma_wait3A_60 = arith.constant 0 : i32
      %dma_wait3A_61 = tpu.memref_slice %arg9[%dma_wait3A, %dma_wait3A_60] : memref<128x128xf32, #tpu.memory_space<vmem>> -> memref<128x128xf32, #tpu.memory_space<vmem>>
      %dma_wait3A_62 = arith.constant 0 : i32
      %dma_wait3A_63 = tpu.memref_slice %arg10[%add3A_44, %dma_wait3A_62] : memref<10240x128xf32, #tpu.memory_space<vmem_shared>> -> memref<128x128xf32, #tpu.memory_space<vmem_shared>>
      %dma_wait3A_64 = arith.constant 0 : i32
      %dma_wait3A_65 = arith.constant 0 : i32
      %dma_wait3A_66 = tpu.memref_slice %arg9[%dma_wait3A_64, %dma_wait3A_65] : memref<128x128xf32, #tpu.memory_space<vmem>> -> memref<128x128xf32, #tpu.memory_space<vmem>>
      %dma_wait3A_67 = arith.constant 0 : i32
      %dma_wait3A_68 = tpu.memref_slice %arg10[%add3A_44, %dma_wait3A_67] : memref<10240x128xf32, #tpu.memory_space<vmem_shared>> -> memref<128x128xf32, #tpu.memory_space<vmem_shared>>
      tpu.wait_dma2 semaphore(%run_scoped3A : memref<!tpu.dma_semaphore, #tpu.memory_space<semaphore_mem>>) src(%dma_wait3A_68 : memref<128x128xf32, #tpu.memory_space<vmem_shared>>) dst(%dma_wait3A_66 : memref<128x128xf32, #tpu.memory_space<vmem>>)
      tpu.yield
    }) : () -> ()
    %add3A_45 = arith.constant 384 : i32
    %add3A_46 = arith.addi %mul3A_0, %add3A_45 : i32
    "tpu.region"() ({
      %run_scoped3A = tpu.sem_alloc : memref<!tpu.dma_semaphore, #tpu.memory_space<semaphore_mem>>
      %dma_start3A = arith.constant 0 : i32
      %dma_start3A_51 = arith.constant 0 : i32
      %dma_start3A_52 = tpu.memref_slice %arg9[%dma_start3A, %dma_start3A_51] : memref<128x128xf32, #tpu.memory_space<vmem>> -> memref<128x128xf32, #tpu.memory_space<vmem>>
      %dma_start3A_53 = arith.constant 0 : i32
      %dma_start3A_54 = tpu.memref_slice %arg6[%arg0, %add3A_46, %dma_start3A_53] : memref<2x10240x128xf32, #tpu.memory_space<hbm>> -> memref<1x128x128xf32, #tpu.memory_space<hbm>>
      %dma_start3A_55 = tpu.memref_squeeze %dma_start3A_54 : memref<1x128x128xf32, #tpu.memory_space<hbm>> -> memref<128x128xf32, #tpu.memory_space<hbm>>
      %dma_start3A_56 = arith.constant 0 : i32
      %dma_start3A_57 = tpu.memref_slice %arg6[%arg0, %add3A_46, %dma_start3A_56] : memref<2x10240x128xf32, #tpu.memory_space<hbm>> -> memref<1x128x128xf32, #tpu.memory_space<hbm>>
      %dma_start3A_58 = tpu.memref_squeeze %dma_start3A_57 : memref<1x128x128xf32, #tpu.memory_space<hbm>> -> memref<128x128xf32, #tpu.memory_space<hbm>>
      %dma_start3A_59 = arith.constant 0 : i32
      %dma_start3A_60 = arith.constant 0 : i32
      %dma_start3A_61 = tpu.memref_slice %arg9[%dma_start3A_59, %dma_start3A_60] : memref<128x128xf32, #tpu.memory_space<vmem>> -> memref<128x128xf32, #tpu.memory_space<vmem>>
      tpu.enqueue_dma source(%dma_start3A_61 : memref<128x128xf32, #tpu.memory_space<vmem>>) target(%dma_start3A_58 : memref<128x128xf32, #tpu.memory_space<hbm>>) target_semaphore(%run_scoped3A : memref<!tpu.dma_semaphore, #tpu.memory_space<semaphore_mem>>)
      %dma_wait3A = arith.constant 0 : i32
      %dma_wait3A_62 = arith.constant 0 : i32
      %dma_wait3A_63 = tpu.memref_slice %arg9[%dma_wait3A, %dma_wait3A_62] : memref<128x128xf32, #tpu.memory_space<vmem>> -> memref<128x128xf32, #tpu.memory_space<vmem>>
      %dma_wait3A_64 = arith.constant 0 : i32
      %dma_wait3A_65 = tpu.memref_slice %arg6[%arg0, %add3A_46, %dma_wait3A_64] : memref<2x10240x128xf32, #tpu.memory_space<hbm>> -> memref<1x128x128xf32, #tpu.memory_space<hbm>>
      %dma_wait3A_66 = tpu.memref_squeeze %dma_wait3A_65 : memref<1x128x128xf32, #tpu.memory_space<hbm>> -> memref<128x128xf32, #tpu.memory_space<hbm>>
      %dma_wait3A_67 = arith.constant 0 : i32
      %dma_wait3A_68 = tpu.memref_slice %arg6[%arg0, %add3A_46, %dma_wait3A_67] : memref<2x10240x128xf32, #tpu.memory_space<hbm>> -> memref<1x128x128xf32, #tpu.memory_space<hbm>>
      %dma_wait3A_69 = tpu.memref_squeeze %dma_wait3A_68 : memref<1x128x128xf32, #tpu.memory_space<hbm>> -> memref<128x128xf32, #tpu.memory_space<hbm>>
      %dma_wait3A_70 = arith.constant 0 : i32
      %dma_wait3A_71 = arith.constant 0 : i32
      %dma_wait3A_72 = tpu.memref_slice %arg9[%dma_wait3A_70, %dma_wait3A_71] : memref<128x128xf32, #tpu.memory_space<vmem>> -> memref<128x128xf32, #tpu.memory_space<vmem>>
      tpu.wait_dma2 semaphore(%run_scoped3A : memref<!tpu.dma_semaphore, #tpu.memory_space<semaphore_mem>>) src(%dma_wait3A_72 : memref<128x128xf32, #tpu.memory_space<vmem>>) dst(%dma_wait3A_69 : memref<128x128xf32, #tpu.memory_space<hbm>>)
      tpu.yield
    }) : () -> ()
    %add3A_47 = arith.constant 512 : i32
    %add3A_48 = arith.addi %mul3A_0, %add3A_47 : i32
    "tpu.region"() ({
      %run_scoped3A = tpu.sem_alloc : memref<!tpu.dma_semaphore, #tpu.memory_space<semaphore_mem>>
      %dma_start3A = arith.constant 0 : i32
      %dma_start3A_51 = arith.constant 0 : i32
      %dma_start3A_52 = tpu.memref_slice %arg9[%dma_start3A, %dma_start3A_51] : memref<128x128xf32, #tpu.memory_space<vmem>> -> memref<128x128xf32, #tpu.memory_space<vmem>>
      %dma_start3A_53 = arith.constant 0 : i32
      %dma_start3A_54 = tpu.memref_slice %arg10[%add3A_48, %dma_start3A_53] : memref<10240x128xf32, #tpu.memory_space<vmem_shared>> -> memref<128x128xf32, #tpu.memory_space<vmem_shared>>
      %dma_start3A_55 = arith.constant 0 : i32
      %dma_start3A_56 = arith.constant 0 : i32
      %dma_start3A_57 = tpu.memref_slice %arg9[%dma_start3A_55, %dma_start3A_56] : memref<128x128xf32, #tpu.memory_space<vmem>> -> memref<128x128xf32, #tpu.memory_space<vmem>>
      %dma_start3A_58 = arith.constant 0 : i32
      %dma_start3A_59 = tpu.memref_slice %arg10[%add3A_48, %dma_start3A_58] : memref<10240x128xf32, #tpu.memory_space<vmem_shared>> -> memref<128x128xf32, #tpu.memory_space<vmem_shared>>
      tpu.enqueue_dma source(%dma_start3A_59 : memref<128x128xf32, #tpu.memory_space<vmem_shared>>) target(%dma_start3A_57 : memref<128x128xf32, #tpu.memory_space<vmem>>) target_semaphore(%run_scoped3A : memref<!tpu.dma_semaphore, #tpu.memory_space<semaphore_mem>>)
      %dma_wait3A = arith.constant 0 : i32
      %dma_wait3A_60 = arith.constant 0 : i32
      %dma_wait3A_61 = tpu.memref_slice %arg9[%dma_wait3A, %dma_wait3A_60] : memref<128x128xf32, #tpu.memory_space<vmem>> -> memref<128x128xf32, #tpu.memory_space<vmem>>
      %dma_wait3A_62 = arith.constant 0 : i32
      %dma_wait3A_63 = tpu.memref_slice %arg10[%add3A_48, %dma_wait3A_62] : memref<10240x128xf32, #tpu.memory_space<vmem_shared>> -> memref<128x128xf32, #tpu.memory_space<vmem_shared>>
      %dma_wait3A_64 = arith.constant 0 : i32
      %dma_wait3A_65 = arith.constant 0 : i32
      %dma_wait3A_66 = tpu.memref_slice %arg9[%dma_wait3A_64, %dma_wait3A_65] : memref<128x128xf32, #tpu.memory_space<vmem>> -> memref<128x128xf32, #tpu.memory_space<vmem>>
      %dma_wait3A_67 = arith.constant 0 : i32
      %dma_wait3A_68 = tpu.memref_slice %arg10[%add3A_48, %dma_wait3A_67] : memref<10240x128xf32, #tpu.memory_space<vmem_shared>> -> memref<128x128xf32, #tpu.memory_space<vmem_shared>>
      tpu.wait_dma2 semaphore(%run_scoped3A : memref<!tpu.dma_semaphore, #tpu.memory_space<semaphore_mem>>) src(%dma_wait3A_68 : memref<128x128xf32, #tpu.memory_space<vmem_shared>>) dst(%dma_wait3A_66 : memref<128x128xf32, #tpu.memory_space<vmem>>)
      tpu.yield
    }) : () -> ()
    %add3A_49 = arith.constant 512 : i32
    %add3A_50 = arith.addi %mul3A_0, %add3A_49 : i32
    "tpu.region"() ({
      %run_scoped3A = tpu.sem_alloc : memref<!tpu.dma_semaphore, #tpu.memory_space<semaphore_mem>>
      %dma_start3A = arith.constant 0 : i32
      %dma_start3A_51 = arith.constant 0 : i32
      %dma_start3A_52 = tpu.memref_slice %arg9[%dma_start3A, %dma_start3A_51] : memref<128x128xf32, #tpu.memory_space<vmem>> -> memref<128x128xf32, #tpu.memory_space<vmem>>
      %dma_start3A_53 = arith.constant 0 : i32
      %dma_start3A_54 = tpu.memref_slice %arg6[%arg0, %add3A_50, %dma_start3A_53] : memref<2x10240x128xf32, #tpu.memory_space<hbm>> -> memref<1x128x128xf32, #tpu.memory_space<hbm>>
      %dma_start3A_55 = tpu.memref_squeeze %dma_start3A_54 : memref<1x128x128xf32, #tpu.memory_space<hbm>> -> memref<128x128xf32, #tpu.memory_space<hbm>>
      %dma_start3A_56 = arith.constant 0 : i32
      %dma_start3A_57 = tpu.memref_slice %arg6[%arg0, %add3A_50, %dma_start3A_56] : memref<2x10240x128xf32, #tpu.memory_space<hbm>> -> memref<1x128x128xf32, #tpu.memory_space<hbm>>
      %dma_start3A_58 = tpu.memref_squeeze %dma_start3A_57 : memref<1x128x128xf32, #tpu.memory_space<hbm>> -> memref<128x128xf32, #tpu.memory_space<hbm>>
      %dma_start3A_59 = arith.constant 0 : i32
      %dma_start3A_60 = arith.constant 0 : i32
      %dma_start3A_61 = tpu.memref_slice %arg9[%dma_start3A_59, %dma_start3A_60] : memref<128x128xf32, #tpu.memory_space<vmem>> -> memref<128x128xf32, #tpu.memory_space<vmem>>
      tpu.enqueue_dma source(%dma_start3A_61 : memref<128x128xf32, #tpu.memory_space<vmem>>) target(%dma_start3A_58 : memref<128x128xf32, #tpu.memory_space<hbm>>) target_semaphore(%run_scoped3A : memref<!tpu.dma_semaphore, #tpu.memory_space<semaphore_mem>>)
      %dma_wait3A = arith.constant 0 : i32
      %dma_wait3A_62 = arith.constant 0 : i32
      %dma_wait3A_63 = tpu.memref_slice %arg9[%dma_wait3A, %dma_wait3A_62] : memref<128x128xf32, #tpu.memory_space<vmem>> -> memref<128x128xf32, #tpu.memory_space<vmem>>
      %dma_wait3A_64 = arith.constant 0 : i32
      %dma_wait3A_65 = tpu.memref_slice %arg6[%arg0, %add3A_50, %dma_wait3A_64] : memref<2x10240x128xf32, #tpu.memory_space<hbm>> -> memref<1x128x128xf32, #tpu.memory_space<hbm>>
      %dma_wait3A_66 = tpu.memref_squeeze %dma_wait3A_65 : memref<1x128x128xf32, #tpu.memory_space<hbm>> -> memref<128x128xf32, #tpu.memory_space<hbm>>
      %dma_wait3A_67 = arith.constant 0 : i32
      %dma_wait3A_68 = tpu.memref_slice %arg6[%arg0, %add3A_50, %dma_wait3A_67] : memref<2x10240x128xf32, #tpu.memory_space<hbm>> -> memref<1x128x128xf32, #tpu.memory_space<hbm>>
      %dma_wait3A_69 = tpu.memref_squeeze %dma_wait3A_68 : memref<1x128x128xf32, #tpu.memory_space<hbm>> -> memref<128x128xf32, #tpu.memory_space<hbm>>
      %dma_wait3A_70 = arith.constant 0 : i32
      %dma_wait3A_71 = arith.constant 0 : i32
      %dma_wait3A_72 = tpu.memref_slice %arg9[%dma_wait3A_70, %dma_wait3A_71] : memref<128x128xf32, #tpu.memory_space<vmem>> -> memref<128x128xf32, #tpu.memory_space<vmem>>
      tpu.wait_dma2 semaphore(%run_scoped3A : memref<!tpu.dma_semaphore, #tpu.memory_space<semaphore_mem>>) src(%dma_wait3A_72 : memref<128x128xf32, #tpu.memory_space<vmem>>) dst(%dma_wait3A_69 : memref<128x128xf32, #tpu.memory_space<hbm>>)
      tpu.yield
    }) : () -> ()
    return
  }
}

#map = affine_map<(d0, d1) -> (0, 0, 0)>
#map1 = affine_map<(d0, d1) -> (0, 0)>
module attributes {stable_mosaic.version = 14 : i64} {
  func.func @_cnt_body(%arg0: i32, %arg1: i32, %arg2: memref<32x80x128xi32, #tpu.memory_space<hbm>>, %arg3: memref<128x128xf32, #tpu.memory_space<hbm>>, %arg4: memref<128x128xf32, #tpu.memory_space<hbm>>, %arg5: memref<2x10240x128xf32, #tpu.memory_space<hbm>>, %arg6: memref<128xi32, #tpu.memory_space<vmem>>, %arg7: memref<128x128xf32, #tpu.memory_space<vmem>>, %arg8: memref<10240x128xf32, #tpu.memory_space<vmem_shared>>) attributes {dimension_semantics = [#tpu.dimension_semantics<core_parallel>, #tpu.dimension_semantics<subcore_parallel>], iteration_bounds = array<i64: 2, 16>, scalar_prefetch = 0 : i64, scratch_operands = 3 : i64, tpu.core_type = #tpu.core_type<sc_vector_subcore>, window_params = [{transform_indices = #map}, {transform_indices = #map1}, {transform_indices = #map1}, {transform_indices = #map}]} {
    %mul3A = arith.constant 2 : i32
    %mul3A_0 = arith.muli %arg1, %mul3A : i32
    %add3A = arith.addi %mul3A_0, %arg0 : i32
    %mul3A_1 = arith.constant 640 : i32
    %mul3A_2 = arith.muli %arg1, %mul3A_1 : i32
    "tpu.region"() ({
      %run_scoped3A = tpu.sem_alloc : memref<!tpu.dma_semaphore, #tpu.memory_space<semaphore_mem>>
      %dma_start3A = arith.constant 0 : i32
      %dma_start3A_39 = arith.constant 0 : i32
      %dma_start3A_40 = tpu.memref_slice %arg7[%dma_start3A, %dma_start3A_39] : memref<128x128xf32, #tpu.memory_space<vmem>> -> memref<128x128xf32, #tpu.memory_space<vmem>>
      %dma_start3A_41 = arith.constant 0 : i32
      %dma_start3A_42 = arith.constant 0 : i32
      %dma_start3A_43 = tpu.memref_slice %arg7[%dma_start3A_41, %dma_start3A_42] : memref<128x128xf32, #tpu.memory_space<vmem>> -> memref<128x128xf32, #tpu.memory_space<vmem>>
      tpu.enqueue_dma source(%arg3 : memref<128x128xf32, #tpu.memory_space<hbm>>) target(%dma_start3A_43 : memref<128x128xf32, #tpu.memory_space<vmem>>) target_semaphore(%run_scoped3A : memref<!tpu.dma_semaphore, #tpu.memory_space<semaphore_mem>>)
      %dma_wait3A = arith.constant 0 : i32
      %dma_wait3A_44 = arith.constant 0 : i32
      %dma_wait3A_45 = tpu.memref_slice %arg7[%dma_wait3A, %dma_wait3A_44] : memref<128x128xf32, #tpu.memory_space<vmem>> -> memref<128x128xf32, #tpu.memory_space<vmem>>
      %dma_wait3A_46 = arith.constant 0 : i32
      %dma_wait3A_47 = arith.constant 0 : i32
      %dma_wait3A_48 = tpu.memref_slice %arg7[%dma_wait3A_46, %dma_wait3A_47] : memref<128x128xf32, #tpu.memory_space<vmem>> -> memref<128x128xf32, #tpu.memory_space<vmem>>
      tpu.wait_dma2 semaphore(%run_scoped3A : memref<!tpu.dma_semaphore, #tpu.memory_space<semaphore_mem>>) src(%arg3 : memref<128x128xf32, #tpu.memory_space<hbm>>) dst(%dma_wait3A_48 : memref<128x128xf32, #tpu.memory_space<vmem>>)
      tpu.yield
    }) : () -> ()
    %add3A_3 = arith.constant 0 : i32
    %add3A_4 = arith.addi %mul3A_2, %add3A_3 : i32
    "tpu.region"() ({
      %run_scoped3A = tpu.sem_alloc : memref<!tpu.dma_semaphore, #tpu.memory_space<semaphore_mem>>
      %dma_start3A = arith.constant 0 : i32
      %dma_start3A_39 = arith.constant 0 : i32
      %dma_start3A_40 = tpu.memref_slice %arg7[%dma_start3A, %dma_start3A_39] : memref<128x128xf32, #tpu.memory_space<vmem>> -> memref<128x128xf32, #tpu.memory_space<vmem>>
      %dma_start3A_41 = arith.constant 0 : i32
      %dma_start3A_42 = tpu.memref_slice %arg8[%add3A_4, %dma_start3A_41] : memref<10240x128xf32, #tpu.memory_space<vmem_shared>> -> memref<128x128xf32, #tpu.memory_space<vmem_shared>>
      %dma_start3A_43 = arith.constant 0 : i32
      %dma_start3A_44 = tpu.memref_slice %arg8[%add3A_4, %dma_start3A_43] : memref<10240x128xf32, #tpu.memory_space<vmem_shared>> -> memref<128x128xf32, #tpu.memory_space<vmem_shared>>
      %dma_start3A_45 = arith.constant 0 : i32
      %dma_start3A_46 = arith.constant 0 : i32
      %dma_start3A_47 = tpu.memref_slice %arg7[%dma_start3A_45, %dma_start3A_46] : memref<128x128xf32, #tpu.memory_space<vmem>> -> memref<128x128xf32, #tpu.memory_space<vmem>>
      tpu.enqueue_dma source(%dma_start3A_47 : memref<128x128xf32, #tpu.memory_space<vmem>>) target(%dma_start3A_44 : memref<128x128xf32, #tpu.memory_space<vmem_shared>>) target_semaphore(%run_scoped3A : memref<!tpu.dma_semaphore, #tpu.memory_space<semaphore_mem>>)
      %dma_wait3A = arith.constant 0 : i32
      %dma_wait3A_48 = arith.constant 0 : i32
      %dma_wait3A_49 = tpu.memref_slice %arg7[%dma_wait3A, %dma_wait3A_48] : memref<128x128xf32, #tpu.memory_space<vmem>> -> memref<128x128xf32, #tpu.memory_space<vmem>>
      %dma_wait3A_50 = arith.constant 0 : i32
      %dma_wait3A_51 = tpu.memref_slice %arg8[%add3A_4, %dma_wait3A_50] : memref<10240x128xf32, #tpu.memory_space<vmem_shared>> -> memref<128x128xf32, #tpu.memory_space<vmem_shared>>
      %dma_wait3A_52 = arith.constant 0 : i32
      %dma_wait3A_53 = tpu.memref_slice %arg8[%add3A_4, %dma_wait3A_52] : memref<10240x128xf32, #tpu.memory_space<vmem_shared>> -> memref<128x128xf32, #tpu.memory_space<vmem_shared>>
      %dma_wait3A_54 = arith.constant 0 : i32
      %dma_wait3A_55 = arith.constant 0 : i32
      %dma_wait3A_56 = tpu.memref_slice %arg7[%dma_wait3A_54, %dma_wait3A_55] : memref<128x128xf32, #tpu.memory_space<vmem>> -> memref<128x128xf32, #tpu.memory_space<vmem>>
      tpu.wait_dma2 semaphore(%run_scoped3A : memref<!tpu.dma_semaphore, #tpu.memory_space<semaphore_mem>>) src(%dma_wait3A_56 : memref<128x128xf32, #tpu.memory_space<vmem>>) dst(%dma_wait3A_53 : memref<128x128xf32, #tpu.memory_space<vmem_shared>>)
      tpu.yield
    }) : () -> ()
    %add3A_5 = arith.constant 128 : i32
    %add3A_6 = arith.addi %mul3A_2, %add3A_5 : i32
    "tpu.region"() ({
      %run_scoped3A = tpu.sem_alloc : memref<!tpu.dma_semaphore, #tpu.memory_space<semaphore_mem>>
      %dma_start3A = arith.constant 0 : i32
      %dma_start3A_39 = arith.constant 0 : i32
      %dma_start3A_40 = tpu.memref_slice %arg7[%dma_start3A, %dma_start3A_39] : memref<128x128xf32, #tpu.memory_space<vmem>> -> memref<128x128xf32, #tpu.memory_space<vmem>>
      %dma_start3A_41 = arith.constant 0 : i32
      %dma_start3A_42 = tpu.memref_slice %arg8[%add3A_6, %dma_start3A_41] : memref<10240x128xf32, #tpu.memory_space<vmem_shared>> -> memref<128x128xf32, #tpu.memory_space<vmem_shared>>
      %dma_start3A_43 = arith.constant 0 : i32
      %dma_start3A_44 = tpu.memref_slice %arg8[%add3A_6, %dma_start3A_43] : memref<10240x128xf32, #tpu.memory_space<vmem_shared>> -> memref<128x128xf32, #tpu.memory_space<vmem_shared>>
      %dma_start3A_45 = arith.constant 0 : i32
      %dma_start3A_46 = arith.constant 0 : i32
      %dma_start3A_47 = tpu.memref_slice %arg7[%dma_start3A_45, %dma_start3A_46] : memref<128x128xf32, #tpu.memory_space<vmem>> -> memref<128x128xf32, #tpu.memory_space<vmem>>
      tpu.enqueue_dma source(%dma_start3A_47 : memref<128x128xf32, #tpu.memory_space<vmem>>) target(%dma_start3A_44 : memref<128x128xf32, #tpu.memory_space<vmem_shared>>) target_semaphore(%run_scoped3A : memref<!tpu.dma_semaphore, #tpu.memory_space<semaphore_mem>>)
      %dma_wait3A = arith.constant 0 : i32
      %dma_wait3A_48 = arith.constant 0 : i32
      %dma_wait3A_49 = tpu.memref_slice %arg7[%dma_wait3A, %dma_wait3A_48] : memref<128x128xf32, #tpu.memory_space<vmem>> -> memref<128x128xf32, #tpu.memory_space<vmem>>
      %dma_wait3A_50 = arith.constant 0 : i32
      %dma_wait3A_51 = tpu.memref_slice %arg8[%add3A_6, %dma_wait3A_50] : memref<10240x128xf32, #tpu.memory_space<vmem_shared>> -> memref<128x128xf32, #tpu.memory_space<vmem_shared>>
      %dma_wait3A_52 = arith.constant 0 : i32
      %dma_wait3A_53 = tpu.memref_slice %arg8[%add3A_6, %dma_wait3A_52] : memref<10240x128xf32, #tpu.memory_space<vmem_shared>> -> memref<128x128xf32, #tpu.memory_space<vmem_shared>>
      %dma_wait3A_54 = arith.constant 0 : i32
      %dma_wait3A_55 = arith.constant 0 : i32
      %dma_wait3A_56 = tpu.memref_slice %arg7[%dma_wait3A_54, %dma_wait3A_55] : memref<128x128xf32, #tpu.memory_space<vmem>> -> memref<128x128xf32, #tpu.memory_space<vmem>>
      tpu.wait_dma2 semaphore(%run_scoped3A : memref<!tpu.dma_semaphore, #tpu.memory_space<semaphore_mem>>) src(%dma_wait3A_56 : memref<128x128xf32, #tpu.memory_space<vmem>>) dst(%dma_wait3A_53 : memref<128x128xf32, #tpu.memory_space<vmem_shared>>)
      tpu.yield
    }) : () -> ()
    %add3A_7 = arith.constant 256 : i32
    %add3A_8 = arith.addi %mul3A_2, %add3A_7 : i32
    "tpu.region"() ({
      %run_scoped3A = tpu.sem_alloc : memref<!tpu.dma_semaphore, #tpu.memory_space<semaphore_mem>>
      %dma_start3A = arith.constant 0 : i32
      %dma_start3A_39 = arith.constant 0 : i32
      %dma_start3A_40 = tpu.memref_slice %arg7[%dma_start3A, %dma_start3A_39] : memref<128x128xf32, #tpu.memory_space<vmem>> -> memref<128x128xf32, #tpu.memory_space<vmem>>
      %dma_start3A_41 = arith.constant 0 : i32
      %dma_start3A_42 = tpu.memref_slice %arg8[%add3A_8, %dma_start3A_41] : memref<10240x128xf32, #tpu.memory_space<vmem_shared>> -> memref<128x128xf32, #tpu.memory_space<vmem_shared>>
      %dma_start3A_43 = arith.constant 0 : i32
      %dma_start3A_44 = tpu.memref_slice %arg8[%add3A_8, %dma_start3A_43] : memref<10240x128xf32, #tpu.memory_space<vmem_shared>> -> memref<128x128xf32, #tpu.memory_space<vmem_shared>>
      %dma_start3A_45 = arith.constant 0 : i32
      %dma_start3A_46 = arith.constant 0 : i32
      %dma_start3A_47 = tpu.memref_slice %arg7[%dma_start3A_45, %dma_start3A_46] : memref<128x128xf32, #tpu.memory_space<vmem>> -> memref<128x128xf32, #tpu.memory_space<vmem>>
      tpu.enqueue_dma source(%dma_start3A_47 : memref<128x128xf32, #tpu.memory_space<vmem>>) target(%dma_start3A_44 : memref<128x128xf32, #tpu.memory_space<vmem_shared>>) target_semaphore(%run_scoped3A : memref<!tpu.dma_semaphore, #tpu.memory_space<semaphore_mem>>)
      %dma_wait3A = arith.constant 0 : i32
      %dma_wait3A_48 = arith.constant 0 : i32
      %dma_wait3A_49 = tpu.memref_slice %arg7[%dma_wait3A, %dma_wait3A_48] : memref<128x128xf32, #tpu.memory_space<vmem>> -> memref<128x128xf32, #tpu.memory_space<vmem>>
      %dma_wait3A_50 = arith.constant 0 : i32
      %dma_wait3A_51 = tpu.memref_slice %arg8[%add3A_8, %dma_wait3A_50] : memref<10240x128xf32, #tpu.memory_space<vmem_shared>> -> memref<128x128xf32, #tpu.memory_space<vmem_shared>>
      %dma_wait3A_52 = arith.constant 0 : i32
      %dma_wait3A_53 = tpu.memref_slice %arg8[%add3A_8, %dma_wait3A_52] : memref<10240x128xf32, #tpu.memory_space<vmem_shared>> -> memref<128x128xf32, #tpu.memory_space<vmem_shared>>
      %dma_wait3A_54 = arith.constant 0 : i32
      %dma_wait3A_55 = arith.constant 0 : i32
      %dma_wait3A_56 = tpu.memref_slice %arg7[%dma_wait3A_54, %dma_wait3A_55] : memref<128x128xf32, #tpu.memory_space<vmem>> -> memref<128x128xf32, #tpu.memory_space<vmem>>
      tpu.wait_dma2 semaphore(%run_scoped3A : memref<!tpu.dma_semaphore, #tpu.memory_space<semaphore_mem>>) src(%dma_wait3A_56 : memref<128x128xf32, #tpu.memory_space<vmem>>) dst(%dma_wait3A_53 : memref<128x128xf32, #tpu.memory_space<vmem_shared>>)
      tpu.yield
    }) : () -> ()
    %add3A_9 = arith.constant 384 : i32
    %add3A_10 = arith.addi %mul3A_2, %add3A_9 : i32
    "tpu.region"() ({
      %run_scoped3A = tpu.sem_alloc : memref<!tpu.dma_semaphore, #tpu.memory_space<semaphore_mem>>
      %dma_start3A = arith.constant 0 : i32
      %dma_start3A_39 = arith.constant 0 : i32
      %dma_start3A_40 = tpu.memref_slice %arg7[%dma_start3A, %dma_start3A_39] : memref<128x128xf32, #tpu.memory_space<vmem>> -> memref<128x128xf32, #tpu.memory_space<vmem>>
      %dma_start3A_41 = arith.constant 0 : i32
      %dma_start3A_42 = tpu.memref_slice %arg8[%add3A_10, %dma_start3A_41] : memref<10240x128xf32, #tpu.memory_space<vmem_shared>> -> memref<128x128xf32, #tpu.memory_space<vmem_shared>>
      %dma_start3A_43 = arith.constant 0 : i32
      %dma_start3A_44 = tpu.memref_slice %arg8[%add3A_10, %dma_start3A_43] : memref<10240x128xf32, #tpu.memory_space<vmem_shared>> -> memref<128x128xf32, #tpu.memory_space<vmem_shared>>
      %dma_start3A_45 = arith.constant 0 : i32
      %dma_start3A_46 = arith.constant 0 : i32
      %dma_start3A_47 = tpu.memref_slice %arg7[%dma_start3A_45, %dma_start3A_46] : memref<128x128xf32, #tpu.memory_space<vmem>> -> memref<128x128xf32, #tpu.memory_space<vmem>>
      tpu.enqueue_dma source(%dma_start3A_47 : memref<128x128xf32, #tpu.memory_space<vmem>>) target(%dma_start3A_44 : memref<128x128xf32, #tpu.memory_space<vmem_shared>>) target_semaphore(%run_scoped3A : memref<!tpu.dma_semaphore, #tpu.memory_space<semaphore_mem>>)
      %dma_wait3A = arith.constant 0 : i32
      %dma_wait3A_48 = arith.constant 0 : i32
      %dma_wait3A_49 = tpu.memref_slice %arg7[%dma_wait3A, %dma_wait3A_48] : memref<128x128xf32, #tpu.memory_space<vmem>> -> memref<128x128xf32, #tpu.memory_space<vmem>>
      %dma_wait3A_50 = arith.constant 0 : i32
      %dma_wait3A_51 = tpu.memref_slice %arg8[%add3A_10, %dma_wait3A_50] : memref<10240x128xf32, #tpu.memory_space<vmem_shared>> -> memref<128x128xf32, #tpu.memory_space<vmem_shared>>
      %dma_wait3A_52 = arith.constant 0 : i32
      %dma_wait3A_53 = tpu.memref_slice %arg8[%add3A_10, %dma_wait3A_52] : memref<10240x128xf32, #tpu.memory_space<vmem_shared>> -> memref<128x128xf32, #tpu.memory_space<vmem_shared>>
      %dma_wait3A_54 = arith.constant 0 : i32
      %dma_wait3A_55 = arith.constant 0 : i32
      %dma_wait3A_56 = tpu.memref_slice %arg7[%dma_wait3A_54, %dma_wait3A_55] : memref<128x128xf32, #tpu.memory_space<vmem>> -> memref<128x128xf32, #tpu.memory_space<vmem>>
      tpu.wait_dma2 semaphore(%run_scoped3A : memref<!tpu.dma_semaphore, #tpu.memory_space<semaphore_mem>>) src(%dma_wait3A_56 : memref<128x128xf32, #tpu.memory_space<vmem>>) dst(%dma_wait3A_53 : memref<128x128xf32, #tpu.memory_space<vmem_shared>>)
      tpu.yield
    }) : () -> ()
    %add3A_11 = arith.constant 512 : i32
    %add3A_12 = arith.addi %mul3A_2, %add3A_11 : i32
    "tpu.region"() ({
      %run_scoped3A = tpu.sem_alloc : memref<!tpu.dma_semaphore, #tpu.memory_space<semaphore_mem>>
      %dma_start3A = arith.constant 0 : i32
      %dma_start3A_39 = arith.constant 0 : i32
      %dma_start3A_40 = tpu.memref_slice %arg7[%dma_start3A, %dma_start3A_39] : memref<128x128xf32, #tpu.memory_space<vmem>> -> memref<128x128xf32, #tpu.memory_space<vmem>>
      %dma_start3A_41 = arith.constant 0 : i32
      %dma_start3A_42 = tpu.memref_slice %arg8[%add3A_12, %dma_start3A_41] : memref<10240x128xf32, #tpu.memory_space<vmem_shared>> -> memref<128x128xf32, #tpu.memory_space<vmem_shared>>
      %dma_start3A_43 = arith.constant 0 : i32
      %dma_start3A_44 = tpu.memref_slice %arg8[%add3A_12, %dma_start3A_43] : memref<10240x128xf32, #tpu.memory_space<vmem_shared>> -> memref<128x128xf32, #tpu.memory_space<vmem_shared>>
      %dma_start3A_45 = arith.constant 0 : i32
      %dma_start3A_46 = arith.constant 0 : i32
      %dma_start3A_47 = tpu.memref_slice %arg7[%dma_start3A_45, %dma_start3A_46] : memref<128x128xf32, #tpu.memory_space<vmem>> -> memref<128x128xf32, #tpu.memory_space<vmem>>
      tpu.enqueue_dma source(%dma_start3A_47 : memref<128x128xf32, #tpu.memory_space<vmem>>) target(%dma_start3A_44 : memref<128x128xf32, #tpu.memory_space<vmem_shared>>) target_semaphore(%run_scoped3A : memref<!tpu.dma_semaphore, #tpu.memory_space<semaphore_mem>>)
      %dma_wait3A = arith.constant 0 : i32
      %dma_wait3A_48 = arith.constant 0 : i32
      %dma_wait3A_49 = tpu.memref_slice %arg7[%dma_wait3A, %dma_wait3A_48] : memref<128x128xf32, #tpu.memory_space<vmem>> -> memref<128x128xf32, #tpu.memory_space<vmem>>
      %dma_wait3A_50 = arith.constant 0 : i32
      %dma_wait3A_51 = tpu.memref_slice %arg8[%add3A_12, %dma_wait3A_50] : memref<10240x128xf32, #tpu.memory_space<vmem_shared>> -> memref<128x128xf32, #tpu.memory_space<vmem_shared>>
      %dma_wait3A_52 = arith.constant 0 : i32
      %dma_wait3A_53 = tpu.memref_slice %arg8[%add3A_12, %dma_wait3A_52] : memref<10240x128xf32, #tpu.memory_space<vmem_shared>> -> memref<128x128xf32, #tpu.memory_space<vmem_shared>>
      %dma_wait3A_54 = arith.constant 0 : i32
      %dma_wait3A_55 = arith.constant 0 : i32
      %dma_wait3A_56 = tpu.memref_slice %arg7[%dma_wait3A_54, %dma_wait3A_55] : memref<128x128xf32, #tpu.memory_space<vmem>> -> memref<128x128xf32, #tpu.memory_space<vmem>>
      tpu.wait_dma2 semaphore(%run_scoped3A : memref<!tpu.dma_semaphore, #tpu.memory_space<semaphore_mem>>) src(%dma_wait3A_56 : memref<128x128xf32, #tpu.memory_space<vmem>>) dst(%dma_wait3A_53 : memref<128x128xf32, #tpu.memory_space<vmem_shared>>)
      tpu.yield
    }) : () -> ()
    "tpu.region"() ({
      %run_scoped3A = tpu.sem_alloc : memref<!tpu.dma_semaphore, #tpu.memory_space<semaphore_mem>>
      tpu.enqueue_dma source(%arg4 : memref<128x128xf32, #tpu.memory_space<hbm>>) target(%arg7 : memref<128x128xf32, #tpu.memory_space<vmem>>) target_semaphore(%run_scoped3A : memref<!tpu.dma_semaphore, #tpu.memory_space<semaphore_mem>>)
      tpu.wait_dma2 semaphore(%run_scoped3A : memref<!tpu.dma_semaphore, #tpu.memory_space<semaphore_mem>>) src(%arg4 : memref<128x128xf32, #tpu.memory_space<hbm>>) dst(%arg7 : memref<128x128xf32, #tpu.memory_space<vmem>>)
      tpu.yield
    }) : () -> ()
    %barrier3A = arith.constant 0 : index
    tpu.barrier barrier_id(%barrier3A)
    %scan3A = arith.constant 0 : i32
    %scan3A_13 = arith.constant 0 : i32
    %scan3A_14 = arith.constant 80 : i32
    %scan3A_15 = arith.addi %scan3A_13, %scan3A_14 : i32
    %scan3A_16 = arith.constant 1 : i32
    scf.for %scan3A_39 = %scan3A_13 to %scan3A_15 step %scan3A_16  : i32 {
      "tpu.region"() ({
        %run_scoped3A = tpu.sem_alloc : memref<!tpu.dma_semaphore, #tpu.memory_space<semaphore_mem>>
        %dma_start3A = arith.constant 0 : i32
        %dma_start3A_40 = tpu.memref_slice %arg2[%add3A, %scan3A_39, %dma_start3A] : memref<32x80x128xi32, #tpu.memory_space<hbm>> -> memref<1x1x128xi32, #tpu.memory_space<hbm>>
        %dma_start3A_41 = tpu.memref_squeeze %dma_start3A_40 : memref<1x1x128xi32, #tpu.memory_space<hbm>> -> memref<128xi32, #tpu.memory_space<hbm>>
        %dma_start3A_42 = arith.constant 0 : i32
        %dma_start3A_43 = tpu.memref_slice %arg2[%add3A, %scan3A_39, %dma_start3A_42] : memref<32x80x128xi32, #tpu.memory_space<hbm>> -> memref<1x1x128xi32, #tpu.memory_space<hbm>>
        %dma_start3A_44 = tpu.memref_squeeze %dma_start3A_43 : memref<1x1x128xi32, #tpu.memory_space<hbm>> -> memref<128xi32, #tpu.memory_space<hbm>>
        tpu.enqueue_dma source(%dma_start3A_44 : memref<128xi32, #tpu.memory_space<hbm>>) target(%arg6 : memref<128xi32, #tpu.memory_space<vmem>>) target_semaphore(%run_scoped3A : memref<!tpu.dma_semaphore, #tpu.memory_space<semaphore_mem>>)
        %dma_wait3A = arith.constant 0 : i32
        %dma_wait3A_45 = tpu.memref_slice %arg2[%add3A, %scan3A_39, %dma_wait3A] : memref<32x80x128xi32, #tpu.memory_space<hbm>> -> memref<1x1x128xi32, #tpu.memory_space<hbm>>
        %dma_wait3A_46 = tpu.memref_squeeze %dma_wait3A_45 : memref<1x1x128xi32, #tpu.memory_space<hbm>> -> memref<128xi32, #tpu.memory_space<hbm>>
        %dma_wait3A_47 = arith.constant 0 : i32
        %dma_wait3A_48 = tpu.memref_slice %arg2[%add3A, %scan3A_39, %dma_wait3A_47] : memref<32x80x128xi32, #tpu.memory_space<hbm>> -> memref<1x1x128xi32, #tpu.memory_space<hbm>>
        %dma_wait3A_49 = tpu.memref_squeeze %dma_wait3A_48 : memref<1x1x128xi32, #tpu.memory_space<hbm>> -> memref<128xi32, #tpu.memory_space<hbm>>
        tpu.wait_dma2 semaphore(%run_scoped3A : memref<!tpu.dma_semaphore, #tpu.memory_space<semaphore_mem>>) src(%dma_wait3A_49 : memref<128xi32, #tpu.memory_space<hbm>>) dst(%arg6 : memref<128xi32, #tpu.memory_space<vmem>>)
        tpu.yield
      }) : () -> ()
      "tpu.region"() ({
        %run_scoped3A = tpu.sem_alloc : memref<!tpu.dma_semaphore, #tpu.memory_space<semaphore_mem>>
        %dma_start3A = arith.constant 0 : i32
        %dma_start3A_40 = arith.constant 0 : i32
        %dma_start3A_41 = tpu.memref_slice %arg8[%dma_start3A, %dma_start3A_40] : memref<10240x128xf32, #tpu.memory_space<vmem_shared>> -> memref<10240x128xf32, #tpu.memory_space<vmem_shared>>
        tpu.enqueue_indirect_dma source(%arg7 : memref<128x128xf32, #tpu.memory_space<vmem>>) target(%dma_start3A_41 : memref<10240x128xf32, #tpu.memory_space<vmem_shared>>) offsets(%arg6 : memref<128xi32, #tpu.memory_space<vmem>>) semaphore(%run_scoped3A : memref<!tpu.dma_semaphore, #tpu.memory_space<semaphore_mem>>) {add = true}
        %dma_wait3A = arith.constant 0 : i32
        %dma_wait3A_42 = arith.constant 0 : i32
        %dma_wait3A_43 = tpu.memref_slice %arg8[%dma_wait3A, %dma_wait3A_42] : memref<10240x128xf32, #tpu.memory_space<vmem_shared>> -> memref<10240x128xf32, #tpu.memory_space<vmem_shared>>
        tpu.wait_indirect_dma semaphore(%run_scoped3A : memref<!tpu.dma_semaphore, #tpu.memory_space<semaphore_mem>>) src(%arg7 : memref<128x128xf32, #tpu.memory_space<vmem>>) dst(%dma_wait3A_43 : memref<10240x128xf32, #tpu.memory_space<vmem_shared>>)
        tpu.yield
      }) : () -> ()
    }
    %scan3A_17 = arith.constant 80 : i32
    %barrier3A_18 = arith.constant 0 : index
    tpu.barrier barrier_id(%barrier3A_18)
    %add3A_19 = arith.constant 0 : i32
    %add3A_20 = arith.addi %mul3A_2, %add3A_19 : i32
    "tpu.region"() ({
      %run_scoped3A = tpu.sem_alloc : memref<!tpu.dma_semaphore, #tpu.memory_space<semaphore_mem>>
      %dma_start3A = arith.constant 0 : i32
      %dma_start3A_39 = arith.constant 0 : i32
      %dma_start3A_40 = tpu.memref_slice %arg7[%dma_start3A, %dma_start3A_39] : memref<128x128xf32, #tpu.memory_space<vmem>> -> memref<128x128xf32, #tpu.memory_space<vmem>>
      %dma_start3A_41 = arith.constant 0 : i32
      %dma_start3A_42 = tpu.memref_slice %arg8[%add3A_20, %dma_start3A_41] : memref<10240x128xf32, #tpu.memory_space<vmem_shared>> -> memref<128x128xf32, #tpu.memory_space<vmem_shared>>
      %dma_start3A_43 = arith.constant 0 : i32
      %dma_start3A_44 = arith.constant 0 : i32
      %dma_start3A_45 = tpu.memref_slice %arg7[%dma_start3A_43, %dma_start3A_44] : memref<128x128xf32, #tpu.memory_space<vmem>> -> memref<128x128xf32, #tpu.memory_space<vmem>>
      %dma_start3A_46 = arith.constant 0 : i32
      %dma_start3A_47 = tpu.memref_slice %arg8[%add3A_20, %dma_start3A_46] : memref<10240x128xf32, #tpu.memory_space<vmem_shared>> -> memref<128x128xf32, #tpu.memory_space<vmem_shared>>
      tpu.enqueue_dma source(%dma_start3A_47 : memref<128x128xf32, #tpu.memory_space<vmem_shared>>) target(%dma_start3A_45 : memref<128x128xf32, #tpu.memory_space<vmem>>) target_semaphore(%run_scoped3A : memref<!tpu.dma_semaphore, #tpu.memory_space<semaphore_mem>>)
      %dma_wait3A = arith.constant 0 : i32
      %dma_wait3A_48 = arith.constant 0 : i32
      %dma_wait3A_49 = tpu.memref_slice %arg7[%dma_wait3A, %dma_wait3A_48] : memref<128x128xf32, #tpu.memory_space<vmem>> -> memref<128x128xf32, #tpu.memory_space<vmem>>
      %dma_wait3A_50 = arith.constant 0 : i32
      %dma_wait3A_51 = tpu.memref_slice %arg8[%add3A_20, %dma_wait3A_50] : memref<10240x128xf32, #tpu.memory_space<vmem_shared>> -> memref<128x128xf32, #tpu.memory_space<vmem_shared>>
      %dma_wait3A_52 = arith.constant 0 : i32
      %dma_wait3A_53 = arith.constant 0 : i32
      %dma_wait3A_54 = tpu.memref_slice %arg7[%dma_wait3A_52, %dma_wait3A_53] : memref<128x128xf32, #tpu.memory_space<vmem>> -> memref<128x128xf32, #tpu.memory_space<vmem>>
      %dma_wait3A_55 = arith.constant 0 : i32
      %dma_wait3A_56 = tpu.memref_slice %arg8[%add3A_20, %dma_wait3A_55] : memref<10240x128xf32, #tpu.memory_space<vmem_shared>> -> memref<128x128xf32, #tpu.memory_space<vmem_shared>>
      tpu.wait_dma2 semaphore(%run_scoped3A : memref<!tpu.dma_semaphore, #tpu.memory_space<semaphore_mem>>) src(%dma_wait3A_56 : memref<128x128xf32, #tpu.memory_space<vmem_shared>>) dst(%dma_wait3A_54 : memref<128x128xf32, #tpu.memory_space<vmem>>)
      tpu.yield
    }) : () -> ()
    %add3A_21 = arith.constant 0 : i32
    %add3A_22 = arith.addi %mul3A_2, %add3A_21 : i32
    "tpu.region"() ({
      %run_scoped3A = tpu.sem_alloc : memref<!tpu.dma_semaphore, #tpu.memory_space<semaphore_mem>>
      %dma_start3A = arith.constant 0 : i32
      %dma_start3A_39 = arith.constant 0 : i32
      %dma_start3A_40 = tpu.memref_slice %arg7[%dma_start3A, %dma_start3A_39] : memref<128x128xf32, #tpu.memory_space<vmem>> -> memref<128x128xf32, #tpu.memory_space<vmem>>
      %dma_start3A_41 = arith.constant 0 : i32
      %dma_start3A_42 = tpu.memref_slice %arg5[%arg0, %add3A_22, %dma_start3A_41] : memref<2x10240x128xf32, #tpu.memory_space<hbm>> -> memref<1x128x128xf32, #tpu.memory_space<hbm>>
      %dma_start3A_43 = tpu.memref_squeeze %dma_start3A_42 : memref<1x128x128xf32, #tpu.memory_space<hbm>> -> memref<128x128xf32, #tpu.memory_space<hbm>>
      %dma_start3A_44 = arith.constant 0 : i32
      %dma_start3A_45 = tpu.memref_slice %arg5[%arg0, %add3A_22, %dma_start3A_44] : memref<2x10240x128xf32, #tpu.memory_space<hbm>> -> memref<1x128x128xf32, #tpu.memory_space<hbm>>
      %dma_start3A_46 = tpu.memref_squeeze %dma_start3A_45 : memref<1x128x128xf32, #tpu.memory_space<hbm>> -> memref<128x128xf32, #tpu.memory_space<hbm>>
      %dma_start3A_47 = arith.constant 0 : i32
      %dma_start3A_48 = arith.constant 0 : i32
      %dma_start3A_49 = tpu.memref_slice %arg7[%dma_start3A_47, %dma_start3A_48] : memref<128x128xf32, #tpu.memory_space<vmem>> -> memref<128x128xf32, #tpu.memory_space<vmem>>
      tpu.enqueue_dma source(%dma_start3A_49 : memref<128x128xf32, #tpu.memory_space<vmem>>) target(%dma_start3A_46 : memref<128x128xf32, #tpu.memory_space<hbm>>) target_semaphore(%run_scoped3A : memref<!tpu.dma_semaphore, #tpu.memory_space<semaphore_mem>>)
      %dma_wait3A = arith.constant 0 : i32
      %dma_wait3A_50 = arith.constant 0 : i32
      %dma_wait3A_51 = tpu.memref_slice %arg7[%dma_wait3A, %dma_wait3A_50] : memref<128x128xf32, #tpu.memory_space<vmem>> -> memref<128x128xf32, #tpu.memory_space<vmem>>
      %dma_wait3A_52 = arith.constant 0 : i32
      %dma_wait3A_53 = tpu.memref_slice %arg5[%arg0, %add3A_22, %dma_wait3A_52] : memref<2x10240x128xf32, #tpu.memory_space<hbm>> -> memref<1x128x128xf32, #tpu.memory_space<hbm>>
      %dma_wait3A_54 = tpu.memref_squeeze %dma_wait3A_53 : memref<1x128x128xf32, #tpu.memory_space<hbm>> -> memref<128x128xf32, #tpu.memory_space<hbm>>
      %dma_wait3A_55 = arith.constant 0 : i32
      %dma_wait3A_56 = tpu.memref_slice %arg5[%arg0, %add3A_22, %dma_wait3A_55] : memref<2x10240x128xf32, #tpu.memory_space<hbm>> -> memref<1x128x128xf32, #tpu.memory_space<hbm>>
      %dma_wait3A_57 = tpu.memref_squeeze %dma_wait3A_56 : memref<1x128x128xf32, #tpu.memory_space<hbm>> -> memref<128x128xf32, #tpu.memory_space<hbm>>
      %dma_wait3A_58 = arith.constant 0 : i32
      %dma_wait3A_59 = arith.constant 0 : i32
      %dma_wait3A_60 = tpu.memref_slice %arg7[%dma_wait3A_58, %dma_wait3A_59] : memref<128x128xf32, #tpu.memory_space<vmem>> -> memref<128x128xf32, #tpu.memory_space<vmem>>
      tpu.wait_dma2 semaphore(%run_scoped3A : memref<!tpu.dma_semaphore, #tpu.memory_space<semaphore_mem>>) src(%dma_wait3A_60 : memref<128x128xf32, #tpu.memory_space<vmem>>) dst(%dma_wait3A_57 : memref<128x128xf32, #tpu.memory_space<hbm>>)
      tpu.yield
    }) : () -> ()
    %add3A_23 = arith.constant 128 : i32
    %add3A_24 = arith.addi %mul3A_2, %add3A_23 : i32
    "tpu.region"() ({
      %run_scoped3A = tpu.sem_alloc : memref<!tpu.dma_semaphore, #tpu.memory_space<semaphore_mem>>
      %dma_start3A = arith.constant 0 : i32
      %dma_start3A_39 = arith.constant 0 : i32
      %dma_start3A_40 = tpu.memref_slice %arg7[%dma_start3A, %dma_start3A_39] : memref<128x128xf32, #tpu.memory_space<vmem>> -> memref<128x128xf32, #tpu.memory_space<vmem>>
      %dma_start3A_41 = arith.constant 0 : i32
      %dma_start3A_42 = tpu.memref_slice %arg8[%add3A_24, %dma_start3A_41] : memref<10240x128xf32, #tpu.memory_space<vmem_shared>> -> memref<128x128xf32, #tpu.memory_space<vmem_shared>>
      %dma_start3A_43 = arith.constant 0 : i32
      %dma_start3A_44 = arith.constant 0 : i32
      %dma_start3A_45 = tpu.memref_slice %arg7[%dma_start3A_43, %dma_start3A_44] : memref<128x128xf32, #tpu.memory_space<vmem>> -> memref<128x128xf32, #tpu.memory_space<vmem>>
      %dma_start3A_46 = arith.constant 0 : i32
      %dma_start3A_47 = tpu.memref_slice %arg8[%add3A_24, %dma_start3A_46] : memref<10240x128xf32, #tpu.memory_space<vmem_shared>> -> memref<128x128xf32, #tpu.memory_space<vmem_shared>>
      tpu.enqueue_dma source(%dma_start3A_47 : memref<128x128xf32, #tpu.memory_space<vmem_shared>>) target(%dma_start3A_45 : memref<128x128xf32, #tpu.memory_space<vmem>>) target_semaphore(%run_scoped3A : memref<!tpu.dma_semaphore, #tpu.memory_space<semaphore_mem>>)
      %dma_wait3A = arith.constant 0 : i32
      %dma_wait3A_48 = arith.constant 0 : i32
      %dma_wait3A_49 = tpu.memref_slice %arg7[%dma_wait3A, %dma_wait3A_48] : memref<128x128xf32, #tpu.memory_space<vmem>> -> memref<128x128xf32, #tpu.memory_space<vmem>>
      %dma_wait3A_50 = arith.constant 0 : i32
      %dma_wait3A_51 = tpu.memref_slice %arg8[%add3A_24, %dma_wait3A_50] : memref<10240x128xf32, #tpu.memory_space<vmem_shared>> -> memref<128x128xf32, #tpu.memory_space<vmem_shared>>
      %dma_wait3A_52 = arith.constant 0 : i32
      %dma_wait3A_53 = arith.constant 0 : i32
      %dma_wait3A_54 = tpu.memref_slice %arg7[%dma_wait3A_52, %dma_wait3A_53] : memref<128x128xf32, #tpu.memory_space<vmem>> -> memref<128x128xf32, #tpu.memory_space<vmem>>
      %dma_wait3A_55 = arith.constant 0 : i32
      %dma_wait3A_56 = tpu.memref_slice %arg8[%add3A_24, %dma_wait3A_55] : memref<10240x128xf32, #tpu.memory_space<vmem_shared>> -> memref<128x128xf32, #tpu.memory_space<vmem_shared>>
      tpu.wait_dma2 semaphore(%run_scoped3A : memref<!tpu.dma_semaphore, #tpu.memory_space<semaphore_mem>>) src(%dma_wait3A_56 : memref<128x128xf32, #tpu.memory_space<vmem_shared>>) dst(%dma_wait3A_54 : memref<128x128xf32, #tpu.memory_space<vmem>>)
      tpu.yield
    }) : () -> ()
    %add3A_25 = arith.constant 128 : i32
    %add3A_26 = arith.addi %mul3A_2, %add3A_25 : i32
    "tpu.region"() ({
      %run_scoped3A = tpu.sem_alloc : memref<!tpu.dma_semaphore, #tpu.memory_space<semaphore_mem>>
      %dma_start3A = arith.constant 0 : i32
      %dma_start3A_39 = arith.constant 0 : i32
      %dma_start3A_40 = tpu.memref_slice %arg7[%dma_start3A, %dma_start3A_39] : memref<128x128xf32, #tpu.memory_space<vmem>> -> memref<128x128xf32, #tpu.memory_space<vmem>>
      %dma_start3A_41 = arith.constant 0 : i32
      %dma_start3A_42 = tpu.memref_slice %arg5[%arg0, %add3A_26, %dma_start3A_41] : memref<2x10240x128xf32, #tpu.memory_space<hbm>> -> memref<1x128x128xf32, #tpu.memory_space<hbm>>
      %dma_start3A_43 = tpu.memref_squeeze %dma_start3A_42 : memref<1x128x128xf32, #tpu.memory_space<hbm>> -> memref<128x128xf32, #tpu.memory_space<hbm>>
      %dma_start3A_44 = arith.constant 0 : i32
      %dma_start3A_45 = tpu.memref_slice %arg5[%arg0, %add3A_26, %dma_start3A_44] : memref<2x10240x128xf32, #tpu.memory_space<hbm>> -> memref<1x128x128xf32, #tpu.memory_space<hbm>>
      %dma_start3A_46 = tpu.memref_squeeze %dma_start3A_45 : memref<1x128x128xf32, #tpu.memory_space<hbm>> -> memref<128x128xf32, #tpu.memory_space<hbm>>
      %dma_start3A_47 = arith.constant 0 : i32
      %dma_start3A_48 = arith.constant 0 : i32
      %dma_start3A_49 = tpu.memref_slice %arg7[%dma_start3A_47, %dma_start3A_48] : memref<128x128xf32, #tpu.memory_space<vmem>> -> memref<128x128xf32, #tpu.memory_space<vmem>>
      tpu.enqueue_dma source(%dma_start3A_49 : memref<128x128xf32, #tpu.memory_space<vmem>>) target(%dma_start3A_46 : memref<128x128xf32, #tpu.memory_space<hbm>>) target_semaphore(%run_scoped3A : memref<!tpu.dma_semaphore, #tpu.memory_space<semaphore_mem>>)
      %dma_wait3A = arith.constant 0 : i32
      %dma_wait3A_50 = arith.constant 0 : i32
      %dma_wait3A_51 = tpu.memref_slice %arg7[%dma_wait3A, %dma_wait3A_50] : memref<128x128xf32, #tpu.memory_space<vmem>> -> memref<128x128xf32, #tpu.memory_space<vmem>>
      %dma_wait3A_52 = arith.constant 0 : i32
      %dma_wait3A_53 = tpu.memref_slice %arg5[%arg0, %add3A_26, %dma_wait3A_52] : memref<2x10240x128xf32, #tpu.memory_space<hbm>> -> memref<1x128x128xf32, #tpu.memory_space<hbm>>
      %dma_wait3A_54 = tpu.memref_squeeze %dma_wait3A_53 : memref<1x128x128xf32, #tpu.memory_space<hbm>> -> memref<128x128xf32, #tpu.memory_space<hbm>>
      %dma_wait3A_55 = arith.constant 0 : i32
      %dma_wait3A_56 = tpu.memref_slice %arg5[%arg0, %add3A_26, %dma_wait3A_55] : memref<2x10240x128xf32, #tpu.memory_space<hbm>> -> memref<1x128x128xf32, #tpu.memory_space<hbm>>
      %dma_wait3A_57 = tpu.memref_squeeze %dma_wait3A_56 : memref<1x128x128xf32, #tpu.memory_space<hbm>> -> memref<128x128xf32, #tpu.memory_space<hbm>>
      %dma_wait3A_58 = arith.constant 0 : i32
      %dma_wait3A_59 = arith.constant 0 : i32
      %dma_wait3A_60 = tpu.memref_slice %arg7[%dma_wait3A_58, %dma_wait3A_59] : memref<128x128xf32, #tpu.memory_space<vmem>> -> memref<128x128xf32, #tpu.memory_space<vmem>>
      tpu.wait_dma2 semaphore(%run_scoped3A : memref<!tpu.dma_semaphore, #tpu.memory_space<semaphore_mem>>) src(%dma_wait3A_60 : memref<128x128xf32, #tpu.memory_space<vmem>>) dst(%dma_wait3A_57 : memref<128x128xf32, #tpu.memory_space<hbm>>)
      tpu.yield
    }) : () -> ()
    %add3A_27 = arith.constant 256 : i32
    %add3A_28 = arith.addi %mul3A_2, %add3A_27 : i32
    "tpu.region"() ({
      %run_scoped3A = tpu.sem_alloc : memref<!tpu.dma_semaphore, #tpu.memory_space<semaphore_mem>>
      %dma_start3A = arith.constant 0 : i32
      %dma_start3A_39 = arith.constant 0 : i32
      %dma_start3A_40 = tpu.memref_slice %arg7[%dma_start3A, %dma_start3A_39] : memref<128x128xf32, #tpu.memory_space<vmem>> -> memref<128x128xf32, #tpu.memory_space<vmem>>
      %dma_start3A_41 = arith.constant 0 : i32
      %dma_start3A_42 = tpu.memref_slice %arg8[%add3A_28, %dma_start3A_41] : memref<10240x128xf32, #tpu.memory_space<vmem_shared>> -> memref<128x128xf32, #tpu.memory_space<vmem_shared>>
      %dma_start3A_43 = arith.constant 0 : i32
      %dma_start3A_44 = arith.constant 0 : i32
      %dma_start3A_45 = tpu.memref_slice %arg7[%dma_start3A_43, %dma_start3A_44] : memref<128x128xf32, #tpu.memory_space<vmem>> -> memref<128x128xf32, #tpu.memory_space<vmem>>
      %dma_start3A_46 = arith.constant 0 : i32
      %dma_start3A_47 = tpu.memref_slice %arg8[%add3A_28, %dma_start3A_46] : memref<10240x128xf32, #tpu.memory_space<vmem_shared>> -> memref<128x128xf32, #tpu.memory_space<vmem_shared>>
      tpu.enqueue_dma source(%dma_start3A_47 : memref<128x128xf32, #tpu.memory_space<vmem_shared>>) target(%dma_start3A_45 : memref<128x128xf32, #tpu.memory_space<vmem>>) target_semaphore(%run_scoped3A : memref<!tpu.dma_semaphore, #tpu.memory_space<semaphore_mem>>)
      %dma_wait3A = arith.constant 0 : i32
      %dma_wait3A_48 = arith.constant 0 : i32
      %dma_wait3A_49 = tpu.memref_slice %arg7[%dma_wait3A, %dma_wait3A_48] : memref<128x128xf32, #tpu.memory_space<vmem>> -> memref<128x128xf32, #tpu.memory_space<vmem>>
      %dma_wait3A_50 = arith.constant 0 : i32
      %dma_wait3A_51 = tpu.memref_slice %arg8[%add3A_28, %dma_wait3A_50] : memref<10240x128xf32, #tpu.memory_space<vmem_shared>> -> memref<128x128xf32, #tpu.memory_space<vmem_shared>>
      %dma_wait3A_52 = arith.constant 0 : i32
      %dma_wait3A_53 = arith.constant 0 : i32
      %dma_wait3A_54 = tpu.memref_slice %arg7[%dma_wait3A_52, %dma_wait3A_53] : memref<128x128xf32, #tpu.memory_space<vmem>> -> memref<128x128xf32, #tpu.memory_space<vmem>>
      %dma_wait3A_55 = arith.constant 0 : i32
      %dma_wait3A_56 = tpu.memref_slice %arg8[%add3A_28, %dma_wait3A_55] : memref<10240x128xf32, #tpu.memory_space<vmem_shared>> -> memref<128x128xf32, #tpu.memory_space<vmem_shared>>
      tpu.wait_dma2 semaphore(%run_scoped3A : memref<!tpu.dma_semaphore, #tpu.memory_space<semaphore_mem>>) src(%dma_wait3A_56 : memref<128x128xf32, #tpu.memory_space<vmem_shared>>) dst(%dma_wait3A_54 : memref<128x128xf32, #tpu.memory_space<vmem>>)
      tpu.yield
    }) : () -> ()
    %add3A_29 = arith.constant 256 : i32
    %add3A_30 = arith.addi %mul3A_2, %add3A_29 : i32
    "tpu.region"() ({
      %run_scoped3A = tpu.sem_alloc : memref<!tpu.dma_semaphore, #tpu.memory_space<semaphore_mem>>
      %dma_start3A = arith.constant 0 : i32
      %dma_start3A_39 = arith.constant 0 : i32
      %dma_start3A_40 = tpu.memref_slice %arg7[%dma_start3A, %dma_start3A_39] : memref<128x128xf32, #tpu.memory_space<vmem>> -> memref<128x128xf32, #tpu.memory_space<vmem>>
      %dma_start3A_41 = arith.constant 0 : i32
      %dma_start3A_42 = tpu.memref_slice %arg5[%arg0, %add3A_30, %dma_start3A_41] : memref<2x10240x128xf32, #tpu.memory_space<hbm>> -> memref<1x128x128xf32, #tpu.memory_space<hbm>>
      %dma_start3A_43 = tpu.memref_squeeze %dma_start3A_42 : memref<1x128x128xf32, #tpu.memory_space<hbm>> -> memref<128x128xf32, #tpu.memory_space<hbm>>
      %dma_start3A_44 = arith.constant 0 : i32
      %dma_start3A_45 = tpu.memref_slice %arg5[%arg0, %add3A_30, %dma_start3A_44] : memref<2x10240x128xf32, #tpu.memory_space<hbm>> -> memref<1x128x128xf32, #tpu.memory_space<hbm>>
      %dma_start3A_46 = tpu.memref_squeeze %dma_start3A_45 : memref<1x128x128xf32, #tpu.memory_space<hbm>> -> memref<128x128xf32, #tpu.memory_space<hbm>>
      %dma_start3A_47 = arith.constant 0 : i32
      %dma_start3A_48 = arith.constant 0 : i32
      %dma_start3A_49 = tpu.memref_slice %arg7[%dma_start3A_47, %dma_start3A_48] : memref<128x128xf32, #tpu.memory_space<vmem>> -> memref<128x128xf32, #tpu.memory_space<vmem>>
      tpu.enqueue_dma source(%dma_start3A_49 : memref<128x128xf32, #tpu.memory_space<vmem>>) target(%dma_start3A_46 : memref<128x128xf32, #tpu.memory_space<hbm>>) target_semaphore(%run_scoped3A : memref<!tpu.dma_semaphore, #tpu.memory_space<semaphore_mem>>)
      %dma_wait3A = arith.constant 0 : i32
      %dma_wait3A_50 = arith.constant 0 : i32
      %dma_wait3A_51 = tpu.memref_slice %arg7[%dma_wait3A, %dma_wait3A_50] : memref<128x128xf32, #tpu.memory_space<vmem>> -> memref<128x128xf32, #tpu.memory_space<vmem>>
      %dma_wait3A_52 = arith.constant 0 : i32
      %dma_wait3A_53 = tpu.memref_slice %arg5[%arg0, %add3A_30, %dma_wait3A_52] : memref<2x10240x128xf32, #tpu.memory_space<hbm>> -> memref<1x128x128xf32, #tpu.memory_space<hbm>>
      %dma_wait3A_54 = tpu.memref_squeeze %dma_wait3A_53 : memref<1x128x128xf32, #tpu.memory_space<hbm>> -> memref<128x128xf32, #tpu.memory_space<hbm>>
      %dma_wait3A_55 = arith.constant 0 : i32
      %dma_wait3A_56 = tpu.memref_slice %arg5[%arg0, %add3A_30, %dma_wait3A_55] : memref<2x10240x128xf32, #tpu.memory_space<hbm>> -> memref<1x128x128xf32, #tpu.memory_space<hbm>>
      %dma_wait3A_57 = tpu.memref_squeeze %dma_wait3A_56 : memref<1x128x128xf32, #tpu.memory_space<hbm>> -> memref<128x128xf32, #tpu.memory_space<hbm>>
      %dma_wait3A_58 = arith.constant 0 : i32
      %dma_wait3A_59 = arith.constant 0 : i32
      %dma_wait3A_60 = tpu.memref_slice %arg7[%dma_wait3A_58, %dma_wait3A_59] : memref<128x128xf32, #tpu.memory_space<vmem>> -> memref<128x128xf32, #tpu.memory_space<vmem>>
      tpu.wait_dma2 semaphore(%run_scoped3A : memref<!tpu.dma_semaphore, #tpu.memory_space<semaphore_mem>>) src(%dma_wait3A_60 : memref<128x128xf32, #tpu.memory_space<vmem>>) dst(%dma_wait3A_57 : memref<128x128xf32, #tpu.memory_space<hbm>>)
      tpu.yield
    }) : () -> ()
    %add3A_31 = arith.constant 384 : i32
    %add3A_32 = arith.addi %mul3A_2, %add3A_31 : i32
    "tpu.region"() ({
      %run_scoped3A = tpu.sem_alloc : memref<!tpu.dma_semaphore, #tpu.memory_space<semaphore_mem>>
      %dma_start3A = arith.constant 0 : i32
      %dma_start3A_39 = arith.constant 0 : i32
      %dma_start3A_40 = tpu.memref_slice %arg7[%dma_start3A, %dma_start3A_39] : memref<128x128xf32, #tpu.memory_space<vmem>> -> memref<128x128xf32, #tpu.memory_space<vmem>>
      %dma_start3A_41 = arith.constant 0 : i32
      %dma_start3A_42 = tpu.memref_slice %arg8[%add3A_32, %dma_start3A_41] : memref<10240x128xf32, #tpu.memory_space<vmem_shared>> -> memref<128x128xf32, #tpu.memory_space<vmem_shared>>
      %dma_start3A_43 = arith.constant 0 : i32
      %dma_start3A_44 = arith.constant 0 : i32
      %dma_start3A_45 = tpu.memref_slice %arg7[%dma_start3A_43, %dma_start3A_44] : memref<128x128xf32, #tpu.memory_space<vmem>> -> memref<128x128xf32, #tpu.memory_space<vmem>>
      %dma_start3A_46 = arith.constant 0 : i32
      %dma_start3A_47 = tpu.memref_slice %arg8[%add3A_32, %dma_start3A_46] : memref<10240x128xf32, #tpu.memory_space<vmem_shared>> -> memref<128x128xf32, #tpu.memory_space<vmem_shared>>
      tpu.enqueue_dma source(%dma_start3A_47 : memref<128x128xf32, #tpu.memory_space<vmem_shared>>) target(%dma_start3A_45 : memref<128x128xf32, #tpu.memory_space<vmem>>) target_semaphore(%run_scoped3A : memref<!tpu.dma_semaphore, #tpu.memory_space<semaphore_mem>>)
      %dma_wait3A = arith.constant 0 : i32
      %dma_wait3A_48 = arith.constant 0 : i32
      %dma_wait3A_49 = tpu.memref_slice %arg7[%dma_wait3A, %dma_wait3A_48] : memref<128x128xf32, #tpu.memory_space<vmem>> -> memref<128x128xf32, #tpu.memory_space<vmem>>
      %dma_wait3A_50 = arith.constant 0 : i32
      %dma_wait3A_51 = tpu.memref_slice %arg8[%add3A_32, %dma_wait3A_50] : memref<10240x128xf32, #tpu.memory_space<vmem_shared>> -> memref<128x128xf32, #tpu.memory_space<vmem_shared>>
      %dma_wait3A_52 = arith.constant 0 : i32
      %dma_wait3A_53 = arith.constant 0 : i32
      %dma_wait3A_54 = tpu.memref_slice %arg7[%dma_wait3A_52, %dma_wait3A_53] : memref<128x128xf32, #tpu.memory_space<vmem>> -> memref<128x128xf32, #tpu.memory_space<vmem>>
      %dma_wait3A_55 = arith.constant 0 : i32
      %dma_wait3A_56 = tpu.memref_slice %arg8[%add3A_32, %dma_wait3A_55] : memref<10240x128xf32, #tpu.memory_space<vmem_shared>> -> memref<128x128xf32, #tpu.memory_space<vmem_shared>>
      tpu.wait_dma2 semaphore(%run_scoped3A : memref<!tpu.dma_semaphore, #tpu.memory_space<semaphore_mem>>) src(%dma_wait3A_56 : memref<128x128xf32, #tpu.memory_space<vmem_shared>>) dst(%dma_wait3A_54 : memref<128x128xf32, #tpu.memory_space<vmem>>)
      tpu.yield
    }) : () -> ()
    %add3A_33 = arith.constant 384 : i32
    %add3A_34 = arith.addi %mul3A_2, %add3A_33 : i32
    "tpu.region"() ({
      %run_scoped3A = tpu.sem_alloc : memref<!tpu.dma_semaphore, #tpu.memory_space<semaphore_mem>>
      %dma_start3A = arith.constant 0 : i32
      %dma_start3A_39 = arith.constant 0 : i32
      %dma_start3A_40 = tpu.memref_slice %arg7[%dma_start3A, %dma_start3A_39] : memref<128x128xf32, #tpu.memory_space<vmem>> -> memref<128x128xf32, #tpu.memory_space<vmem>>
      %dma_start3A_41 = arith.constant 0 : i32
      %dma_start3A_42 = tpu.memref_slice %arg5[%arg0, %add3A_34, %dma_start3A_41] : memref<2x10240x128xf32, #tpu.memory_space<hbm>> -> memref<1x128x128xf32, #tpu.memory_space<hbm>>
      %dma_start3A_43 = tpu.memref_squeeze %dma_start3A_42 : memref<1x128x128xf32, #tpu.memory_space<hbm>> -> memref<128x128xf32, #tpu.memory_space<hbm>>
      %dma_start3A_44 = arith.constant 0 : i32
      %dma_start3A_45 = tpu.memref_slice %arg5[%arg0, %add3A_34, %dma_start3A_44] : memref<2x10240x128xf32, #tpu.memory_space<hbm>> -> memref<1x128x128xf32, #tpu.memory_space<hbm>>
      %dma_start3A_46 = tpu.memref_squeeze %dma_start3A_45 : memref<1x128x128xf32, #tpu.memory_space<hbm>> -> memref<128x128xf32, #tpu.memory_space<hbm>>
      %dma_start3A_47 = arith.constant 0 : i32
      %dma_start3A_48 = arith.constant 0 : i32
      %dma_start3A_49 = tpu.memref_slice %arg7[%dma_start3A_47, %dma_start3A_48] : memref<128x128xf32, #tpu.memory_space<vmem>> -> memref<128x128xf32, #tpu.memory_space<vmem>>
      tpu.enqueue_dma source(%dma_start3A_49 : memref<128x128xf32, #tpu.memory_space<vmem>>) target(%dma_start3A_46 : memref<128x128xf32, #tpu.memory_space<hbm>>) target_semaphore(%run_scoped3A : memref<!tpu.dma_semaphore, #tpu.memory_space<semaphore_mem>>)
      %dma_wait3A = arith.constant 0 : i32
      %dma_wait3A_50 = arith.constant 0 : i32
      %dma_wait3A_51 = tpu.memref_slice %arg7[%dma_wait3A, %dma_wait3A_50] : memref<128x128xf32, #tpu.memory_space<vmem>> -> memref<128x128xf32, #tpu.memory_space<vmem>>
      %dma_wait3A_52 = arith.constant 0 : i32
      %dma_wait3A_53 = tpu.memref_slice %arg5[%arg0, %add3A_34, %dma_wait3A_52] : memref<2x10240x128xf32, #tpu.memory_space<hbm>> -> memref<1x128x128xf32, #tpu.memory_space<hbm>>
      %dma_wait3A_54 = tpu.memref_squeeze %dma_wait3A_53 : memref<1x128x128xf32, #tpu.memory_space<hbm>> -> memref<128x128xf32, #tpu.memory_space<hbm>>
      %dma_wait3A_55 = arith.constant 0 : i32
      %dma_wait3A_56 = tpu.memref_slice %arg5[%arg0, %add3A_34, %dma_wait3A_55] : memref<2x10240x128xf32, #tpu.memory_space<hbm>> -> memref<1x128x128xf32, #tpu.memory_space<hbm>>
      %dma_wait3A_57 = tpu.memref_squeeze %dma_wait3A_56 : memref<1x128x128xf32, #tpu.memory_space<hbm>> -> memref<128x128xf32, #tpu.memory_space<hbm>>
      %dma_wait3A_58 = arith.constant 0 : i32
      %dma_wait3A_59 = arith.constant 0 : i32
      %dma_wait3A_60 = tpu.memref_slice %arg7[%dma_wait3A_58, %dma_wait3A_59] : memref<128x128xf32, #tpu.memory_space<vmem>> -> memref<128x128xf32, #tpu.memory_space<vmem>>
      tpu.wait_dma2 semaphore(%run_scoped3A : memref<!tpu.dma_semaphore, #tpu.memory_space<semaphore_mem>>) src(%dma_wait3A_60 : memref<128x128xf32, #tpu.memory_space<vmem>>) dst(%dma_wait3A_57 : memref<128x128xf32, #tpu.memory_space<hbm>>)
      tpu.yield
    }) : () -> ()
    %add3A_35 = arith.constant 512 : i32
    %add3A_36 = arith.addi %mul3A_2, %add3A_35 : i32
    "tpu.region"() ({
      %run_scoped3A = tpu.sem_alloc : memref<!tpu.dma_semaphore, #tpu.memory_space<semaphore_mem>>
      %dma_start3A = arith.constant 0 : i32
      %dma_start3A_39 = arith.constant 0 : i32
      %dma_start3A_40 = tpu.memref_slice %arg7[%dma_start3A, %dma_start3A_39] : memref<128x128xf32, #tpu.memory_space<vmem>> -> memref<128x128xf32, #tpu.memory_space<vmem>>
      %dma_start3A_41 = arith.constant 0 : i32
      %dma_start3A_42 = tpu.memref_slice %arg8[%add3A_36, %dma_start3A_41] : memref<10240x128xf32, #tpu.memory_space<vmem_shared>> -> memref<128x128xf32, #tpu.memory_space<vmem_shared>>
      %dma_start3A_43 = arith.constant 0 : i32
      %dma_start3A_44 = arith.constant 0 : i32
      %dma_start3A_45 = tpu.memref_slice %arg7[%dma_start3A_43, %dma_start3A_44] : memref<128x128xf32, #tpu.memory_space<vmem>> -> memref<128x128xf32, #tpu.memory_space<vmem>>
      %dma_start3A_46 = arith.constant 0 : i32
      %dma_start3A_47 = tpu.memref_slice %arg8[%add3A_36, %dma_start3A_46] : memref<10240x128xf32, #tpu.memory_space<vmem_shared>> -> memref<128x128xf32, #tpu.memory_space<vmem_shared>>
      tpu.enqueue_dma source(%dma_start3A_47 : memref<128x128xf32, #tpu.memory_space<vmem_shared>>) target(%dma_start3A_45 : memref<128x128xf32, #tpu.memory_space<vmem>>) target_semaphore(%run_scoped3A : memref<!tpu.dma_semaphore, #tpu.memory_space<semaphore_mem>>)
      %dma_wait3A = arith.constant 0 : i32
      %dma_wait3A_48 = arith.constant 0 : i32
      %dma_wait3A_49 = tpu.memref_slice %arg7[%dma_wait3A, %dma_wait3A_48] : memref<128x128xf32, #tpu.memory_space<vmem>> -> memref<128x128xf32, #tpu.memory_space<vmem>>
      %dma_wait3A_50 = arith.constant 0 : i32
      %dma_wait3A_51 = tpu.memref_slice %arg8[%add3A_36, %dma_wait3A_50] : memref<10240x128xf32, #tpu.memory_space<vmem_shared>> -> memref<128x128xf32, #tpu.memory_space<vmem_shared>>
      %dma_wait3A_52 = arith.constant 0 : i32
      %dma_wait3A_53 = arith.constant 0 : i32
      %dma_wait3A_54 = tpu.memref_slice %arg7[%dma_wait3A_52, %dma_wait3A_53] : memref<128x128xf32, #tpu.memory_space<vmem>> -> memref<128x128xf32, #tpu.memory_space<vmem>>
      %dma_wait3A_55 = arith.constant 0 : i32
      %dma_wait3A_56 = tpu.memref_slice %arg8[%add3A_36, %dma_wait3A_55] : memref<10240x128xf32, #tpu.memory_space<vmem_shared>> -> memref<128x128xf32, #tpu.memory_space<vmem_shared>>
      tpu.wait_dma2 semaphore(%run_scoped3A : memref<!tpu.dma_semaphore, #tpu.memory_space<semaphore_mem>>) src(%dma_wait3A_56 : memref<128x128xf32, #tpu.memory_space<vmem_shared>>) dst(%dma_wait3A_54 : memref<128x128xf32, #tpu.memory_space<vmem>>)
      tpu.yield
    }) : () -> ()
    %add3A_37 = arith.constant 512 : i32
    %add3A_38 = arith.addi %mul3A_2, %add3A_37 : i32
    "tpu.region"() ({
      %run_scoped3A = tpu.sem_alloc : memref<!tpu.dma_semaphore, #tpu.memory_space<semaphore_mem>>
      %dma_start3A = arith.constant 0 : i32
      %dma_start3A_39 = arith.constant 0 : i32
      %dma_start3A_40 = tpu.memref_slice %arg7[%dma_start3A, %dma_start3A_39] : memref<128x128xf32, #tpu.memory_space<vmem>> -> memref<128x128xf32, #tpu.memory_space<vmem>>
      %dma_start3A_41 = arith.constant 0 : i32
      %dma_start3A_42 = tpu.memref_slice %arg5[%arg0, %add3A_38, %dma_start3A_41] : memref<2x10240x128xf32, #tpu.memory_space<hbm>> -> memref<1x128x128xf32, #tpu.memory_space<hbm>>
      %dma_start3A_43 = tpu.memref_squeeze %dma_start3A_42 : memref<1x128x128xf32, #tpu.memory_space<hbm>> -> memref<128x128xf32, #tpu.memory_space<hbm>>
      %dma_start3A_44 = arith.constant 0 : i32
      %dma_start3A_45 = tpu.memref_slice %arg5[%arg0, %add3A_38, %dma_start3A_44] : memref<2x10240x128xf32, #tpu.memory_space<hbm>> -> memref<1x128x128xf32, #tpu.memory_space<hbm>>
      %dma_start3A_46 = tpu.memref_squeeze %dma_start3A_45 : memref<1x128x128xf32, #tpu.memory_space<hbm>> -> memref<128x128xf32, #tpu.memory_space<hbm>>
      %dma_start3A_47 = arith.constant 0 : i32
      %dma_start3A_48 = arith.constant 0 : i32
      %dma_start3A_49 = tpu.memref_slice %arg7[%dma_start3A_47, %dma_start3A_48] : memref<128x128xf32, #tpu.memory_space<vmem>> -> memref<128x128xf32, #tpu.memory_space<vmem>>
      tpu.enqueue_dma source(%dma_start3A_49 : memref<128x128xf32, #tpu.memory_space<vmem>>) target(%dma_start3A_46 : memref<128x128xf32, #tpu.memory_space<hbm>>) target_semaphore(%run_scoped3A : memref<!tpu.dma_semaphore, #tpu.memory_space<semaphore_mem>>)
      %dma_wait3A = arith.constant 0 : i32
      %dma_wait3A_50 = arith.constant 0 : i32
      %dma_wait3A_51 = tpu.memref_slice %arg7[%dma_wait3A, %dma_wait3A_50] : memref<128x128xf32, #tpu.memory_space<vmem>> -> memref<128x128xf32, #tpu.memory_space<vmem>>
      %dma_wait3A_52 = arith.constant 0 : i32
      %dma_wait3A_53 = tpu.memref_slice %arg5[%arg0, %add3A_38, %dma_wait3A_52] : memref<2x10240x128xf32, #tpu.memory_space<hbm>> -> memref<1x128x128xf32, #tpu.memory_space<hbm>>
      %dma_wait3A_54 = tpu.memref_squeeze %dma_wait3A_53 : memref<1x128x128xf32, #tpu.memory_space<hbm>> -> memref<128x128xf32, #tpu.memory_space<hbm>>
      %dma_wait3A_55 = arith.constant 0 : i32
      %dma_wait3A_56 = tpu.memref_slice %arg5[%arg0, %add3A_38, %dma_wait3A_55] : memref<2x10240x128xf32, #tpu.memory_space<hbm>> -> memref<1x128x128xf32, #tpu.memory_space<hbm>>
      %dma_wait3A_57 = tpu.memref_squeeze %dma_wait3A_56 : memref<1x128x128xf32, #tpu.memory_space<hbm>> -> memref<128x128xf32, #tpu.memory_space<hbm>>
      %dma_wait3A_58 = arith.constant 0 : i32
      %dma_wait3A_59 = arith.constant 0 : i32
      %dma_wait3A_60 = tpu.memref_slice %arg7[%dma_wait3A_58, %dma_wait3A_59] : memref<128x128xf32, #tpu.memory_space<vmem>> -> memref<128x128xf32, #tpu.memory_space<vmem>>
      tpu.wait_dma2 semaphore(%run_scoped3A : memref<!tpu.dma_semaphore, #tpu.memory_space<semaphore_mem>>) src(%dma_wait3A_60 : memref<128x128xf32, #tpu.memory_space<vmem>>) dst(%dma_wait3A_57 : memref<128x128xf32, #tpu.memory_space<hbm>>)
      tpu.yield
    }) : () -> ()
    return
  }
}

#map = affine_map<(d0, d1) -> (0, 0)>
#map1 = affine_map<(d0, d1) -> (0, 0, 0)>
module attributes {stable_mosaic.version = 14 : i64} {
  func.func @_agg_body(%arg0: i32, %arg1: i32, %arg2: memref<10000x128xf32, #tpu.memory_space<hbm>>, %arg3: memref<2560x128xi32, #tpu.memory_space<hbm>>, %arg4: memref<2560x128xi32, #tpu.memory_space<hbm>>, %arg5: memref<128x128xf32, #tpu.memory_space<hbm>>, %arg6: memref<2x10240x128xf32, #tpu.memory_space<hbm>>, %arg7: memref<128xi32, #tpu.memory_space<vmem>>, %arg8: memref<128xi32, #tpu.memory_space<vmem>>, %arg9: memref<128x128xf32, #tpu.memory_space<vmem>>, %arg10: memref<10240x128xf32, #tpu.memory_space<vmem_shared>>) attributes {dimension_semantics = [#tpu.dimension_semantics<core_parallel>, #tpu.dimension_semantics<subcore_parallel>], iteration_bounds = array<i64: 2, 16>, scalar_prefetch = 0 : i64, scratch_operands = 4 : i64, tpu.core_type = #tpu.core_type<sc_vector_subcore>, window_params = [{transform_indices = #map}, {transform_indices = #map}, {transform_indices = #map}, {transform_indices = #map}, {transform_indices = #map1}]} {
    %mul3A = arith.constant 640 : i32
    %mul3A_0 = arith.muli %arg1, %mul3A : i32
    "tpu.region"() ({
      %run_scoped3A = tpu.sem_alloc : memref<!tpu.dma_semaphore, #tpu.memory_space<semaphore_mem>>
      %dma_start3A = arith.constant 0 : i32
      %dma_start3A_51 = arith.constant 0 : i32
      %dma_start3A_52 = tpu.memref_slice %arg9[%dma_start3A, %dma_start3A_51] : memref<128x128xf32, #tpu.memory_space<vmem>> -> memref<128x128xf32, #tpu.memory_space<vmem>>
      %dma_start3A_53 = arith.constant 0 : i32
      %dma_start3A_54 = arith.constant 0 : i32
      %dma_start3A_55 = tpu.memref_slice %arg9[%dma_start3A_53, %dma_start3A_54] : memref<128x128xf32, #tpu.memory_space<vmem>> -> memref<128x128xf32, #tpu.memory_space<vmem>>
      tpu.enqueue_dma source(%arg5 : memref<128x128xf32, #tpu.memory_space<hbm>>) target(%dma_start3A_55 : memref<128x128xf32, #tpu.memory_space<vmem>>) target_semaphore(%run_scoped3A : memref<!tpu.dma_semaphore, #tpu.memory_space<semaphore_mem>>)
      %dma_wait3A = arith.constant 0 : i32
      %dma_wait3A_56 = arith.constant 0 : i32
      %dma_wait3A_57 = tpu.memref_slice %arg9[%dma_wait3A, %dma_wait3A_56] : memref<128x128xf32, #tpu.memory_space<vmem>> -> memref<128x128xf32, #tpu.memory_space<vmem>>
      %dma_wait3A_58 = arith.constant 0 : i32
      %dma_wait3A_59 = arith.constant 0 : i32
      %dma_wait3A_60 = tpu.memref_slice %arg9[%dma_wait3A_58, %dma_wait3A_59] : memref<128x128xf32, #tpu.memory_space<vmem>> -> memref<128x128xf32, #tpu.memory_space<vmem>>
      tpu.wait_dma2 semaphore(%run_scoped3A : memref<!tpu.dma_semaphore, #tpu.memory_space<semaphore_mem>>) src(%arg5 : memref<128x128xf32, #tpu.memory_space<hbm>>) dst(%dma_wait3A_60 : memref<128x128xf32, #tpu.memory_space<vmem>>)
      tpu.yield
    }) : () -> ()
    %add3A = arith.constant 0 : i32
    %add3A_1 = arith.addi %mul3A_0, %add3A : i32
    "tpu.region"() ({
      %run_scoped3A = tpu.sem_alloc : memref<!tpu.dma_semaphore, #tpu.memory_space<semaphore_mem>>
      %dma_start3A = arith.constant 0 : i32
      %dma_start3A_51 = arith.constant 0 : i32
      %dma_start3A_52 = tpu.memref_slice %arg9[%dma_start3A, %dma_start3A_51] : memref<128x128xf32, #tpu.memory_space<vmem>> -> memref<128x128xf32, #tpu.memory_space<vmem>>
      %dma_start3A_53 = arith.constant 0 : i32
      %dma_start3A_54 = tpu.memref_slice %arg10[%add3A_1, %dma_start3A_53] : memref<10240x128xf32, #tpu.memory_space<vmem_shared>> -> memref<128x128xf32, #tpu.memory_space<vmem_shared>>
      %dma_start3A_55 = arith.constant 0 : i32
      %dma_start3A_56 = tpu.memref_slice %arg10[%add3A_1, %dma_start3A_55] : memref<10240x128xf32, #tpu.memory_space<vmem_shared>> -> memref<128x128xf32, #tpu.memory_space<vmem_shared>>
      %dma_start3A_57 = arith.constant 0 : i32
      %dma_start3A_58 = arith.constant 0 : i32
      %dma_start3A_59 = tpu.memref_slice %arg9[%dma_start3A_57, %dma_start3A_58] : memref<128x128xf32, #tpu.memory_space<vmem>> -> memref<128x128xf32, #tpu.memory_space<vmem>>
      tpu.enqueue_dma source(%dma_start3A_59 : memref<128x128xf32, #tpu.memory_space<vmem>>) target(%dma_start3A_56 : memref<128x128xf32, #tpu.memory_space<vmem_shared>>) target_semaphore(%run_scoped3A : memref<!tpu.dma_semaphore, #tpu.memory_space<semaphore_mem>>)
      %dma_wait3A = arith.constant 0 : i32
      %dma_wait3A_60 = arith.constant 0 : i32
      %dma_wait3A_61 = tpu.memref_slice %arg9[%dma_wait3A, %dma_wait3A_60] : memref<128x128xf32, #tpu.memory_space<vmem>> -> memref<128x128xf32, #tpu.memory_space<vmem>>
      %dma_wait3A_62 = arith.constant 0 : i32
      %dma_wait3A_63 = tpu.memref_slice %arg10[%add3A_1, %dma_wait3A_62] : memref<10240x128xf32, #tpu.memory_space<vmem_shared>> -> memref<128x128xf32, #tpu.memory_space<vmem_shared>>
      %dma_wait3A_64 = arith.constant 0 : i32
      %dma_wait3A_65 = tpu.memref_slice %arg10[%add3A_1, %dma_wait3A_64] : memref<10240x128xf32, #tpu.memory_space<vmem_shared>> -> memref<128x128xf32, #tpu.memory_space<vmem_shared>>
      %dma_wait3A_66 = arith.constant 0 : i32
      %dma_wait3A_67 = arith.constant 0 : i32
      %dma_wait3A_68 = tpu.memref_slice %arg9[%dma_wait3A_66, %dma_wait3A_67] : memref<128x128xf32, #tpu.memory_space<vmem>> -> memref<128x128xf32, #tpu.memory_space<vmem>>
      tpu.wait_dma2 semaphore(%run_scoped3A : memref<!tpu.dma_semaphore, #tpu.memory_space<semaphore_mem>>) src(%dma_wait3A_68 : memref<128x128xf32, #tpu.memory_space<vmem>>) dst(%dma_wait3A_65 : memref<128x128xf32, #tpu.memory_space<vmem_shared>>)
      tpu.yield
    }) : () -> ()
    %add3A_2 = arith.constant 128 : i32
    %add3A_3 = arith.addi %mul3A_0, %add3A_2 : i32
    "tpu.region"() ({
      %run_scoped3A = tpu.sem_alloc : memref<!tpu.dma_semaphore, #tpu.memory_space<semaphore_mem>>
      %dma_start3A = arith.constant 0 : i32
      %dma_start3A_51 = arith.constant 0 : i32
      %dma_start3A_52 = tpu.memref_slice %arg9[%dma_start3A, %dma_start3A_51] : memref<128x128xf32, #tpu.memory_space<vmem>> -> memref<128x128xf32, #tpu.memory_space<vmem>>
      %dma_start3A_53 = arith.constant 0 : i32
      %dma_start3A_54 = tpu.memref_slice %arg10[%add3A_3, %dma_start3A_53] : memref<10240x128xf32, #tpu.memory_space<vmem_shared>> -> memref<128x128xf32, #tpu.memory_space<vmem_shared>>
      %dma_start3A_55 = arith.constant 0 : i32
      %dma_start3A_56 = tpu.memref_slice %arg10[%add3A_3, %dma_start3A_55] : memref<10240x128xf32, #tpu.memory_space<vmem_shared>> -> memref<128x128xf32, #tpu.memory_space<vmem_shared>>
      %dma_start3A_57 = arith.constant 0 : i32
      %dma_start3A_58 = arith.constant 0 : i32
      %dma_start3A_59 = tpu.memref_slice %arg9[%dma_start3A_57, %dma_start3A_58] : memref<128x128xf32, #tpu.memory_space<vmem>> -> memref<128x128xf32, #tpu.memory_space<vmem>>
      tpu.enqueue_dma source(%dma_start3A_59 : memref<128x128xf32, #tpu.memory_space<vmem>>) target(%dma_start3A_56 : memref<128x128xf32, #tpu.memory_space<vmem_shared>>) target_semaphore(%run_scoped3A : memref<!tpu.dma_semaphore, #tpu.memory_space<semaphore_mem>>)
      %dma_wait3A = arith.constant 0 : i32
      %dma_wait3A_60 = arith.constant 0 : i32
      %dma_wait3A_61 = tpu.memref_slice %arg9[%dma_wait3A, %dma_wait3A_60] : memref<128x128xf32, #tpu.memory_space<vmem>> -> memref<128x128xf32, #tpu.memory_space<vmem>>
      %dma_wait3A_62 = arith.constant 0 : i32
      %dma_wait3A_63 = tpu.memref_slice %arg10[%add3A_3, %dma_wait3A_62] : memref<10240x128xf32, #tpu.memory_space<vmem_shared>> -> memref<128x128xf32, #tpu.memory_space<vmem_shared>>
      %dma_wait3A_64 = arith.constant 0 : i32
      %dma_wait3A_65 = tpu.memref_slice %arg10[%add3A_3, %dma_wait3A_64] : memref<10240x128xf32, #tpu.memory_space<vmem_shared>> -> memref<128x128xf32, #tpu.memory_space<vmem_shared>>
      %dma_wait3A_66 = arith.constant 0 : i32
      %dma_wait3A_67 = arith.constant 0 : i32
      %dma_wait3A_68 = tpu.memref_slice %arg9[%dma_wait3A_66, %dma_wait3A_67] : memref<128x128xf32, #tpu.memory_space<vmem>> -> memref<128x128xf32, #tpu.memory_space<vmem>>
      tpu.wait_dma2 semaphore(%run_scoped3A : memref<!tpu.dma_semaphore, #tpu.memory_space<semaphore_mem>>) src(%dma_wait3A_68 : memref<128x128xf32, #tpu.memory_space<vmem>>) dst(%dma_wait3A_65 : memref<128x128xf32, #tpu.memory_space<vmem_shared>>)
      tpu.yield
    }) : () -> ()
    %add3A_4 = arith.constant 256 : i32
    %add3A_5 = arith.addi %mul3A_0, %add3A_4 : i32
    "tpu.region"() ({
      %run_scoped3A = tpu.sem_alloc : memref<!tpu.dma_semaphore, #tpu.memory_space<semaphore_mem>>
      %dma_start3A = arith.constant 0 : i32
      %dma_start3A_51 = arith.constant 0 : i32
      %dma_start3A_52 = tpu.memref_slice %arg9[%dma_start3A, %dma_start3A_51] : memref<128x128xf32, #tpu.memory_space<vmem>> -> memref<128x128xf32, #tpu.memory_space<vmem>>
      %dma_start3A_53 = arith.constant 0 : i32
      %dma_start3A_54 = tpu.memref_slice %arg10[%add3A_5, %dma_start3A_53] : memref<10240x128xf32, #tpu.memory_space<vmem_shared>> -> memref<128x128xf32, #tpu.memory_space<vmem_shared>>
      %dma_start3A_55 = arith.constant 0 : i32
      %dma_start3A_56 = tpu.memref_slice %arg10[%add3A_5, %dma_start3A_55] : memref<10240x128xf32, #tpu.memory_space<vmem_shared>> -> memref<128x128xf32, #tpu.memory_space<vmem_shared>>
      %dma_start3A_57 = arith.constant 0 : i32
      %dma_start3A_58 = arith.constant 0 : i32
      %dma_start3A_59 = tpu.memref_slice %arg9[%dma_start3A_57, %dma_start3A_58] : memref<128x128xf32, #tpu.memory_space<vmem>> -> memref<128x128xf32, #tpu.memory_space<vmem>>
      tpu.enqueue_dma source(%dma_start3A_59 : memref<128x128xf32, #tpu.memory_space<vmem>>) target(%dma_start3A_56 : memref<128x128xf32, #tpu.memory_space<vmem_shared>>) target_semaphore(%run_scoped3A : memref<!tpu.dma_semaphore, #tpu.memory_space<semaphore_mem>>)
      %dma_wait3A = arith.constant 0 : i32
      %dma_wait3A_60 = arith.constant 0 : i32
      %dma_wait3A_61 = tpu.memref_slice %arg9[%dma_wait3A, %dma_wait3A_60] : memref<128x128xf32, #tpu.memory_space<vmem>> -> memref<128x128xf32, #tpu.memory_space<vmem>>
      %dma_wait3A_62 = arith.constant 0 : i32
      %dma_wait3A_63 = tpu.memref_slice %arg10[%add3A_5, %dma_wait3A_62] : memref<10240x128xf32, #tpu.memory_space<vmem_shared>> -> memref<128x128xf32, #tpu.memory_space<vmem_shared>>
      %dma_wait3A_64 = arith.constant 0 : i32
      %dma_wait3A_65 = tpu.memref_slice %arg10[%add3A_5, %dma_wait3A_64] : memref<10240x128xf32, #tpu.memory_space<vmem_shared>> -> memref<128x128xf32, #tpu.memory_space<vmem_shared>>
      %dma_wait3A_66 = arith.constant 0 : i32
      %dma_wait3A_67 = arith.constant 0 : i32
      %dma_wait3A_68 = tpu.memref_slice %arg9[%dma_wait3A_66, %dma_wait3A_67] : memref<128x128xf32, #tpu.memory_space<vmem>> -> memref<128x128xf32, #tpu.memory_space<vmem>>
      tpu.wait_dma2 semaphore(%run_scoped3A : memref<!tpu.dma_semaphore, #tpu.memory_space<semaphore_mem>>) src(%dma_wait3A_68 : memref<128x128xf32, #tpu.memory_space<vmem>>) dst(%dma_wait3A_65 : memref<128x128xf32, #tpu.memory_space<vmem_shared>>)
      tpu.yield
    }) : () -> ()
    %add3A_6 = arith.constant 384 : i32
    %add3A_7 = arith.addi %mul3A_0, %add3A_6 : i32
    "tpu.region"() ({
      %run_scoped3A = tpu.sem_alloc : memref<!tpu.dma_semaphore, #tpu.memory_space<semaphore_mem>>
      %dma_start3A = arith.constant 0 : i32
      %dma_start3A_51 = arith.constant 0 : i32
      %dma_start3A_52 = tpu.memref_slice %arg9[%dma_start3A, %dma_start3A_51] : memref<128x128xf32, #tpu.memory_space<vmem>> -> memref<128x128xf32, #tpu.memory_space<vmem>>
      %dma_start3A_53 = arith.constant 0 : i32
      %dma_start3A_54 = tpu.memref_slice %arg10[%add3A_7, %dma_start3A_53] : memref<10240x128xf32, #tpu.memory_space<vmem_shared>> -> memref<128x128xf32, #tpu.memory_space<vmem_shared>>
      %dma_start3A_55 = arith.constant 0 : i32
      %dma_start3A_56 = tpu.memref_slice %arg10[%add3A_7, %dma_start3A_55] : memref<10240x128xf32, #tpu.memory_space<vmem_shared>> -> memref<128x128xf32, #tpu.memory_space<vmem_shared>>
      %dma_start3A_57 = arith.constant 0 : i32
      %dma_start3A_58 = arith.constant 0 : i32
      %dma_start3A_59 = tpu.memref_slice %arg9[%dma_start3A_57, %dma_start3A_58] : memref<128x128xf32, #tpu.memory_space<vmem>> -> memref<128x128xf32, #tpu.memory_space<vmem>>
      tpu.enqueue_dma source(%dma_start3A_59 : memref<128x128xf32, #tpu.memory_space<vmem>>) target(%dma_start3A_56 : memref<128x128xf32, #tpu.memory_space<vmem_shared>>) target_semaphore(%run_scoped3A : memref<!tpu.dma_semaphore, #tpu.memory_space<semaphore_mem>>)
      %dma_wait3A = arith.constant 0 : i32
      %dma_wait3A_60 = arith.constant 0 : i32
      %dma_wait3A_61 = tpu.memref_slice %arg9[%dma_wait3A, %dma_wait3A_60] : memref<128x128xf32, #tpu.memory_space<vmem>> -> memref<128x128xf32, #tpu.memory_space<vmem>>
      %dma_wait3A_62 = arith.constant 0 : i32
      %dma_wait3A_63 = tpu.memref_slice %arg10[%add3A_7, %dma_wait3A_62] : memref<10240x128xf32, #tpu.memory_space<vmem_shared>> -> memref<128x128xf32, #tpu.memory_space<vmem_shared>>
      %dma_wait3A_64 = arith.constant 0 : i32
      %dma_wait3A_65 = tpu.memref_slice %arg10[%add3A_7, %dma_wait3A_64] : memref<10240x128xf32, #tpu.memory_space<vmem_shared>> -> memref<128x128xf32, #tpu.memory_space<vmem_shared>>
      %dma_wait3A_66 = arith.constant 0 : i32
      %dma_wait3A_67 = arith.constant 0 : i32
      %dma_wait3A_68 = tpu.memref_slice %arg9[%dma_wait3A_66, %dma_wait3A_67] : memref<128x128xf32, #tpu.memory_space<vmem>> -> memref<128x128xf32, #tpu.memory_space<vmem>>
      tpu.wait_dma2 semaphore(%run_scoped3A : memref<!tpu.dma_semaphore, #tpu.memory_space<semaphore_mem>>) src(%dma_wait3A_68 : memref<128x128xf32, #tpu.memory_space<vmem>>) dst(%dma_wait3A_65 : memref<128x128xf32, #tpu.memory_space<vmem_shared>>)
      tpu.yield
    }) : () -> ()
    %add3A_8 = arith.constant 512 : i32
    %add3A_9 = arith.addi %mul3A_0, %add3A_8 : i32
    "tpu.region"() ({
      %run_scoped3A = tpu.sem_alloc : memref<!tpu.dma_semaphore, #tpu.memory_space<semaphore_mem>>
      %dma_start3A = arith.constant 0 : i32
      %dma_start3A_51 = arith.constant 0 : i32
      %dma_start3A_52 = tpu.memref_slice %arg9[%dma_start3A, %dma_start3A_51] : memref<128x128xf32, #tpu.memory_space<vmem>> -> memref<128x128xf32, #tpu.memory_space<vmem>>
      %dma_start3A_53 = arith.constant 0 : i32
      %dma_start3A_54 = tpu.memref_slice %arg10[%add3A_9, %dma_start3A_53] : memref<10240x128xf32, #tpu.memory_space<vmem_shared>> -> memref<128x128xf32, #tpu.memory_space<vmem_shared>>
      %dma_start3A_55 = arith.constant 0 : i32
      %dma_start3A_56 = tpu.memref_slice %arg10[%add3A_9, %dma_start3A_55] : memref<10240x128xf32, #tpu.memory_space<vmem_shared>> -> memref<128x128xf32, #tpu.memory_space<vmem_shared>>
      %dma_start3A_57 = arith.constant 0 : i32
      %dma_start3A_58 = arith.constant 0 : i32
      %dma_start3A_59 = tpu.memref_slice %arg9[%dma_start3A_57, %dma_start3A_58] : memref<128x128xf32, #tpu.memory_space<vmem>> -> memref<128x128xf32, #tpu.memory_space<vmem>>
      tpu.enqueue_dma source(%dma_start3A_59 : memref<128x128xf32, #tpu.memory_space<vmem>>) target(%dma_start3A_56 : memref<128x128xf32, #tpu.memory_space<vmem_shared>>) target_semaphore(%run_scoped3A : memref<!tpu.dma_semaphore, #tpu.memory_space<semaphore_mem>>)
      %dma_wait3A = arith.constant 0 : i32
      %dma_wait3A_60 = arith.constant 0 : i32
      %dma_wait3A_61 = tpu.memref_slice %arg9[%dma_wait3A, %dma_wait3A_60] : memref<128x128xf32, #tpu.memory_space<vmem>> -> memref<128x128xf32, #tpu.memory_space<vmem>>
      %dma_wait3A_62 = arith.constant 0 : i32
      %dma_wait3A_63 = tpu.memref_slice %arg10[%add3A_9, %dma_wait3A_62] : memref<10240x128xf32, #tpu.memory_space<vmem_shared>> -> memref<128x128xf32, #tpu.memory_space<vmem_shared>>
      %dma_wait3A_64 = arith.constant 0 : i32
      %dma_wait3A_65 = tpu.memref_slice %arg10[%add3A_9, %dma_wait3A_64] : memref<10240x128xf32, #tpu.memory_space<vmem_shared>> -> memref<128x128xf32, #tpu.memory_space<vmem_shared>>
      %dma_wait3A_66 = arith.constant 0 : i32
      %dma_wait3A_67 = arith.constant 0 : i32
      %dma_wait3A_68 = tpu.memref_slice %arg9[%dma_wait3A_66, %dma_wait3A_67] : memref<128x128xf32, #tpu.memory_space<vmem>> -> memref<128x128xf32, #tpu.memory_space<vmem>>
      tpu.wait_dma2 semaphore(%run_scoped3A : memref<!tpu.dma_semaphore, #tpu.memory_space<semaphore_mem>>) src(%dma_wait3A_68 : memref<128x128xf32, #tpu.memory_space<vmem>>) dst(%dma_wait3A_65 : memref<128x128xf32, #tpu.memory_space<vmem_shared>>)
      tpu.yield
    }) : () -> ()
    %barrier3A = arith.constant 0 : index
    tpu.barrier barrier_id(%barrier3A)
    %eq3A = arith.constant 0 : i32
    %eq3A_10 = arith.cmpi eq, %arg0, %eq3A : i32
    %jit3A = arith.constant 62 : i32
    %jit3A_11 = arith.constant 98 : i32
    %select_n3A = arith.select %eq3A_10, %jit3A, %jit3A_11 : i32
    %eq3A_12 = arith.constant 0 : i32
    %eq3A_13 = arith.cmpi eq, %arg0, %eq3A_12 : i32
    %mul3A_14 = arith.constant 62 : i32
    %mul3A_15 = arith.muli %arg1, %mul3A_14 : i32
    %mul3A_16 = arith.constant 98 : i32
    %mul3A_17 = arith.muli %arg1, %mul3A_16 : i32
    %add3A_18 = arith.constant 992 : i32
    %add3A_19 = arith.addi %add3A_18, %mul3A_17 : i32
    %select_n3A_20 = arith.select %eq3A_13, %mul3A_15, %add3A_19 : i32
    %while3A = arith.constant 0 : i32
    %while3A_21 = arith.constant 0 : i32
    %while3A_22 = arith.subi %select_n3A, %while3A_21 : i32
    %while3A_23 = arith.addi %while3A_21, %while3A_22 : i32
    %while3A_24 = arith.constant 1 : i32
    %while3A_25 = arith.divsi %while3A_22, %while3A_24 : i32
    %while3A_26 = arith.muli %while3A_25, %while3A_24 : i32
    %while3A_27 = arith.addi %while3A_21, %while3A_26 : i32
    %while3A_28 = arith.constant 1 : i32
    scf.for %while3A_51 = %while3A_21 to %while3A_27 step %while3A_28  : i32 {
      %add3A_52 = arith.addi %select_n3A_20, %while3A_51 : i32
      "tpu.region"() ({
        %run_scoped3A = tpu.sem_alloc : memref<!tpu.dma_semaphore, #tpu.memory_space<semaphore_mem>>
        %dma_start3A = arith.constant 0 : i32
        %dma_start3A_53 = tpu.memref_slice %arg3[%add3A_52, %dma_start3A] : memref<2560x128xi32, #tpu.memory_space<hbm>> -> memref<1x128xi32, #tpu.memory_space<hbm>>
        %dma_start3A_54 = tpu.memref_squeeze %dma_start3A_53 : memref<1x128xi32, #tpu.memory_space<hbm>> -> memref<128xi32, #tpu.memory_space<hbm>>
        %dma_start3A_55 = arith.constant 0 : i32
        %dma_start3A_56 = tpu.memref_slice %arg3[%add3A_52, %dma_start3A_55] : memref<2560x128xi32, #tpu.memory_space<hbm>> -> memref<1x128xi32, #tpu.memory_space<hbm>>
        %dma_start3A_57 = tpu.memref_squeeze %dma_start3A_56 : memref<1x128xi32, #tpu.memory_space<hbm>> -> memref<128xi32, #tpu.memory_space<hbm>>
        tpu.enqueue_dma source(%dma_start3A_57 : memref<128xi32, #tpu.memory_space<hbm>>) target(%arg7 : memref<128xi32, #tpu.memory_space<vmem>>) target_semaphore(%run_scoped3A : memref<!tpu.dma_semaphore, #tpu.memory_space<semaphore_mem>>)
        %dma_wait3A = arith.constant 0 : i32
        %dma_wait3A_58 = tpu.memref_slice %arg3[%add3A_52, %dma_wait3A] : memref<2560x128xi32, #tpu.memory_space<hbm>> -> memref<1x128xi32, #tpu.memory_space<hbm>>
        %dma_wait3A_59 = tpu.memref_squeeze %dma_wait3A_58 : memref<1x128xi32, #tpu.memory_space<hbm>> -> memref<128xi32, #tpu.memory_space<hbm>>
        %dma_wait3A_60 = arith.constant 0 : i32
        %dma_wait3A_61 = tpu.memref_slice %arg3[%add3A_52, %dma_wait3A_60] : memref<2560x128xi32, #tpu.memory_space<hbm>> -> memref<1x128xi32, #tpu.memory_space<hbm>>
        %dma_wait3A_62 = tpu.memref_squeeze %dma_wait3A_61 : memref<1x128xi32, #tpu.memory_space<hbm>> -> memref<128xi32, #tpu.memory_space<hbm>>
        tpu.wait_dma2 semaphore(%run_scoped3A : memref<!tpu.dma_semaphore, #tpu.memory_space<semaphore_mem>>) src(%dma_wait3A_62 : memref<128xi32, #tpu.memory_space<hbm>>) dst(%arg7 : memref<128xi32, #tpu.memory_space<vmem>>)
        tpu.yield
      }) : () -> ()
      "tpu.region"() ({
        %run_scoped3A = tpu.sem_alloc : memref<!tpu.dma_semaphore, #tpu.memory_space<semaphore_mem>>
        %dma_start3A = arith.constant 0 : i32
        %dma_start3A_53 = tpu.memref_slice %arg4[%add3A_52, %dma_start3A] : memref<2560x128xi32, #tpu.memory_space<hbm>> -> memref<1x128xi32, #tpu.memory_space<hbm>>
        %dma_start3A_54 = tpu.memref_squeeze %dma_start3A_53 : memref<1x128xi32, #tpu.memory_space<hbm>> -> memref<128xi32, #tpu.memory_space<hbm>>
        %dma_start3A_55 = arith.constant 0 : i32
        %dma_start3A_56 = tpu.memref_slice %arg4[%add3A_52, %dma_start3A_55] : memref<2560x128xi32, #tpu.memory_space<hbm>> -> memref<1x128xi32, #tpu.memory_space<hbm>>
        %dma_start3A_57 = tpu.memref_squeeze %dma_start3A_56 : memref<1x128xi32, #tpu.memory_space<hbm>> -> memref<128xi32, #tpu.memory_space<hbm>>
        tpu.enqueue_dma source(%dma_start3A_57 : memref<128xi32, #tpu.memory_space<hbm>>) target(%arg8 : memref<128xi32, #tpu.memory_space<vmem>>) target_semaphore(%run_scoped3A : memref<!tpu.dma_semaphore, #tpu.memory_space<semaphore_mem>>)
        %dma_wait3A = arith.constant 0 : i32
        %dma_wait3A_58 = tpu.memref_slice %arg4[%add3A_52, %dma_wait3A] : memref<2560x128xi32, #tpu.memory_space<hbm>> -> memref<1x128xi32, #tpu.memory_space<hbm>>
        %dma_wait3A_59 = tpu.memref_squeeze %dma_wait3A_58 : memref<1x128xi32, #tpu.memory_space<hbm>> -> memref<128xi32, #tpu.memory_space<hbm>>
        %dma_wait3A_60 = arith.constant 0 : i32
        %dma_wait3A_61 = tpu.memref_slice %arg4[%add3A_52, %dma_wait3A_60] : memref<2560x128xi32, #tpu.memory_space<hbm>> -> memref<1x128xi32, #tpu.memory_space<hbm>>
        %dma_wait3A_62 = tpu.memref_squeeze %dma_wait3A_61 : memref<1x128xi32, #tpu.memory_space<hbm>> -> memref<128xi32, #tpu.memory_space<hbm>>
        tpu.wait_dma2 semaphore(%run_scoped3A : memref<!tpu.dma_semaphore, #tpu.memory_space<semaphore_mem>>) src(%dma_wait3A_62 : memref<128xi32, #tpu.memory_space<hbm>>) dst(%arg8 : memref<128xi32, #tpu.memory_space<vmem>>)
        tpu.yield
      }) : () -> ()
      "tpu.region"() ({
        %run_scoped3A = tpu.sem_alloc : memref<!tpu.dma_semaphore, #tpu.memory_space<semaphore_mem>>
        %dma_start3A = arith.constant 0 : i32
        %dma_start3A_53 = arith.constant 0 : i32
        %dma_start3A_54 = tpu.memref_slice %arg2[%dma_start3A, %dma_start3A_53] : memref<10000x128xf32, #tpu.memory_space<hbm>> -> memref<10000x128xf32, #tpu.memory_space<hbm>>
        tpu.enqueue_indirect_dma source(%dma_start3A_54 : memref<10000x128xf32, #tpu.memory_space<hbm>>) target(%arg9 : memref<128x128xf32, #tpu.memory_space<vmem>>) offsets(%arg7 : memref<128xi32, #tpu.memory_space<vmem>>) semaphore(%run_scoped3A : memref<!tpu.dma_semaphore, #tpu.memory_space<semaphore_mem>>)
        %dma_wait3A = arith.constant 0 : i32
        %dma_wait3A_55 = arith.constant 0 : i32
        %dma_wait3A_56 = tpu.memref_slice %arg2[%dma_wait3A, %dma_wait3A_55] : memref<10000x128xf32, #tpu.memory_space<hbm>> -> memref<10000x128xf32, #tpu.memory_space<hbm>>
        tpu.wait_indirect_dma semaphore(%run_scoped3A : memref<!tpu.dma_semaphore, #tpu.memory_space<semaphore_mem>>) src(%dma_wait3A_56 : memref<10000x128xf32, #tpu.memory_space<hbm>>) dst(%arg9 : memref<128x128xf32, #tpu.memory_space<vmem>>)
        tpu.yield
      }) : () -> ()
      "tpu.region"() ({
        %run_scoped3A = tpu.sem_alloc : memref<!tpu.dma_semaphore, #tpu.memory_space<semaphore_mem>>
        %dma_start3A = arith.constant 0 : i32
        %dma_start3A_53 = arith.constant 0 : i32
        %dma_start3A_54 = tpu.memref_slice %arg10[%dma_start3A, %dma_start3A_53] : memref<10240x128xf32, #tpu.memory_space<vmem_shared>> -> memref<10240x128xf32, #tpu.memory_space<vmem_shared>>
        tpu.enqueue_indirect_dma source(%arg9 : memref<128x128xf32, #tpu.memory_space<vmem>>) target(%dma_start3A_54 : memref<10240x128xf32, #tpu.memory_space<vmem_shared>>) offsets(%arg8 : memref<128xi32, #tpu.memory_space<vmem>>) semaphore(%run_scoped3A : memref<!tpu.dma_semaphore, #tpu.memory_space<semaphore_mem>>) {add = true}
        %dma_wait3A = arith.constant 0 : i32
        %dma_wait3A_55 = arith.constant 0 : i32
        %dma_wait3A_56 = tpu.memref_slice %arg10[%dma_wait3A, %dma_wait3A_55] : memref<10240x128xf32, #tpu.memory_space<vmem_shared>> -> memref<10240x128xf32, #tpu.memory_space<vmem_shared>>
        tpu.wait_indirect_dma semaphore(%run_scoped3A : memref<!tpu.dma_semaphore, #tpu.memory_space<semaphore_mem>>) src(%arg9 : memref<128x128xf32, #tpu.memory_space<vmem>>) dst(%dma_wait3A_56 : memref<10240x128xf32, #tpu.memory_space<vmem_shared>>)
        tpu.yield
      }) : () -> ()
    }
    %while3A_29 = arith.constant 1 : i32
    scf.for %while3A_51 = %while3A_27 to %while3A_23 step %while3A_29  : i32 {
      %add3A_52 = arith.addi %select_n3A_20, %while3A_51 : i32
      "tpu.region"() ({
        %run_scoped3A = tpu.sem_alloc : memref<!tpu.dma_semaphore, #tpu.memory_space<semaphore_mem>>
        %dma_start3A = arith.constant 0 : i32
        %dma_start3A_53 = tpu.memref_slice %arg3[%add3A_52, %dma_start3A] : memref<2560x128xi32, #tpu.memory_space<hbm>> -> memref<1x128xi32, #tpu.memory_space<hbm>>
        %dma_start3A_54 = tpu.memref_squeeze %dma_start3A_53 : memref<1x128xi32, #tpu.memory_space<hbm>> -> memref<128xi32, #tpu.memory_space<hbm>>
        %dma_start3A_55 = arith.constant 0 : i32
        %dma_start3A_56 = tpu.memref_slice %arg3[%add3A_52, %dma_start3A_55] : memref<2560x128xi32, #tpu.memory_space<hbm>> -> memref<1x128xi32, #tpu.memory_space<hbm>>
        %dma_start3A_57 = tpu.memref_squeeze %dma_start3A_56 : memref<1x128xi32, #tpu.memory_space<hbm>> -> memref<128xi32, #tpu.memory_space<hbm>>
        tpu.enqueue_dma source(%dma_start3A_57 : memref<128xi32, #tpu.memory_space<hbm>>) target(%arg7 : memref<128xi32, #tpu.memory_space<vmem>>) target_semaphore(%run_scoped3A : memref<!tpu.dma_semaphore, #tpu.memory_space<semaphore_mem>>)
        %dma_wait3A = arith.constant 0 : i32
        %dma_wait3A_58 = tpu.memref_slice %arg3[%add3A_52, %dma_wait3A] : memref<2560x128xi32, #tpu.memory_space<hbm>> -> memref<1x128xi32, #tpu.memory_space<hbm>>
        %dma_wait3A_59 = tpu.memref_squeeze %dma_wait3A_58 : memref<1x128xi32, #tpu.memory_space<hbm>> -> memref<128xi32, #tpu.memory_space<hbm>>
        %dma_wait3A_60 = arith.constant 0 : i32
        %dma_wait3A_61 = tpu.memref_slice %arg3[%add3A_52, %dma_wait3A_60] : memref<2560x128xi32, #tpu.memory_space<hbm>> -> memref<1x128xi32, #tpu.memory_space<hbm>>
        %dma_wait3A_62 = tpu.memref_squeeze %dma_wait3A_61 : memref<1x128xi32, #tpu.memory_space<hbm>> -> memref<128xi32, #tpu.memory_space<hbm>>
        tpu.wait_dma2 semaphore(%run_scoped3A : memref<!tpu.dma_semaphore, #tpu.memory_space<semaphore_mem>>) src(%dma_wait3A_62 : memref<128xi32, #tpu.memory_space<hbm>>) dst(%arg7 : memref<128xi32, #tpu.memory_space<vmem>>)
        tpu.yield
      }) : () -> ()
      "tpu.region"() ({
        %run_scoped3A = tpu.sem_alloc : memref<!tpu.dma_semaphore, #tpu.memory_space<semaphore_mem>>
        %dma_start3A = arith.constant 0 : i32
        %dma_start3A_53 = tpu.memref_slice %arg4[%add3A_52, %dma_start3A] : memref<2560x128xi32, #tpu.memory_space<hbm>> -> memref<1x128xi32, #tpu.memory_space<hbm>>
        %dma_start3A_54 = tpu.memref_squeeze %dma_start3A_53 : memref<1x128xi32, #tpu.memory_space<hbm>> -> memref<128xi32, #tpu.memory_space<hbm>>
        %dma_start3A_55 = arith.constant 0 : i32
        %dma_start3A_56 = tpu.memref_slice %arg4[%add3A_52, %dma_start3A_55] : memref<2560x128xi32, #tpu.memory_space<hbm>> -> memref<1x128xi32, #tpu.memory_space<hbm>>
        %dma_start3A_57 = tpu.memref_squeeze %dma_start3A_56 : memref<1x128xi32, #tpu.memory_space<hbm>> -> memref<128xi32, #tpu.memory_space<hbm>>
        tpu.enqueue_dma source(%dma_start3A_57 : memref<128xi32, #tpu.memory_space<hbm>>) target(%arg8 : memref<128xi32, #tpu.memory_space<vmem>>) target_semaphore(%run_scoped3A : memref<!tpu.dma_semaphore, #tpu.memory_space<semaphore_mem>>)
        %dma_wait3A = arith.constant 0 : i32
        %dma_wait3A_58 = tpu.memref_slice %arg4[%add3A_52, %dma_wait3A] : memref<2560x128xi32, #tpu.memory_space<hbm>> -> memref<1x128xi32, #tpu.memory_space<hbm>>
        %dma_wait3A_59 = tpu.memref_squeeze %dma_wait3A_58 : memref<1x128xi32, #tpu.memory_space<hbm>> -> memref<128xi32, #tpu.memory_space<hbm>>
        %dma_wait3A_60 = arith.constant 0 : i32
        %dma_wait3A_61 = tpu.memref_slice %arg4[%add3A_52, %dma_wait3A_60] : memref<2560x128xi32, #tpu.memory_space<hbm>> -> memref<1x128xi32, #tpu.memory_space<hbm>>
        %dma_wait3A_62 = tpu.memref_squeeze %dma_wait3A_61 : memref<1x128xi32, #tpu.memory_space<hbm>> -> memref<128xi32, #tpu.memory_space<hbm>>
        tpu.wait_dma2 semaphore(%run_scoped3A : memref<!tpu.dma_semaphore, #tpu.memory_space<semaphore_mem>>) src(%dma_wait3A_62 : memref<128xi32, #tpu.memory_space<hbm>>) dst(%arg8 : memref<128xi32, #tpu.memory_space<vmem>>)
        tpu.yield
      }) : () -> ()
      "tpu.region"() ({
        %run_scoped3A = tpu.sem_alloc : memref<!tpu.dma_semaphore, #tpu.memory_space<semaphore_mem>>
        %dma_start3A = arith.constant 0 : i32
        %dma_start3A_53 = arith.constant 0 : i32
        %dma_start3A_54 = tpu.memref_slice %arg2[%dma_start3A, %dma_start3A_53] : memref<10000x128xf32, #tpu.memory_space<hbm>> -> memref<10000x128xf32, #tpu.memory_space<hbm>>
        tpu.enqueue_indirect_dma source(%dma_start3A_54 : memref<10000x128xf32, #tpu.memory_space<hbm>>) target(%arg9 : memref<128x128xf32, #tpu.memory_space<vmem>>) offsets(%arg7 : memref<128xi32, #tpu.memory_space<vmem>>) semaphore(%run_scoped3A : memref<!tpu.dma_semaphore, #tpu.memory_space<semaphore_mem>>)
        %dma_wait3A = arith.constant 0 : i32
        %dma_wait3A_55 = arith.constant 0 : i32
        %dma_wait3A_56 = tpu.memref_slice %arg2[%dma_wait3A, %dma_wait3A_55] : memref<10000x128xf32, #tpu.memory_space<hbm>> -> memref<10000x128xf32, #tpu.memory_space<hbm>>
        tpu.wait_indirect_dma semaphore(%run_scoped3A : memref<!tpu.dma_semaphore, #tpu.memory_space<semaphore_mem>>) src(%dma_wait3A_56 : memref<10000x128xf32, #tpu.memory_space<hbm>>) dst(%arg9 : memref<128x128xf32, #tpu.memory_space<vmem>>)
        tpu.yield
      }) : () -> ()
      "tpu.region"() ({
        %run_scoped3A = tpu.sem_alloc : memref<!tpu.dma_semaphore, #tpu.memory_space<semaphore_mem>>
        %dma_start3A = arith.constant 0 : i32
        %dma_start3A_53 = arith.constant 0 : i32
        %dma_start3A_54 = tpu.memref_slice %arg10[%dma_start3A, %dma_start3A_53] : memref<10240x128xf32, #tpu.memory_space<vmem_shared>> -> memref<10240x128xf32, #tpu.memory_space<vmem_shared>>
        tpu.enqueue_indirect_dma source(%arg9 : memref<128x128xf32, #tpu.memory_space<vmem>>) target(%dma_start3A_54 : memref<10240x128xf32, #tpu.memory_space<vmem_shared>>) offsets(%arg8 : memref<128xi32, #tpu.memory_space<vmem>>) semaphore(%run_scoped3A : memref<!tpu.dma_semaphore, #tpu.memory_space<semaphore_mem>>) {add = true}
        %dma_wait3A = arith.constant 0 : i32
        %dma_wait3A_55 = arith.constant 0 : i32
        %dma_wait3A_56 = tpu.memref_slice %arg10[%dma_wait3A, %dma_wait3A_55] : memref<10240x128xf32, #tpu.memory_space<vmem_shared>> -> memref<10240x128xf32, #tpu.memory_space<vmem_shared>>
        tpu.wait_indirect_dma semaphore(%run_scoped3A : memref<!tpu.dma_semaphore, #tpu.memory_space<semaphore_mem>>) src(%arg9 : memref<128x128xf32, #tpu.memory_space<vmem>>) dst(%dma_wait3A_56 : memref<10240x128xf32, #tpu.memory_space<vmem_shared>>)
        tpu.yield
      }) : () -> ()
    }
    %barrier3A_30 = arith.constant 0 : index
    tpu.barrier barrier_id(%barrier3A_30)
    %add3A_31 = arith.constant 0 : i32
    %add3A_32 = arith.addi %mul3A_0, %add3A_31 : i32
    "tpu.region"() ({
      %run_scoped3A = tpu.sem_alloc : memref<!tpu.dma_semaphore, #tpu.memory_space<semaphore_mem>>
      %dma_start3A = arith.constant 0 : i32
      %dma_start3A_51 = arith.constant 0 : i32
      %dma_start3A_52 = tpu.memref_slice %arg9[%dma_start3A, %dma_start3A_51] : memref<128x128xf32, #tpu.memory_space<vmem>> -> memref<128x128xf32, #tpu.memory_space<vmem>>
      %dma_start3A_53 = arith.constant 0 : i32
      %dma_start3A_54 = tpu.memref_slice %arg10[%add3A_32, %dma_start3A_53] : memref<10240x128xf32, #tpu.memory_space<vmem_shared>> -> memref<128x128xf32, #tpu.memory_space<vmem_shared>>
      %dma_start3A_55 = arith.constant 0 : i32
      %dma_start3A_56 = arith.constant 0 : i32
      %dma_start3A_57 = tpu.memref_slice %arg9[%dma_start3A_55, %dma_start3A_56] : memref<128x128xf32, #tpu.memory_space<vmem>> -> memref<128x128xf32, #tpu.memory_space<vmem>>
      %dma_start3A_58 = arith.constant 0 : i32
      %dma_start3A_59 = tpu.memref_slice %arg10[%add3A_32, %dma_start3A_58] : memref<10240x128xf32, #tpu.memory_space<vmem_shared>> -> memref<128x128xf32, #tpu.memory_space<vmem_shared>>
      tpu.enqueue_dma source(%dma_start3A_59 : memref<128x128xf32, #tpu.memory_space<vmem_shared>>) target(%dma_start3A_57 : memref<128x128xf32, #tpu.memory_space<vmem>>) target_semaphore(%run_scoped3A : memref<!tpu.dma_semaphore, #tpu.memory_space<semaphore_mem>>)
      %dma_wait3A = arith.constant 0 : i32
      %dma_wait3A_60 = arith.constant 0 : i32
      %dma_wait3A_61 = tpu.memref_slice %arg9[%dma_wait3A, %dma_wait3A_60] : memref<128x128xf32, #tpu.memory_space<vmem>> -> memref<128x128xf32, #tpu.memory_space<vmem>>
      %dma_wait3A_62 = arith.constant 0 : i32
      %dma_wait3A_63 = tpu.memref_slice %arg10[%add3A_32, %dma_wait3A_62] : memref<10240x128xf32, #tpu.memory_space<vmem_shared>> -> memref<128x128xf32, #tpu.memory_space<vmem_shared>>
      %dma_wait3A_64 = arith.constant 0 : i32
      %dma_wait3A_65 = arith.constant 0 : i32
      %dma_wait3A_66 = tpu.memref_slice %arg9[%dma_wait3A_64, %dma_wait3A_65] : memref<128x128xf32, #tpu.memory_space<vmem>> -> memref<128x128xf32, #tpu.memory_space<vmem>>
      %dma_wait3A_67 = arith.constant 0 : i32
      %dma_wait3A_68 = tpu.memref_slice %arg10[%add3A_32, %dma_wait3A_67] : memref<10240x128xf32, #tpu.memory_space<vmem_shared>> -> memref<128x128xf32, #tpu.memory_space<vmem_shared>>
      tpu.wait_dma2 semaphore(%run_scoped3A : memref<!tpu.dma_semaphore, #tpu.memory_space<semaphore_mem>>) src(%dma_wait3A_68 : memref<128x128xf32, #tpu.memory_space<vmem_shared>>) dst(%dma_wait3A_66 : memref<128x128xf32, #tpu.memory_space<vmem>>)
      tpu.yield
    }) : () -> ()
    %add3A_33 = arith.constant 0 : i32
    %add3A_34 = arith.addi %mul3A_0, %add3A_33 : i32
    "tpu.region"() ({
      %run_scoped3A = tpu.sem_alloc : memref<!tpu.dma_semaphore, #tpu.memory_space<semaphore_mem>>
      %dma_start3A = arith.constant 0 : i32
      %dma_start3A_51 = arith.constant 0 : i32
      %dma_start3A_52 = tpu.memref_slice %arg9[%dma_start3A, %dma_start3A_51] : memref<128x128xf32, #tpu.memory_space<vmem>> -> memref<128x128xf32, #tpu.memory_space<vmem>>
      %dma_start3A_53 = arith.constant 0 : i32
      %dma_start3A_54 = tpu.memref_slice %arg6[%arg0, %add3A_34, %dma_start3A_53] : memref<2x10240x128xf32, #tpu.memory_space<hbm>> -> memref<1x128x128xf32, #tpu.memory_space<hbm>>
      %dma_start3A_55 = tpu.memref_squeeze %dma_start3A_54 : memref<1x128x128xf32, #tpu.memory_space<hbm>> -> memref<128x128xf32, #tpu.memory_space<hbm>>
      %dma_start3A_56 = arith.constant 0 : i32
      %dma_start3A_57 = tpu.memref_slice %arg6[%arg0, %add3A_34, %dma_start3A_56] : memref<2x10240x128xf32, #tpu.memory_space<hbm>> -> memref<1x128x128xf32, #tpu.memory_space<hbm>>
      %dma_start3A_58 = tpu.memref_squeeze %dma_start3A_57 : memref<1x128x128xf32, #tpu.memory_space<hbm>> -> memref<128x128xf32, #tpu.memory_space<hbm>>
      %dma_start3A_59 = arith.constant 0 : i32
      %dma_start3A_60 = arith.constant 0 : i32
      %dma_start3A_61 = tpu.memref_slice %arg9[%dma_start3A_59, %dma_start3A_60] : memref<128x128xf32, #tpu.memory_space<vmem>> -> memref<128x128xf32, #tpu.memory_space<vmem>>
      tpu.enqueue_dma source(%dma_start3A_61 : memref<128x128xf32, #tpu.memory_space<vmem>>) target(%dma_start3A_58 : memref<128x128xf32, #tpu.memory_space<hbm>>) target_semaphore(%run_scoped3A : memref<!tpu.dma_semaphore, #tpu.memory_space<semaphore_mem>>)
      %dma_wait3A = arith.constant 0 : i32
      %dma_wait3A_62 = arith.constant 0 : i32
      %dma_wait3A_63 = tpu.memref_slice %arg9[%dma_wait3A, %dma_wait3A_62] : memref<128x128xf32, #tpu.memory_space<vmem>> -> memref<128x128xf32, #tpu.memory_space<vmem>>
      %dma_wait3A_64 = arith.constant 0 : i32
      %dma_wait3A_65 = tpu.memref_slice %arg6[%arg0, %add3A_34, %dma_wait3A_64] : memref<2x10240x128xf32, #tpu.memory_space<hbm>> -> memref<1x128x128xf32, #tpu.memory_space<hbm>>
      %dma_wait3A_66 = tpu.memref_squeeze %dma_wait3A_65 : memref<1x128x128xf32, #tpu.memory_space<hbm>> -> memref<128x128xf32, #tpu.memory_space<hbm>>
      %dma_wait3A_67 = arith.constant 0 : i32
      %dma_wait3A_68 = tpu.memref_slice %arg6[%arg0, %add3A_34, %dma_wait3A_67] : memref<2x10240x128xf32, #tpu.memory_space<hbm>> -> memref<1x128x128xf32, #tpu.memory_space<hbm>>
      %dma_wait3A_69 = tpu.memref_squeeze %dma_wait3A_68 : memref<1x128x128xf32, #tpu.memory_space<hbm>> -> memref<128x128xf32, #tpu.memory_space<hbm>>
      %dma_wait3A_70 = arith.constant 0 : i32
      %dma_wait3A_71 = arith.constant 0 : i32
      %dma_wait3A_72 = tpu.memref_slice %arg9[%dma_wait3A_70, %dma_wait3A_71] : memref<128x128xf32, #tpu.memory_space<vmem>> -> memref<128x128xf32, #tpu.memory_space<vmem>>
      tpu.wait_dma2 semaphore(%run_scoped3A : memref<!tpu.dma_semaphore, #tpu.memory_space<semaphore_mem>>) src(%dma_wait3A_72 : memref<128x128xf32, #tpu.memory_space<vmem>>) dst(%dma_wait3A_69 : memref<128x128xf32, #tpu.memory_space<hbm>>)
      tpu.yield
    }) : () -> ()
    %add3A_35 = arith.constant 128 : i32
    %add3A_36 = arith.addi %mul3A_0, %add3A_35 : i32
    "tpu.region"() ({
      %run_scoped3A = tpu.sem_alloc : memref<!tpu.dma_semaphore, #tpu.memory_space<semaphore_mem>>
      %dma_start3A = arith.constant 0 : i32
      %dma_start3A_51 = arith.constant 0 : i32
      %dma_start3A_52 = tpu.memref_slice %arg9[%dma_start3A, %dma_start3A_51] : memref<128x128xf32, #tpu.memory_space<vmem>> -> memref<128x128xf32, #tpu.memory_space<vmem>>
      %dma_start3A_53 = arith.constant 0 : i32
      %dma_start3A_54 = tpu.memref_slice %arg10[%add3A_36, %dma_start3A_53] : memref<10240x128xf32, #tpu.memory_space<vmem_shared>> -> memref<128x128xf32, #tpu.memory_space<vmem_shared>>
      %dma_start3A_55 = arith.constant 0 : i32
      %dma_start3A_56 = arith.constant 0 : i32
      %dma_start3A_57 = tpu.memref_slice %arg9[%dma_start3A_55, %dma_start3A_56] : memref<128x128xf32, #tpu.memory_space<vmem>> -> memref<128x128xf32, #tpu.memory_space<vmem>>
      %dma_start3A_58 = arith.constant 0 : i32
      %dma_start3A_59 = tpu.memref_slice %arg10[%add3A_36, %dma_start3A_58] : memref<10240x128xf32, #tpu.memory_space<vmem_shared>> -> memref<128x128xf32, #tpu.memory_space<vmem_shared>>
      tpu.enqueue_dma source(%dma_start3A_59 : memref<128x128xf32, #tpu.memory_space<vmem_shared>>) target(%dma_start3A_57 : memref<128x128xf32, #tpu.memory_space<vmem>>) target_semaphore(%run_scoped3A : memref<!tpu.dma_semaphore, #tpu.memory_space<semaphore_mem>>)
      %dma_wait3A = arith.constant 0 : i32
      %dma_wait3A_60 = arith.constant 0 : i32
      %dma_wait3A_61 = tpu.memref_slice %arg9[%dma_wait3A, %dma_wait3A_60] : memref<128x128xf32, #tpu.memory_space<vmem>> -> memref<128x128xf32, #tpu.memory_space<vmem>>
      %dma_wait3A_62 = arith.constant 0 : i32
      %dma_wait3A_63 = tpu.memref_slice %arg10[%add3A_36, %dma_wait3A_62] : memref<10240x128xf32, #tpu.memory_space<vmem_shared>> -> memref<128x128xf32, #tpu.memory_space<vmem_shared>>
      %dma_wait3A_64 = arith.constant 0 : i32
      %dma_wait3A_65 = arith.constant 0 : i32
      %dma_wait3A_66 = tpu.memref_slice %arg9[%dma_wait3A_64, %dma_wait3A_65] : memref<128x128xf32, #tpu.memory_space<vmem>> -> memref<128x128xf32, #tpu.memory_space<vmem>>
      %dma_wait3A_67 = arith.constant 0 : i32
      %dma_wait3A_68 = tpu.memref_slice %arg10[%add3A_36, %dma_wait3A_67] : memref<10240x128xf32, #tpu.memory_space<vmem_shared>> -> memref<128x128xf32, #tpu.memory_space<vmem_shared>>
      tpu.wait_dma2 semaphore(%run_scoped3A : memref<!tpu.dma_semaphore, #tpu.memory_space<semaphore_mem>>) src(%dma_wait3A_68 : memref<128x128xf32, #tpu.memory_space<vmem_shared>>) dst(%dma_wait3A_66 : memref<128x128xf32, #tpu.memory_space<vmem>>)
      tpu.yield
    }) : () -> ()
    %add3A_37 = arith.constant 128 : i32
    %add3A_38 = arith.addi %mul3A_0, %add3A_37 : i32
    "tpu.region"() ({
      %run_scoped3A = tpu.sem_alloc : memref<!tpu.dma_semaphore, #tpu.memory_space<semaphore_mem>>
      %dma_start3A = arith.constant 0 : i32
      %dma_start3A_51 = arith.constant 0 : i32
      %dma_start3A_52 = tpu.memref_slice %arg9[%dma_start3A, %dma_start3A_51] : memref<128x128xf32, #tpu.memory_space<vmem>> -> memref<128x128xf32, #tpu.memory_space<vmem>>
      %dma_start3A_53 = arith.constant 0 : i32
      %dma_start3A_54 = tpu.memref_slice %arg6[%arg0, %add3A_38, %dma_start3A_53] : memref<2x10240x128xf32, #tpu.memory_space<hbm>> -> memref<1x128x128xf32, #tpu.memory_space<hbm>>
      %dma_start3A_55 = tpu.memref_squeeze %dma_start3A_54 : memref<1x128x128xf32, #tpu.memory_space<hbm>> -> memref<128x128xf32, #tpu.memory_space<hbm>>
      %dma_start3A_56 = arith.constant 0 : i32
      %dma_start3A_57 = tpu.memref_slice %arg6[%arg0, %add3A_38, %dma_start3A_56] : memref<2x10240x128xf32, #tpu.memory_space<hbm>> -> memref<1x128x128xf32, #tpu.memory_space<hbm>>
      %dma_start3A_58 = tpu.memref_squeeze %dma_start3A_57 : memref<1x128x128xf32, #tpu.memory_space<hbm>> -> memref<128x128xf32, #tpu.memory_space<hbm>>
      %dma_start3A_59 = arith.constant 0 : i32
      %dma_start3A_60 = arith.constant 0 : i32
      %dma_start3A_61 = tpu.memref_slice %arg9[%dma_start3A_59, %dma_start3A_60] : memref<128x128xf32, #tpu.memory_space<vmem>> -> memref<128x128xf32, #tpu.memory_space<vmem>>
      tpu.enqueue_dma source(%dma_start3A_61 : memref<128x128xf32, #tpu.memory_space<vmem>>) target(%dma_start3A_58 : memref<128x128xf32, #tpu.memory_space<hbm>>) target_semaphore(%run_scoped3A : memref<!tpu.dma_semaphore, #tpu.memory_space<semaphore_mem>>)
      %dma_wait3A = arith.constant 0 : i32
      %dma_wait3A_62 = arith.constant 0 : i32
      %dma_wait3A_63 = tpu.memref_slice %arg9[%dma_wait3A, %dma_wait3A_62] : memref<128x128xf32, #tpu.memory_space<vmem>> -> memref<128x128xf32, #tpu.memory_space<vmem>>
      %dma_wait3A_64 = arith.constant 0 : i32
      %dma_wait3A_65 = tpu.memref_slice %arg6[%arg0, %add3A_38, %dma_wait3A_64] : memref<2x10240x128xf32, #tpu.memory_space<hbm>> -> memref<1x128x128xf32, #tpu.memory_space<hbm>>
      %dma_wait3A_66 = tpu.memref_squeeze %dma_wait3A_65 : memref<1x128x128xf32, #tpu.memory_space<hbm>> -> memref<128x128xf32, #tpu.memory_space<hbm>>
      %dma_wait3A_67 = arith.constant 0 : i32
      %dma_wait3A_68 = tpu.memref_slice %arg6[%arg0, %add3A_38, %dma_wait3A_67] : memref<2x10240x128xf32, #tpu.memory_space<hbm>> -> memref<1x128x128xf32, #tpu.memory_space<hbm>>
      %dma_wait3A_69 = tpu.memref_squeeze %dma_wait3A_68 : memref<1x128x128xf32, #tpu.memory_space<hbm>> -> memref<128x128xf32, #tpu.memory_space<hbm>>
      %dma_wait3A_70 = arith.constant 0 : i32
      %dma_wait3A_71 = arith.constant 0 : i32
      %dma_wait3A_72 = tpu.memref_slice %arg9[%dma_wait3A_70, %dma_wait3A_71] : memref<128x128xf32, #tpu.memory_space<vmem>> -> memref<128x128xf32, #tpu.memory_space<vmem>>
      tpu.wait_dma2 semaphore(%run_scoped3A : memref<!tpu.dma_semaphore, #tpu.memory_space<semaphore_mem>>) src(%dma_wait3A_72 : memref<128x128xf32, #tpu.memory_space<vmem>>) dst(%dma_wait3A_69 : memref<128x128xf32, #tpu.memory_space<hbm>>)
      tpu.yield
    }) : () -> ()
    %add3A_39 = arith.constant 256 : i32
    %add3A_40 = arith.addi %mul3A_0, %add3A_39 : i32
    "tpu.region"() ({
      %run_scoped3A = tpu.sem_alloc : memref<!tpu.dma_semaphore, #tpu.memory_space<semaphore_mem>>
      %dma_start3A = arith.constant 0 : i32
      %dma_start3A_51 = arith.constant 0 : i32
      %dma_start3A_52 = tpu.memref_slice %arg9[%dma_start3A, %dma_start3A_51] : memref<128x128xf32, #tpu.memory_space<vmem>> -> memref<128x128xf32, #tpu.memory_space<vmem>>
      %dma_start3A_53 = arith.constant 0 : i32
      %dma_start3A_54 = tpu.memref_slice %arg10[%add3A_40, %dma_start3A_53] : memref<10240x128xf32, #tpu.memory_space<vmem_shared>> -> memref<128x128xf32, #tpu.memory_space<vmem_shared>>
      %dma_start3A_55 = arith.constant 0 : i32
      %dma_start3A_56 = arith.constant 0 : i32
      %dma_start3A_57 = tpu.memref_slice %arg9[%dma_start3A_55, %dma_start3A_56] : memref<128x128xf32, #tpu.memory_space<vmem>> -> memref<128x128xf32, #tpu.memory_space<vmem>>
      %dma_start3A_58 = arith.constant 0 : i32
      %dma_start3A_59 = tpu.memref_slice %arg10[%add3A_40, %dma_start3A_58] : memref<10240x128xf32, #tpu.memory_space<vmem_shared>> -> memref<128x128xf32, #tpu.memory_space<vmem_shared>>
      tpu.enqueue_dma source(%dma_start3A_59 : memref<128x128xf32, #tpu.memory_space<vmem_shared>>) target(%dma_start3A_57 : memref<128x128xf32, #tpu.memory_space<vmem>>) target_semaphore(%run_scoped3A : memref<!tpu.dma_semaphore, #tpu.memory_space<semaphore_mem>>)
      %dma_wait3A = arith.constant 0 : i32
      %dma_wait3A_60 = arith.constant 0 : i32
      %dma_wait3A_61 = tpu.memref_slice %arg9[%dma_wait3A, %dma_wait3A_60] : memref<128x128xf32, #tpu.memory_space<vmem>> -> memref<128x128xf32, #tpu.memory_space<vmem>>
      %dma_wait3A_62 = arith.constant 0 : i32
      %dma_wait3A_63 = tpu.memref_slice %arg10[%add3A_40, %dma_wait3A_62] : memref<10240x128xf32, #tpu.memory_space<vmem_shared>> -> memref<128x128xf32, #tpu.memory_space<vmem_shared>>
      %dma_wait3A_64 = arith.constant 0 : i32
      %dma_wait3A_65 = arith.constant 0 : i32
      %dma_wait3A_66 = tpu.memref_slice %arg9[%dma_wait3A_64, %dma_wait3A_65] : memref<128x128xf32, #tpu.memory_space<vmem>> -> memref<128x128xf32, #tpu.memory_space<vmem>>
      %dma_wait3A_67 = arith.constant 0 : i32
      %dma_wait3A_68 = tpu.memref_slice %arg10[%add3A_40, %dma_wait3A_67] : memref<10240x128xf32, #tpu.memory_space<vmem_shared>> -> memref<128x128xf32, #tpu.memory_space<vmem_shared>>
      tpu.wait_dma2 semaphore(%run_scoped3A : memref<!tpu.dma_semaphore, #tpu.memory_space<semaphore_mem>>) src(%dma_wait3A_68 : memref<128x128xf32, #tpu.memory_space<vmem_shared>>) dst(%dma_wait3A_66 : memref<128x128xf32, #tpu.memory_space<vmem>>)
      tpu.yield
    }) : () -> ()
    %add3A_41 = arith.constant 256 : i32
    %add3A_42 = arith.addi %mul3A_0, %add3A_41 : i32
    "tpu.region"() ({
      %run_scoped3A = tpu.sem_alloc : memref<!tpu.dma_semaphore, #tpu.memory_space<semaphore_mem>>
      %dma_start3A = arith.constant 0 : i32
      %dma_start3A_51 = arith.constant 0 : i32
      %dma_start3A_52 = tpu.memref_slice %arg9[%dma_start3A, %dma_start3A_51] : memref<128x128xf32, #tpu.memory_space<vmem>> -> memref<128x128xf32, #tpu.memory_space<vmem>>
      %dma_start3A_53 = arith.constant 0 : i32
      %dma_start3A_54 = tpu.memref_slice %arg6[%arg0, %add3A_42, %dma_start3A_53] : memref<2x10240x128xf32, #tpu.memory_space<hbm>> -> memref<1x128x128xf32, #tpu.memory_space<hbm>>
      %dma_start3A_55 = tpu.memref_squeeze %dma_start3A_54 : memref<1x128x128xf32, #tpu.memory_space<hbm>> -> memref<128x128xf32, #tpu.memory_space<hbm>>
      %dma_start3A_56 = arith.constant 0 : i32
      %dma_start3A_57 = tpu.memref_slice %arg6[%arg0, %add3A_42, %dma_start3A_56] : memref<2x10240x128xf32, #tpu.memory_space<hbm>> -> memref<1x128x128xf32, #tpu.memory_space<hbm>>
      %dma_start3A_58 = tpu.memref_squeeze %dma_start3A_57 : memref<1x128x128xf32, #tpu.memory_space<hbm>> -> memref<128x128xf32, #tpu.memory_space<hbm>>
      %dma_start3A_59 = arith.constant 0 : i32
      %dma_start3A_60 = arith.constant 0 : i32
      %dma_start3A_61 = tpu.memref_slice %arg9[%dma_start3A_59, %dma_start3A_60] : memref<128x128xf32, #tpu.memory_space<vmem>> -> memref<128x128xf32, #tpu.memory_space<vmem>>
      tpu.enqueue_dma source(%dma_start3A_61 : memref<128x128xf32, #tpu.memory_space<vmem>>) target(%dma_start3A_58 : memref<128x128xf32, #tpu.memory_space<hbm>>) target_semaphore(%run_scoped3A : memref<!tpu.dma_semaphore, #tpu.memory_space<semaphore_mem>>)
      %dma_wait3A = arith.constant 0 : i32
      %dma_wait3A_62 = arith.constant 0 : i32
      %dma_wait3A_63 = tpu.memref_slice %arg9[%dma_wait3A, %dma_wait3A_62] : memref<128x128xf32, #tpu.memory_space<vmem>> -> memref<128x128xf32, #tpu.memory_space<vmem>>
      %dma_wait3A_64 = arith.constant 0 : i32
      %dma_wait3A_65 = tpu.memref_slice %arg6[%arg0, %add3A_42, %dma_wait3A_64] : memref<2x10240x128xf32, #tpu.memory_space<hbm>> -> memref<1x128x128xf32, #tpu.memory_space<hbm>>
      %dma_wait3A_66 = tpu.memref_squeeze %dma_wait3A_65 : memref<1x128x128xf32, #tpu.memory_space<hbm>> -> memref<128x128xf32, #tpu.memory_space<hbm>>
      %dma_wait3A_67 = arith.constant 0 : i32
      %dma_wait3A_68 = tpu.memref_slice %arg6[%arg0, %add3A_42, %dma_wait3A_67] : memref<2x10240x128xf32, #tpu.memory_space<hbm>> -> memref<1x128x128xf32, #tpu.memory_space<hbm>>
      %dma_wait3A_69 = tpu.memref_squeeze %dma_wait3A_68 : memref<1x128x128xf32, #tpu.memory_space<hbm>> -> memref<128x128xf32, #tpu.memory_space<hbm>>
      %dma_wait3A_70 = arith.constant 0 : i32
      %dma_wait3A_71 = arith.constant 0 : i32
      %dma_wait3A_72 = tpu.memref_slice %arg9[%dma_wait3A_70, %dma_wait3A_71] : memref<128x128xf32, #tpu.memory_space<vmem>> -> memref<128x128xf32, #tpu.memory_space<vmem>>
      tpu.wait_dma2 semaphore(%run_scoped3A : memref<!tpu.dma_semaphore, #tpu.memory_space<semaphore_mem>>) src(%dma_wait3A_72 : memref<128x128xf32, #tpu.memory_space<vmem>>) dst(%dma_wait3A_69 : memref<128x128xf32, #tpu.memory_space<hbm>>)
      tpu.yield
    }) : () -> ()
    %add3A_43 = arith.constant 384 : i32
    %add3A_44 = arith.addi %mul3A_0, %add3A_43 : i32
    "tpu.region"() ({
      %run_scoped3A = tpu.sem_alloc : memref<!tpu.dma_semaphore, #tpu.memory_space<semaphore_mem>>
      %dma_start3A = arith.constant 0 : i32
      %dma_start3A_51 = arith.constant 0 : i32
      %dma_start3A_52 = tpu.memref_slice %arg9[%dma_start3A, %dma_start3A_51] : memref<128x128xf32, #tpu.memory_space<vmem>> -> memref<128x128xf32, #tpu.memory_space<vmem>>
      %dma_start3A_53 = arith.constant 0 : i32
      %dma_start3A_54 = tpu.memref_slice %arg10[%add3A_44, %dma_start3A_53] : memref<10240x128xf32, #tpu.memory_space<vmem_shared>> -> memref<128x128xf32, #tpu.memory_space<vmem_shared>>
      %dma_start3A_55 = arith.constant 0 : i32
      %dma_start3A_56 = arith.constant 0 : i32
      %dma_start3A_57 = tpu.memref_slice %arg9[%dma_start3A_55, %dma_start3A_56] : memref<128x128xf32, #tpu.memory_space<vmem>> -> memref<128x128xf32, #tpu.memory_space<vmem>>
      %dma_start3A_58 = arith.constant 0 : i32
      %dma_start3A_59 = tpu.memref_slice %arg10[%add3A_44, %dma_start3A_58] : memref<10240x128xf32, #tpu.memory_space<vmem_shared>> -> memref<128x128xf32, #tpu.memory_space<vmem_shared>>
      tpu.enqueue_dma source(%dma_start3A_59 : memref<128x128xf32, #tpu.memory_space<vmem_shared>>) target(%dma_start3A_57 : memref<128x128xf32, #tpu.memory_space<vmem>>) target_semaphore(%run_scoped3A : memref<!tpu.dma_semaphore, #tpu.memory_space<semaphore_mem>>)
      %dma_wait3A = arith.constant 0 : i32
      %dma_wait3A_60 = arith.constant 0 : i32
      %dma_wait3A_61 = tpu.memref_slice %arg9[%dma_wait3A, %dma_wait3A_60] : memref<128x128xf32, #tpu.memory_space<vmem>> -> memref<128x128xf32, #tpu.memory_space<vmem>>
      %dma_wait3A_62 = arith.constant 0 : i32
      %dma_wait3A_63 = tpu.memref_slice %arg10[%add3A_44, %dma_wait3A_62] : memref<10240x128xf32, #tpu.memory_space<vmem_shared>> -> memref<128x128xf32, #tpu.memory_space<vmem_shared>>
      %dma_wait3A_64 = arith.constant 0 : i32
      %dma_wait3A_65 = arith.constant 0 : i32
      %dma_wait3A_66 = tpu.memref_slice %arg9[%dma_wait3A_64, %dma_wait3A_65] : memref<128x128xf32, #tpu.memory_space<vmem>> -> memref<128x128xf32, #tpu.memory_space<vmem>>
      %dma_wait3A_67 = arith.constant 0 : i32
      %dma_wait3A_68 = tpu.memref_slice %arg10[%add3A_44, %dma_wait3A_67] : memref<10240x128xf32, #tpu.memory_space<vmem_shared>> -> memref<128x128xf32, #tpu.memory_space<vmem_shared>>
      tpu.wait_dma2 semaphore(%run_scoped3A : memref<!tpu.dma_semaphore, #tpu.memory_space<semaphore_mem>>) src(%dma_wait3A_68 : memref<128x128xf32, #tpu.memory_space<vmem_shared>>) dst(%dma_wait3A_66 : memref<128x128xf32, #tpu.memory_space<vmem>>)
      tpu.yield
    }) : () -> ()
    %add3A_45 = arith.constant 384 : i32
    %add3A_46 = arith.addi %mul3A_0, %add3A_45 : i32
    "tpu.region"() ({
      %run_scoped3A = tpu.sem_alloc : memref<!tpu.dma_semaphore, #tpu.memory_space<semaphore_mem>>
      %dma_start3A = arith.constant 0 : i32
      %dma_start3A_51 = arith.constant 0 : i32
      %dma_start3A_52 = tpu.memref_slice %arg9[%dma_start3A, %dma_start3A_51] : memref<128x128xf32, #tpu.memory_space<vmem>> -> memref<128x128xf32, #tpu.memory_space<vmem>>
      %dma_start3A_53 = arith.constant 0 : i32
      %dma_start3A_54 = tpu.memref_slice %arg6[%arg0, %add3A_46, %dma_start3A_53] : memref<2x10240x128xf32, #tpu.memory_space<hbm>> -> memref<1x128x128xf32, #tpu.memory_space<hbm>>
      %dma_start3A_55 = tpu.memref_squeeze %dma_start3A_54 : memref<1x128x128xf32, #tpu.memory_space<hbm>> -> memref<128x128xf32, #tpu.memory_space<hbm>>
      %dma_start3A_56 = arith.constant 0 : i32
      %dma_start3A_57 = tpu.memref_slice %arg6[%arg0, %add3A_46, %dma_start3A_56] : memref<2x10240x128xf32, #tpu.memory_space<hbm>> -> memref<1x128x128xf32, #tpu.memory_space<hbm>>
      %dma_start3A_58 = tpu.memref_squeeze %dma_start3A_57 : memref<1x128x128xf32, #tpu.memory_space<hbm>> -> memref<128x128xf32, #tpu.memory_space<hbm>>
      %dma_start3A_59 = arith.constant 0 : i32
      %dma_start3A_60 = arith.constant 0 : i32
      %dma_start3A_61 = tpu.memref_slice %arg9[%dma_start3A_59, %dma_start3A_60] : memref<128x128xf32, #tpu.memory_space<vmem>> -> memref<128x128xf32, #tpu.memory_space<vmem>>
      tpu.enqueue_dma source(%dma_start3A_61 : memref<128x128xf32, #tpu.memory_space<vmem>>) target(%dma_start3A_58 : memref<128x128xf32, #tpu.memory_space<hbm>>) target_semaphore(%run_scoped3A : memref<!tpu.dma_semaphore, #tpu.memory_space<semaphore_mem>>)
      %dma_wait3A = arith.constant 0 : i32
      %dma_wait3A_62 = arith.constant 0 : i32
      %dma_wait3A_63 = tpu.memref_slice %arg9[%dma_wait3A, %dma_wait3A_62] : memref<128x128xf32, #tpu.memory_space<vmem>> -> memref<128x128xf32, #tpu.memory_space<vmem>>
      %dma_wait3A_64 = arith.constant 0 : i32
      %dma_wait3A_65 = tpu.memref_slice %arg6[%arg0, %add3A_46, %dma_wait3A_64] : memref<2x10240x128xf32, #tpu.memory_space<hbm>> -> memref<1x128x128xf32, #tpu.memory_space<hbm>>
      %dma_wait3A_66 = tpu.memref_squeeze %dma_wait3A_65 : memref<1x128x128xf32, #tpu.memory_space<hbm>> -> memref<128x128xf32, #tpu.memory_space<hbm>>
      %dma_wait3A_67 = arith.constant 0 : i32
      %dma_wait3A_68 = tpu.memref_slice %arg6[%arg0, %add3A_46, %dma_wait3A_67] : memref<2x10240x128xf32, #tpu.memory_space<hbm>> -> memref<1x128x128xf32, #tpu.memory_space<hbm>>
      %dma_wait3A_69 = tpu.memref_squeeze %dma_wait3A_68 : memref<1x128x128xf32, #tpu.memory_space<hbm>> -> memref<128x128xf32, #tpu.memory_space<hbm>>
      %dma_wait3A_70 = arith.constant 0 : i32
      %dma_wait3A_71 = arith.constant 0 : i32
      %dma_wait3A_72 = tpu.memref_slice %arg9[%dma_wait3A_70, %dma_wait3A_71] : memref<128x128xf32, #tpu.memory_space<vmem>> -> memref<128x128xf32, #tpu.memory_space<vmem>>
      tpu.wait_dma2 semaphore(%run_scoped3A : memref<!tpu.dma_semaphore, #tpu.memory_space<semaphore_mem>>) src(%dma_wait3A_72 : memref<128x128xf32, #tpu.memory_space<vmem>>) dst(%dma_wait3A_69 : memref<128x128xf32, #tpu.memory_space<hbm>>)
      tpu.yield
    }) : () -> ()
    %add3A_47 = arith.constant 512 : i32
    %add3A_48 = arith.addi %mul3A_0, %add3A_47 : i32
    "tpu.region"() ({
      %run_scoped3A = tpu.sem_alloc : memref<!tpu.dma_semaphore, #tpu.memory_space<semaphore_mem>>
      %dma_start3A = arith.constant 0 : i32
      %dma_start3A_51 = arith.constant 0 : i32
      %dma_start3A_52 = tpu.memref_slice %arg9[%dma_start3A, %dma_start3A_51] : memref<128x128xf32, #tpu.memory_space<vmem>> -> memref<128x128xf32, #tpu.memory_space<vmem>>
      %dma_start3A_53 = arith.constant 0 : i32
      %dma_start3A_54 = tpu.memref_slice %arg10[%add3A_48, %dma_start3A_53] : memref<10240x128xf32, #tpu.memory_space<vmem_shared>> -> memref<128x128xf32, #tpu.memory_space<vmem_shared>>
      %dma_start3A_55 = arith.constant 0 : i32
      %dma_start3A_56 = arith.constant 0 : i32
      %dma_start3A_57 = tpu.memref_slice %arg9[%dma_start3A_55, %dma_start3A_56] : memref<128x128xf32, #tpu.memory_space<vmem>> -> memref<128x128xf32, #tpu.memory_space<vmem>>
      %dma_start3A_58 = arith.constant 0 : i32
      %dma_start3A_59 = tpu.memref_slice %arg10[%add3A_48, %dma_start3A_58] : memref<10240x128xf32, #tpu.memory_space<vmem_shared>> -> memref<128x128xf32, #tpu.memory_space<vmem_shared>>
      tpu.enqueue_dma source(%dma_start3A_59 : memref<128x128xf32, #tpu.memory_space<vmem_shared>>) target(%dma_start3A_57 : memref<128x128xf32, #tpu.memory_space<vmem>>) target_semaphore(%run_scoped3A : memref<!tpu.dma_semaphore, #tpu.memory_space<semaphore_mem>>)
      %dma_wait3A = arith.constant 0 : i32
      %dma_wait3A_60 = arith.constant 0 : i32
      %dma_wait3A_61 = tpu.memref_slice %arg9[%dma_wait3A, %dma_wait3A_60] : memref<128x128xf32, #tpu.memory_space<vmem>> -> memref<128x128xf32, #tpu.memory_space<vmem>>
      %dma_wait3A_62 = arith.constant 0 : i32
      %dma_wait3A_63 = tpu.memref_slice %arg10[%add3A_48, %dma_wait3A_62] : memref<10240x128xf32, #tpu.memory_space<vmem_shared>> -> memref<128x128xf32, #tpu.memory_space<vmem_shared>>
      %dma_wait3A_64 = arith.constant 0 : i32
      %dma_wait3A_65 = arith.constant 0 : i32
      %dma_wait3A_66 = tpu.memref_slice %arg9[%dma_wait3A_64, %dma_wait3A_65] : memref<128x128xf32, #tpu.memory_space<vmem>> -> memref<128x128xf32, #tpu.memory_space<vmem>>
      %dma_wait3A_67 = arith.constant 0 : i32
      %dma_wait3A_68 = tpu.memref_slice %arg10[%add3A_48, %dma_wait3A_67] : memref<10240x128xf32, #tpu.memory_space<vmem_shared>> -> memref<128x128xf32, #tpu.memory_space<vmem_shared>>
      tpu.wait_dma2 semaphore(%run_scoped3A : memref<!tpu.dma_semaphore, #tpu.memory_space<semaphore_mem>>) src(%dma_wait3A_68 : memref<128x128xf32, #tpu.memory_space<vmem_shared>>) dst(%dma_wait3A_66 : memref<128x128xf32, #tpu.memory_space<vmem>>)
      tpu.yield
    }) : () -> ()
    %add3A_49 = arith.constant 512 : i32
    %add3A_50 = arith.addi %mul3A_0, %add3A_49 : i32
    "tpu.region"() ({
      %run_scoped3A = tpu.sem_alloc : memref<!tpu.dma_semaphore, #tpu.memory_space<semaphore_mem>>
      %dma_start3A = arith.constant 0 : i32
      %dma_start3A_51 = arith.constant 0 : i32
      %dma_start3A_52 = tpu.memref_slice %arg9[%dma_start3A, %dma_start3A_51] : memref<128x128xf32, #tpu.memory_space<vmem>> -> memref<128x128xf32, #tpu.memory_space<vmem>>
      %dma_start3A_53 = arith.constant 0 : i32
      %dma_start3A_54 = tpu.memref_slice %arg6[%arg0, %add3A_50, %dma_start3A_53] : memref<2x10240x128xf32, #tpu.memory_space<hbm>> -> memref<1x128x128xf32, #tpu.memory_space<hbm>>
      %dma_start3A_55 = tpu.memref_squeeze %dma_start3A_54 : memref<1x128x128xf32, #tpu.memory_space<hbm>> -> memref<128x128xf32, #tpu.memory_space<hbm>>
      %dma_start3A_56 = arith.constant 0 : i32
      %dma_start3A_57 = tpu.memref_slice %arg6[%arg0, %add3A_50, %dma_start3A_56] : memref<2x10240x128xf32, #tpu.memory_space<hbm>> -> memref<1x128x128xf32, #tpu.memory_space<hbm>>
      %dma_start3A_58 = tpu.memref_squeeze %dma_start3A_57 : memref<1x128x128xf32, #tpu.memory_space<hbm>> -> memref<128x128xf32, #tpu.memory_space<hbm>>
      %dma_start3A_59 = arith.constant 0 : i32
      %dma_start3A_60 = arith.constant 0 : i32
      %dma_start3A_61 = tpu.memref_slice %arg9[%dma_start3A_59, %dma_start3A_60] : memref<128x128xf32, #tpu.memory_space<vmem>> -> memref<128x128xf32, #tpu.memory_space<vmem>>
      tpu.enqueue_dma source(%dma_start3A_61 : memref<128x128xf32, #tpu.memory_space<vmem>>) target(%dma_start3A_58 : memref<128x128xf32, #tpu.memory_space<hbm>>) target_semaphore(%run_scoped3A : memref<!tpu.dma_semaphore, #tpu.memory_space<semaphore_mem>>)
      %dma_wait3A = arith.constant 0 : i32
      %dma_wait3A_62 = arith.constant 0 : i32
      %dma_wait3A_63 = tpu.memref_slice %arg9[%dma_wait3A, %dma_wait3A_62] : memref<128x128xf32, #tpu.memory_space<vmem>> -> memref<128x128xf32, #tpu.memory_space<vmem>>
      %dma_wait3A_64 = arith.constant 0 : i32
      %dma_wait3A_65 = tpu.memref_slice %arg6[%arg0, %add3A_50, %dma_wait3A_64] : memref<2x10240x128xf32, #tpu.memory_space<hbm>> -> memref<1x128x128xf32, #tpu.memory_space<hbm>>
      %dma_wait3A_66 = tpu.memref_squeeze %dma_wait3A_65 : memref<1x128x128xf32, #tpu.memory_space<hbm>> -> memref<128x128xf32, #tpu.memory_space<hbm>>
      %dma_wait3A_67 = arith.constant 0 : i32
      %dma_wait3A_68 = tpu.memref_slice %arg6[%arg0, %add3A_50, %dma_wait3A_67] : memref<2x10240x128xf32, #tpu.memory_space<hbm>> -> memref<1x128x128xf32, #tpu.memory_space<hbm>>
      %dma_wait3A_69 = tpu.memref_squeeze %dma_wait3A_68 : memref<1x128x128xf32, #tpu.memory_space<hbm>> -> memref<128x128xf32, #tpu.memory_space<hbm>>
      %dma_wait3A_70 = arith.constant 0 : i32
      %dma_wait3A_71 = arith.constant 0 : i32
      %dma_wait3A_72 = tpu.memref_slice %arg9[%dma_wait3A_70, %dma_wait3A_71] : memref<128x128xf32, #tpu.memory_space<vmem>> -> memref<128x128xf32, #tpu.memory_space<vmem>>
      tpu.wait_dma2 semaphore(%run_scoped3A : memref<!tpu.dma_semaphore, #tpu.memory_space<semaphore_mem>>) src(%dma_wait3A_72 : memref<128x128xf32, #tpu.memory_space<vmem>>) dst(%dma_wait3A_69 : memref<128x128xf32, #tpu.memory_space<hbm>>)
      tpu.yield
    }) : () -> ()
    return
  }
}

module attributes {stable_mosaic.version = 14 : i64} {
  func.func @_tc_body(%arg0: i32, %arg1: memref<1000x128xf32, #tpu.memory_space<vmem>>, %arg2: memref<2x1000x128xf32, #tpu.memory_space<vmem>>, %arg3: memref<2x1000x128xf32, #tpu.memory_space<vmem>>, %arg4: memref<128x128xf32, #tpu.memory_space<vmem>>, %arg5: memref<128x128xf32, #tpu.memory_space<vmem>>, %arg6: memref<1x128xf32, #tpu.memory_space<vmem>>, %arg7: memref<1000x128xf32, #tpu.memory_space<vmem>>) attributes {dimension_semantics = [#tpu.dimension_semantics<arbitrary>], iteration_bounds = array<i64: 10>, scalar_prefetch = 0 : i64, scratch_operands = 0 : i64, tpu.core_type = #tpu.core_type<tc>, window_params = [{transform_indices = @transform_0, window_bounds = array<i64: 1000, 128>}, {transform_indices = @transform_1, window_bounds = array<i64: 2, 1000, 128>}, {transform_indices = @transform_2, window_bounds = array<i64: 2, 1000, 128>}, {pipeline_mode = #tpu.pipeline_mode<synchronous>, transform_indices = @transform_3, window_bounds = array<i64: 128, 128>}, {pipeline_mode = #tpu.pipeline_mode<synchronous>, transform_indices = @transform_4, window_bounds = array<i64: 128, 128>}, {pipeline_mode = #tpu.pipeline_mode<synchronous>, transform_indices = @transform_5, window_bounds = array<i64: 1, 128>}, {transform_indices = @transform_6, window_bounds = array<i64: 1000, 128>}]} {
    %get3A = arith.constant 0 : index
    %get3A_0 = arith.constant 0 : index
    %get3A_1 = arith.constant 0 : index
    %get3A_2 = vector.load %arg2[%get3A, %get3A_0, %get3A_1] : memref<2x1000x128xf32, #tpu.memory_space<vmem>>, vector<1x1000x128xf32>
    %get3A_3 = vector.shape_cast %get3A_2 : vector<1x1000x128xf32> to vector<1000x128xf32>
    %get3A_4 = arith.constant 1 : index
    %get3A_5 = arith.constant 0 : index
    %get3A_6 = arith.constant 0 : index
    %get3A_7 = vector.load %arg2[%get3A_4, %get3A_5, %get3A_6] : memref<2x1000x128xf32, #tpu.memory_space<vmem>>, vector<1x1000x128xf32>
    %get3A_8 = vector.shape_cast %get3A_7 : vector<1x1000x128xf32> to vector<1000x128xf32>
    %add3A = arith.addf %get3A_3, %get3A_8 : vector<1000x128xf32>
    %get3A_9 = arith.constant 0 : index
    %get3A_10 = arith.constant 0 : index
    %get3A_11 = arith.constant 0 : index
    %get3A_12 = vector.load %arg3[%get3A_9, %get3A_10, %get3A_11] : memref<2x1000x128xf32, #tpu.memory_space<vmem>>, vector<1x1000x1xf32>
    %get3A_13 = vector.shape_cast %get3A_12 : vector<1x1000x1xf32> to vector<1000x1xf32>
    %get3A_14 = arith.constant 1 : index
    %get3A_15 = arith.constant 0 : index
    %get3A_16 = arith.constant 0 : index
    %get3A_17 = vector.load %arg3[%get3A_14, %get3A_15, %get3A_16] : memref<2x1000x128xf32, #tpu.memory_space<vmem>>, vector<1x1000x1xf32>
    %get3A_18 = vector.shape_cast %get3A_17 : vector<1x1000x1xf32> to vector<1000x1xf32>
    %add3A_19 = arith.addf %get3A_13, %get3A_18 : vector<1000x1xf32>
    %max3A = arith.constant 1.000000e+00 : f32
    %max3A_20 = vector.broadcast %max3A : f32 to vector<1000x1xf32>
    %max3A_21 = arith.maximumf %add3A_19, %max3A_20 : vector<1000x1xf32>
    %div3A = arith.constant 1.000000e+00 : f32
    %div3A_22 = vector.broadcast %div3A : f32 to vector<1000x1xf32>
    %div3A_23 = arith.divf %div3A_22, %max3A_21 : vector<1000x1xf32>
    %mul3A = vector.broadcast %div3A_23 : vector<1000x1xf32> to vector<1000x128xf32>
    %mul3A_24 = arith.mulf %add3A, %mul3A : vector<1000x128xf32>
    %get3A_25 = arith.constant 0 : index
    %get3A_26 = arith.constant 0 : index
    %get3A_27 = vector.load %arg4[%get3A_25, %get3A_26] : memref<128x128xf32, #tpu.memory_space<vmem>>, vector<128x128xf32>
    %dot_general3A = arith.constant dense<0.000000e+00> : vector<1000x128xf32>
    %dot_general3A_28 = tpu.matmul %mul3A_24, %get3A_27, %dot_general3A {dimension_numbers = #tpu.dot_dimension_numbers<[1], [1], [0], [0], [0, 0, 1, 0], [], []>, transpose_lhs_hint = false} : vector<1000x128xf32>, vector<128x128xf32>, vector<1000x128xf32> -> vector<1000x128xf32>
    %get3A_29 = arith.constant 0 : index
    %get3A_30 = arith.constant 0 : index
    %get3A_31 = vector.load %arg1[%get3A_29, %get3A_30] : memref<1000x128xf32, #tpu.memory_space<vmem>>, vector<1000x128xf32>
    %get3A_32 = arith.constant 0 : index
    %get3A_33 = arith.constant 0 : index
    %get3A_34 = vector.load %arg5[%get3A_32, %get3A_33] : memref<128x128xf32, #tpu.memory_space<vmem>>, vector<128x128xf32>
    %dot_general3A_35 = arith.constant dense<0.000000e+00> : vector<1000x128xf32>
    %dot_general3A_36 = tpu.matmul %get3A_31, %get3A_34, %dot_general3A_35 {dimension_numbers = #tpu.dot_dimension_numbers<[1], [1], [0], [0], [0, 0, 1, 0], [], []>, transpose_lhs_hint = false} : vector<1000x128xf32>, vector<128x128xf32>, vector<1000x128xf32> -> vector<1000x128xf32>
    %add3A_37 = arith.addf %dot_general3A_28, %dot_general3A_36 : vector<1000x128xf32>
    %get3A_38 = arith.constant 0 : index
    %get3A_39 = arith.constant 0 : index
    %get3A_40 = vector.load %arg6[%get3A_38, %get3A_39] : memref<1x128xf32, #tpu.memory_space<vmem>>, vector<1x128xf32>
    %add3A_41 = vector.broadcast %get3A_40 : vector<1x128xf32> to vector<1000x128xf32>
    %add3A_42 = arith.addf %add3A_37, %add3A_41 : vector<1000x128xf32>
    %max3A_43 = arith.constant 0.000000e+00 : f32
    %max3A_44 = vector.broadcast %max3A_43 : f32 to vector<1000x128xf32>
    %max3A_45 = arith.maximumf %add3A_42, %max3A_44 : vector<1000x128xf32>
    %swap3A = arith.constant 0 : index
    %swap3A_46 = arith.constant 0 : index
    %swap3A_47 = vector.load %arg7[%swap3A, %swap3A_46] : memref<1000x128xf32, #tpu.memory_space<vmem>>, vector<1000x128xf32>
    tpu.vector_store %arg7[%swap3A, %swap3A_46], %max3A_45 {strides = array<i32>} : memref<1000x128xf32, #tpu.memory_space<vmem>>, vector<1000x128xf32>,
    return
  }
  func.func @transform_0(%arg0: i32) -> (i32, i32) {
    %c0_i32 = arith.constant 0 : i32
    %c0_i32_0 = arith.constant 0 : i32
    return %arg0, %c0_i32 : i32, i32
  }
  func.func @transform_1(%arg0: i32) -> (i32, i32, i32) {
    %c0_i32 = arith.constant 0 : i32
    %c0_i32_0 = arith.constant 0 : i32
    %c0_i32_1 = arith.constant 0 : i32
    return %c0_i32, %arg0, %c0_i32_0 : i32, i32, i32
  }
  func.func @transform_2(%arg0: i32) -> (i32, i32, i32) {
    %c0_i32 = arith.constant 0 : i32
    %c0_i32_0 = arith.constant 0 : i32
    %c0_i32_1 = arith.constant 0 : i32
    return %c0_i32, %arg0, %c0_i32_0 : i32, i32, i32
  }
  func.func @transform_3(%arg0: i32) -> (i32, i32) {
    %c0_i32 = arith.constant 0 : i32
    %c0_i32_0 = arith.constant 0 : i32
    %c0_i32_1 = arith.constant 0 : i32
    return %c0_i32, %c0_i32_0 : i32, i32
  }
  func.func @transform_4(%arg0: i32) -> (i32, i32) {
    %c0_i32 = arith.constant 0 : i32
    %c0_i32_0 = arith.constant 0 : i32
    %c0_i32_1 = arith.constant 0 : i32
    return %c0_i32, %c0_i32_0 : i32, i32
  }
  func.func @transform_5(%arg0: i32) -> (i32, i32) {
    %c0_i32 = arith.constant 0 : i32
    %c0_i32_0 = arith.constant 0 : i32
    %c0_i32_1 = arith.constant 0 : i32
    return %c0_i32, %c0_i32_0 : i32, i32
  }
  func.func @transform_6(%arg0: i32) -> (i32, i32) {
    %c0_i32 = arith.constant 0 : i32
    %c0_i32_0 = arith.constant 0 : i32
    return %arg0, %c0_i32 : i32, i32
  }
}

module attributes {stable_mosaic.version = 14 : i64} {
  func.func @_tc_body(%arg0: i32, %arg1: memref<1000x128xf32, #tpu.memory_space<vmem>>, %arg2: memref<2x1000x128xf32, #tpu.memory_space<vmem>>, %arg3: memref<2x1000x128xf32, #tpu.memory_space<vmem>>, %arg4: memref<128x128xf32, #tpu.memory_space<vmem>>, %arg5: memref<128x128xf32, #tpu.memory_space<vmem>>, %arg6: memref<1x128xf32, #tpu.memory_space<vmem>>, %arg7: memref<1000x128xf32, #tpu.memory_space<vmem>>) attributes {dimension_semantics = [#tpu.dimension_semantics<arbitrary>], iteration_bounds = array<i64: 10>, scalar_prefetch = 0 : i64, scratch_operands = 0 : i64, tpu.core_type = #tpu.core_type<tc>, window_params = [{transform_indices = @transform_0, window_bounds = array<i64: 1000, 128>}, {transform_indices = @transform_1, window_bounds = array<i64: 2, 1000, 128>}, {transform_indices = @transform_2, window_bounds = array<i64: 2, 1000, 128>}, {pipeline_mode = #tpu.pipeline_mode<synchronous>, transform_indices = @transform_3, window_bounds = array<i64: 128, 128>}, {pipeline_mode = #tpu.pipeline_mode<synchronous>, transform_indices = @transform_4, window_bounds = array<i64: 128, 128>}, {pipeline_mode = #tpu.pipeline_mode<synchronous>, transform_indices = @transform_5, window_bounds = array<i64: 1, 128>}, {transform_indices = @transform_6, window_bounds = array<i64: 1000, 128>}]} {
    %get3A = arith.constant 0 : index
    %get3A_0 = arith.constant 0 : index
    %get3A_1 = arith.constant 0 : index
    %get3A_2 = vector.load %arg2[%get3A, %get3A_0, %get3A_1] : memref<2x1000x128xf32, #tpu.memory_space<vmem>>, vector<1x1000x128xf32>
    %get3A_3 = vector.shape_cast %get3A_2 : vector<1x1000x128xf32> to vector<1000x128xf32>
    %get3A_4 = arith.constant 1 : index
    %get3A_5 = arith.constant 0 : index
    %get3A_6 = arith.constant 0 : index
    %get3A_7 = vector.load %arg2[%get3A_4, %get3A_5, %get3A_6] : memref<2x1000x128xf32, #tpu.memory_space<vmem>>, vector<1x1000x128xf32>
    %get3A_8 = vector.shape_cast %get3A_7 : vector<1x1000x128xf32> to vector<1000x128xf32>
    %add3A = arith.addf %get3A_3, %get3A_8 : vector<1000x128xf32>
    %get3A_9 = arith.constant 0 : index
    %get3A_10 = arith.constant 0 : index
    %get3A_11 = arith.constant 0 : index
    %get3A_12 = vector.load %arg3[%get3A_9, %get3A_10, %get3A_11] : memref<2x1000x128xf32, #tpu.memory_space<vmem>>, vector<1x1000x1xf32>
    %get3A_13 = vector.shape_cast %get3A_12 : vector<1x1000x1xf32> to vector<1000x1xf32>
    %get3A_14 = arith.constant 1 : index
    %get3A_15 = arith.constant 0 : index
    %get3A_16 = arith.constant 0 : index
    %get3A_17 = vector.load %arg3[%get3A_14, %get3A_15, %get3A_16] : memref<2x1000x128xf32, #tpu.memory_space<vmem>>, vector<1x1000x1xf32>
    %get3A_18 = vector.shape_cast %get3A_17 : vector<1x1000x1xf32> to vector<1000x1xf32>
    %add3A_19 = arith.addf %get3A_13, %get3A_18 : vector<1000x1xf32>
    %max3A = arith.constant 1.000000e+00 : f32
    %max3A_20 = vector.broadcast %max3A : f32 to vector<1000x1xf32>
    %max3A_21 = arith.maximumf %add3A_19, %max3A_20 : vector<1000x1xf32>
    %div3A = arith.constant 1.000000e+00 : f32
    %div3A_22 = vector.broadcast %div3A : f32 to vector<1000x1xf32>
    %div3A_23 = arith.divf %div3A_22, %max3A_21 : vector<1000x1xf32>
    %mul3A = vector.broadcast %div3A_23 : vector<1000x1xf32> to vector<1000x128xf32>
    %mul3A_24 = arith.mulf %add3A, %mul3A : vector<1000x128xf32>
    %get3A_25 = arith.constant 0 : index
    %get3A_26 = arith.constant 0 : index
    %get3A_27 = vector.load %arg4[%get3A_25, %get3A_26] : memref<128x128xf32, #tpu.memory_space<vmem>>, vector<128x128xf32>
    %dot_general3A = arith.constant dense<0.000000e+00> : vector<1000x128xf32>
    %dot_general3A_28 = tpu.matmul %mul3A_24, %get3A_27, %dot_general3A {dimension_numbers = #tpu.dot_dimension_numbers<[1], [1], [0], [0], [0, 0, 1, 0], [], []>, transpose_lhs_hint = false} : vector<1000x128xf32>, vector<128x128xf32>, vector<1000x128xf32> -> vector<1000x128xf32>
    %get3A_29 = arith.constant 0 : index
    %get3A_30 = arith.constant 0 : index
    %get3A_31 = vector.load %arg1[%get3A_29, %get3A_30] : memref<1000x128xf32, #tpu.memory_space<vmem>>, vector<1000x128xf32>
    %get3A_32 = arith.constant 0 : index
    %get3A_33 = arith.constant 0 : index
    %get3A_34 = vector.load %arg5[%get3A_32, %get3A_33] : memref<128x128xf32, #tpu.memory_space<vmem>>, vector<128x128xf32>
    %dot_general3A_35 = arith.constant dense<0.000000e+00> : vector<1000x128xf32>
    %dot_general3A_36 = tpu.matmul %get3A_31, %get3A_34, %dot_general3A_35 {dimension_numbers = #tpu.dot_dimension_numbers<[1], [1], [0], [0], [0, 0, 1, 0], [], []>, transpose_lhs_hint = false} : vector<1000x128xf32>, vector<128x128xf32>, vector<1000x128xf32> -> vector<1000x128xf32>
    %add3A_37 = arith.addf %dot_general3A_28, %dot_general3A_36 : vector<1000x128xf32>
    %get3A_38 = arith.constant 0 : index
    %get3A_39 = arith.constant 0 : index
    %get3A_40 = vector.load %arg6[%get3A_38, %get3A_39] : memref<1x128xf32, #tpu.memory_space<vmem>>, vector<1x128xf32>
    %add3A_41 = vector.broadcast %get3A_40 : vector<1x128xf32> to vector<1000x128xf32>
    %add3A_42 = arith.addf %add3A_37, %add3A_41 : vector<1000x128xf32>
    %max3A_43 = arith.constant 0.000000e+00 : f32
    %max3A_44 = vector.broadcast %max3A_43 : f32 to vector<1000x128xf32>
    %max3A_45 = arith.maximumf %add3A_42, %max3A_44 : vector<1000x128xf32>
    %swap3A = arith.constant 0 : index
    %swap3A_46 = arith.constant 0 : index
    %swap3A_47 = vector.load %arg7[%swap3A, %swap3A_46] : memref<1000x128xf32, #tpu.memory_space<vmem>>, vector<1000x128xf32>
    tpu.vector_store %arg7[%swap3A, %swap3A_46], %max3A_45 {strides = array<i32>} : memref<1000x128xf32, #tpu.memory_space<vmem>>, vector<1000x128xf32>,
    return
  }
  func.func @transform_0(%arg0: i32) -> (i32, i32) {
    %c0_i32 = arith.constant 0 : i32
    %c0_i32_0 = arith.constant 0 : i32
    return %arg0, %c0_i32 : i32, i32
  }
  func.func @transform_1(%arg0: i32) -> (i32, i32, i32) {
    %c0_i32 = arith.constant 0 : i32
    %c0_i32_0 = arith.constant 0 : i32
    %c0_i32_1 = arith.constant 0 : i32
    return %c0_i32, %arg0, %c0_i32_0 : i32, i32, i32
  }
  func.func @transform_2(%arg0: i32) -> (i32, i32, i32) {
    %c0_i32 = arith.constant 0 : i32
    %c0_i32_0 = arith.constant 0 : i32
    %c0_i32_1 = arith.constant 0 : i32
    return %c0_i32, %arg0, %c0_i32_0 : i32, i32, i32
  }
  func.func @transform_3(%arg0: i32) -> (i32, i32) {
    %c0_i32 = arith.constant 0 : i32
    %c0_i32_0 = arith.constant 0 : i32
    %c0_i32_1 = arith.constant 0 : i32
    return %c0_i32, %c0_i32_0 : i32, i32
  }
  func.func @transform_4(%arg0: i32) -> (i32, i32) {
    %c0_i32 = arith.constant 0 : i32
    %c0_i32_0 = arith.constant 0 : i32
    %c0_i32_1 = arith.constant 0 : i32
    return %c0_i32, %c0_i32_0 : i32, i32
  }
  func.func @transform_5(%arg0: i32) -> (i32, i32) {
    %c0_i32 = arith.constant 0 : i32
    %c0_i32_0 = arith.constant 0 : i32
    %c0_i32_1 = arith.constant 0 : i32
    return %c0_i32, %c0_i32_0 : i32, i32
  }
  func.func @transform_6(%arg0: i32) -> (i32, i32) {
    %c0_i32 = arith.constant 0 : i32
    %c0_i32_0 = arith.constant 0 : i32
    return %arg0, %c0_i32 : i32, i32
  }
}

</mosaic_0001>

<sc_bundles>
// kernel: kernel.10.cloned.1.call-start
scs
__scs_entry_jumppad:
0x0: {  	(pc) =	sbr.rel $0x88, $3  }
0x1: {  	(tag) =	ssettag $0x0;
	lr =	simm.s32 $0x1  }
0x2: {  	[smem:$0x3F99] =	sst lr;
	_ =	strace $0xD0000000  }
0x3: {  	_ = 	snop  }
0x4: {  	_ = 	snop  }
0x5: {  	_ = 	snop  }
0x6: {  	_ = 	snop  }
0x7: {  	_ = 	snop  }
__scs_overlays_trampoline_lowered:
0x8: {  	[smem:$0x3FA8] =	sst s0  }
0x9: {  	[smem:$0x3FA9] =	sst s1  }
0xa: {  	[smem:$0x3FAA] =	sst s2  }
0xb: {  	[smem:$0x3FAB] =	sst s3  }
0xc: {  	[smem:$0x3FAC] =	sst s4  }
0xd: {  	[smem:$0x3FAD] =	sst s5  }
0xe: {  	[smem:$0x3FAE] =	sst s6  }
0xf: {  	[smem:$0x3FAF] =	sst s7  }
0x10: {  	[smem:$0x3FB0] =	sst s8  }
0x11: {  	[smem:$0x3FB1] =	sst s9;
	s0 =	simm.s32 @!p0 $0x0  }
0x12: {  	s1 =	sld [smem:$0x3F97];
	s0 =	simm.s32 @p0 $0x1  }
0x13: {  	[smem:$0x3FB2] =	sst s0;
	s0 =	simm.s32 @!p1 $0x0  }
0x14: {  	s2 =	sld [smem:$0x3F96];
	s0 =	simm.s32 @p1 $0x1  }
0x15: {  	[smem:$0x3FB3] =	sst s0;
	s0 =	simm.s32 @!p2 $0x0  }
0x16: {  	s3 =	sld [smem:$0x3FDB];
	s0 =	simm.s32 @p2 $0x1  }
0x17: {  	s4 =	simm.s32 $0x1BF5;
	[smem:$0x3FB5] =	sst s0  }
0x18: {  	s0 =	sld [smem:$0x3F98];
	_ =	swait.ge [sflag:s4], $0x0  }
0x19: {  	s7 =	sld [smem:$0x3F99]  }
0x1a: {  	s8 =	sadd.s32 $0xFFFFE003, lr  }
0x1b: {  	s9 =	sadd.s32 $0xFFFFFEF7, lr;
	s5 =	simm.s32 $0xFFFFFFFF;
	p2 =	slt.u32 s8, $0xFFFFF086  }
0x1c: {  	p1 =	slt.u32 s9, $0xF7A;
	s5 =	simm.s32 @!p2 $0x0  }
0x1d: {  	s5 =	simm.s32 @p1 $0x1;
	p0 =	seq.s32 s7, s2  }
0x1e: {  	s7 =	smul.u32 @!p0 $0xF7A, s2;
	p2 =	seq.s32 @!p0 s5, $0x0  }
0x1f: {  	s9 =	smul.u32 $0xF7A, s1;
	s8 =	simm.s32 @!p0 $0x1BF5;
	p2 =	por !p2, p0  }
0x20: {  	[sflag:s8] =	ssyncset.s32 @!p0 $0xFFFFF086;
	s6 =	sadd.s32 @!p0 s3, s7;
	s7 =	simm.s32 @!p0 $0x108  }
0x21: {  	s3 =	sadd.s32 s3, s9;
	s6 =	sadd.s32 @!p0 $0x88, s6;
	s7 =	simm.s32 @p2 $0x1082  }
0x22: {  	[simem:s7], [sflag:s8] =	dma.local @!p0 [hbm:s6], $0xF7A  }
0x23: {  	s9 =	sor.u32 $0xD0000000, s2;
	s6 =	simm.s32 $0x108;
	_ =	swait.ge @!p0 [sflag:s8], $0x0  }
0x24: {  	s3 =	sadd.s32 $0x88, s3;
	s6 =	simm.s32 @!p1 $0x1082;
	[sflag:s4] =	ssyncset.s32 $0xFFFFF086  }
0x25: {  	[simem:s6], [sflag:s4] =	dma.local [hbm:s3], $0xF7A  }
0x26: {  	[smem:$0x3F99] =	sst s1;
	(tag) =	ssettag s2;
	_ =	strace s9  }
0x27: {  	s1 =	sld [smem:$0x3FA9]  }
0x28: {  	s2 =	sld [smem:$0x3FAA]  }
0x29: {  	s4 =	sld [smem:$0x3FAC]  }
0x2a: {  	p0 =	seq.s32 s5, $0x0;
	s5 =	sld [smem:$0x3FAD]  }
0x2b: {  	s6 =	sld [smem:$0x3FAE]  }
0x2c: {  	s7 =	sld [smem:$0x3FAF]  }
0x2d: {  	s3 =	simm.s32 $0x108;
	s8 =	sld [smem:$0x3FB0]  }
0x2e: {  	s3 =	simm.s32 @!p0 $0x1082;
	s9 =	sld [smem:$0x3FB1]  }
0x2f: {  	lr =	sadd.s32 s0, s3;
	s0 =	sld [smem:$0x3FA8]  }
0x30: {  	s3 =	sld [smem:$0x3FAB]  }
0x31: {  	[smem:$0x3FB4] =	sst s10  }
0x32: {  	s10 =	sld [smem:$0x3FB2];
	_ =	sdelay $0x3  }
0x33: {  	p0 =	seq.s32 s10, $0x1;
	s10 =	sld [smem:$0x3FB4];
	_ =	sdelay $0x3  }
0x34: {  	[smem:$0x3FB4] =	sst s10  }
0x35: {  	s10 =	sld [smem:$0x3FB3];
	_ =	sdelay $0x3  }
0x36: {  	p1 =	seq.s32 s10, $0x1;
	s10 =	sld [smem:$0x3FB4];
	_ =	sdelay $0x3  }
0x37: {  	[smem:$0x3FB4] =	sst s10  }
0x38: {  	s10 =	sld [smem:$0x3FB5]  }
0x39: {  	_ = 	snop;
	(pc) =	sbr.ind lr, $3  }
0x3a: {  	_ = 	snop  }
0x3b: {  	_ = 	snop  }
0x3c: {  	p2 =	seq.s32 s10, $0x1;
	s10 =	sld [smem:$0x3FB4]  }
0x3d: {  	_ =	shalt  }
0x3e: {  	_ =	shalt  }
0x3f: {  	_ =	shalt  }
0x40: {  	_ =	shalt  }
0x41: {  	_ =	shalt  }
0x42: {  	_ =	shalt  }
0x43: {  	_ =	shalt  }
0x44: {  	_ =	shalt  }
0x45: {  	_ =	shalt  }
0x46: {  	_ =	shalt  }
0x47: {  	_ =	shalt  }
0x48: {  	_ =	shalt  }
0x49: {  	_ =	shalt  }
0x4a: {  	_ =	shalt  }
0x4b: {  	_ =	shalt  }
0x4c: {  	_ =	shalt  }
0x4d: {  	_ =	shalt  }
0x4e: {  	_ =	shalt  }
0x4f: {  	_ =	shalt  }
0x50: {  	_ =	shalt  }
0x51: {  	_ =	shalt  }
0x52: {  	_ =	shalt  }
0x53: {  	_ =	shalt  }
0x54: {  	_ =	shalt  }
0x55: {  	_ =	shalt  }
0x56: {  	_ =	shalt  }
0x57: {  	_ =	shalt  }
0x58: {  	_ =	shalt  }
0x59: {  	_ =	shalt  }
0x5a: {  	_ =	shalt  }
0x5b: {  	_ =	shalt  }
0x5c: {  	_ =	shalt  }
0x5d: {  	_ =	shalt  }
0x5e: {  	_ =	shalt  }
0x5f: {  	_ =	shalt  }
0x60: {  	_ =	shalt  }
0x61: {  	_ =	shalt  }
0x62: {  	_ =	shalt  }
0x63: {  	_ =	shalt  }
0x64: {  	_ =	shalt  }
0x65: {  	_ =	shalt  }
0x66: {  	_ =	shalt  }
0x67: {  	_ =	shalt  }
0x68: {  	_ =	shalt  }
0x69: {  	_ =	shalt  }
0x6a: {  	_ =	shalt  }
0x6b: {  	_ =	shalt  }
0x6c: {  	_ =	shalt  }
0x6d: {  	_ =	shalt  }
0x6e: {  	_ =	shalt  }
0x6f: {  	_ =	shalt  }
0x70: {  	_ =	shalt  }
0x71: {  	_ =	shalt  }
0x72: {  	_ =	shalt  }
0x73: {  	_ =	shalt  }
0x74: {  	_ =	shalt  }
0x75: {  	_ =	shalt  }
0x76: {  	_ =	shalt  }
0x77: {  	_ =	shalt  }
0x78: {  	_ =	shalt  }
0x79: {  	_ =	shalt  }
0x7a: {  	_ =	shalt  }
0x7b: {  	_ =	shalt  }
0x7c: {  	_ =	shalt  }
0x7d: {  	_ =	shalt  }
0x7e: {  	_ =	shalt  }
0x7f: {  	_ =	shalt  }
0x80: {  	_ =	shalt  }
0x81: {  	_ =	shalt  }
0x82: {  	_ =	shalt  }
0x83: {  	_ =	shalt  }
0x84: {  	_ =	shalt  }
0x85: {  	_ =	shalt  }
0x86: {  	_ =	shalt  }
0x87: {  	_ =	shalt  }
.Lfunc_end0:
.L_simem_size_0:
called_computation.1_lowered:
.L_overlay_start_0:
0x88: {  	s2 =	sld [smem:$0x3FD9]  }
0x89: {  	s3 =	sld [smem:$0x3FFE];
	_ =	sdelay $0x1  }
0x8a: {  	s1 =	srdreg.scid  }
0x8b: {  	s0 =	sand.u32 $0x1, s1  }
0x8c: {  	s17 =	sshll.u32 s0, $0xA;
	s2 =	sadd.s32 s3, s2  }
0x8d: {  	s2 =	sadd.s32 s2, s17  }
0x8e: {  	[smem:$0x3FC0] =	sst s2  }
0x8f: {  	_ = 	snop  }
0x90: {  	s18 =	sld [smem:$0x3FC9];
	(tm) =	ssettm $0x1  }
0x91: {  	s19 =	sld [smem:$0x3FFB];
	_ =	sdelay $0x3  }
0x92: {  	_ =	strace s19  }
0x93: {  	s2 =	sld [smem:$0x3FFC];
	_ =	sdelay $0x3  }
0x94: {  	_ =	strace s2  }
0x95: {  	s2 =	sld [smem:$0x3FFD];
	_ =	sdelay $0x3  }
0x96: {  	_ =	strace s2  }
0x97: {  	_ =	strace $0x8FFFFFFF  }
0x98: {  	s20 =	sld [smem:$0x3FDB];
	_ =	sdelay $0x1  }
0x99: {  	s4 =	simm.s32 $_scs_section_size  }
0x9a: {  	s5 =	simm.s32 $_size__tile_overlayer_lowered;
	s6 =	simm.s32 $_tile_overlayer_lowered  }
0x9b: {  	s7 =	simm.s32 $0x1BFF;
	s21 =	sshll.u32 s6, $0x1;
	s4 =	sadd.s32 s4, s20  }
0x9c: {  	s22 =	simm.s32 $0x0;
	s5 =	sshll.u32 s5, $0x1;
	s6 =	sadd.s32 s21, s4  }
0x9d: {  	[timem:s22], [sflag:s7] =	dma.local [hbm:s6], s5  }
0x9e: {  	_ =	swait.ge [sflag:s7], s5  }
0x9f: {  	s5 =	ssub.s32 $0x0, s5;
	[sflag:s7] =	ssyncset.done $0x0  }
0xa0: {  	[sflag:s7] =	ssyncadd.s32 s5;
	_ =	sdelay $0x1  }
0xa1: {  	s23 =	simm.s32 $0x1B8B  }
0xa2: {  	_ =	swait.ge [sflag:s23], $0x1  }
0xa3: {  	[sflag:s23] =	ssyncset.done $0x0  }
0xa4: {  	[sflag:s23] =	ssyncadd.s32 $0xFFFFFFFF  }
0xa5: {  	s5 =	sld [smem:$0x0]  }
0xa6: {  	s6 =	sand.u32 $0xFFFFFFFE, s1  }
0xa7: {  	p0 =	sne.s32 s1, s6  }
0xa8: {  	s6 =	sshll.u32 @p0 s6, $0xE  }
0xa9: {  	s6 =	sadd.s32 @p0 $0x11B8D, s6;
	s7 =	sshll.u32 @p0 s5, $0x11  }
0xaa: {  	s6 =	sor.u32 @p0 s7, s6  }
0xab: {  	[sflag:s6] =	ssyncadd.remote.s32 @p0 $0x1;
	_ =	sdelay $0x1  }
0xac: {  	s6 =	simm.s32 @p0 $0x1B8D  }
0xad: {  	_ =	swait.eq @p0 [sflag:s6], $0x1  }
0xae: {  	[sflag:s6] =	ssyncadd.s32 @p0 $0xFFFFFFFF  }
0xaf: {  	s7 =	sshll.u32 @!p0 s1, $0xE  }
0xb0: {  	s7 =	sor.u32 @!p0 $0x4000, s7;
	s6 =	simm.s32 @!p0 $0x1B8D  }
0xb1: {  	s5 =	sshll.u32 @!p0 s5, $0x11;
	s7 =	sadd.s32 @!p0 $0x11B8D, s7;
	_ =	swait.eq @!p0 [sflag:s6], $0x1  }
0xb2: {  	s5 =	sor.u32 @!p0 s5, s7;
	[sflag:s6] =	ssyncadd.s32 @!p0 $0xFFFFFFFF  }
0xb3: {  	s25 =	simm.s32 $0x1B8E;
	s24 =	sld [smem:$0x3FFE];
	[sflag:s5] =	ssyncadd.remote.s32 @!p0 $0x1  }
0xb4: {  	s26 =	simm.s32 $execute0_lowered;
	[smem:$0x3FD2] =	sst s25  }
0xb5: {  	s6 =	sshll.u32 s26, $0x1;
	_ =	strace $0x80000049;
	[dreg:$0x1] =	wrdreg $0xFFFFFFFF  }
0xb6: {  	s28 =	simm.s32 $_size_execute0_lowered;
	s4 =	sadd.s32 s4, s6;
	[dreg:$0x0] =	wrdreg $0x0  }
0xb7: {  	s6 =	sshll.u32 s28, $0x1;
	[dreg:$0x2] =	wrdreg s4  }
0xb8: {  	[dreg:$0x3] =	wrdreg s6  }
0xb9: {  	[dreg:$0x4] =	wrdreg $0xC0  }
0xba: {  	_ =	task [dreg:s22], $0x5FFFF  }
0xbb: {  	[dreg:$0x1] =	wrdreg $0xFFFFFFFF  }
0xbc: {  	[dreg:$0x0] =	wrdreg $0x60  }
0xbd: {  	[dreg:$0x2] =	wrdreg s18  }
0xbe: {  	[dreg:$0x3] =	wrdreg s24  }
0xbf: {  	[dreg:$0x4] =	wrdreg $0x41000  }
0xc0: {  	[dreg:$0x5] =	wrdreg $0xA  }
0xc1: {  	_ =	task.clear_ibuf [dreg:s22], $0x6FFFF;
	_ =	strace $0x90000049  }
0xc2: {  	s29 =	simm.s32 $0xA;
	_ =	strace $0x8000004B  }
0xc3: {  	_ =	swait.ge [sflag:s29], $0x1  }
0xc4: {  	[sflag:s29] =	ssyncadd.s32 $0xFFFFFFFF  }
0xc5: {  	_ =	strace $0x9000004B  }
0xc6: {  	_ =	sfence  }
0xc7: {  	s30 =	sld [smem:$0x0];
	_ =	sdelay $0x2  }
0xc8: {  	s31 =	sshll.u32 s1, $0xD;
	s1 =	sshrl.u32 s1, $0x2  }
0xc9: {  	s4 =	sand.u32 $0x4000, s31;
	s1 =	sadd.s32 s1, s30  }
0xca: {  	s0 =	sor.u32 s4, s0;
	s1 =	sshll.u32 s1, $0x11  }
0xcb: {  	s0 =	sor.u32 s1, s0  }
0xcc: {  	s0 =	sadd.s32 $0x8F2B, s0  }
0xcd: {  	[sflag:s0] =	ssyncadd.remote.s32 $0x1  }
0xce: {  	_ =	sfence.sel $0xFFFF  }
0xcf: {  	[dreg:$0x0] =	wrdreg $0xFFFFFFFF;
	(pc) =	sbr.abs _section_cstart, $3  }
0xd0: {  	[dreg:$0x1] =	wrdreg $0xFFFFFFFF  }
0xd1: {  	_ =	task.clear_ibuf [dreg:s22], $0x2FFFF;
	_ =	strace $0x9FFFFFFF  }
0xd2: {  	(tm) =	ssettm $0x7FFFFFFF  }
0xd3: {  	_ =	shalt  }
tec
execute0_lowered:
.L_overlay_start_1:
0x0: {  	(tag) =	ssettag $0x1  }
0x1: {  	s2 =	rddreg [dreg:$0x0]  }
0x2: {  	s6 =	rddreg [dreg:$0x1]  }
0x3: {  	s3 =	rddreg [dreg:$0x2]  }
0x4: {  	s0 =	stileid.u32;
	s4 =	srdreg.scid  }
0x5: {  	s1 =	rddreg [dreg:$0x3];
	s11 =	simm.s32 $0x3E;
	s5 =	smul.u32 $0x62, s0  }
0x6: {  	s21 =	simm.s32 $0x1;
	s22 =	simm.s32 $0x80;
	s7 =	smul.u32 $0x3E, s0  }
0x7: {  	s23 =	simm.s32 $0x0;
	s8 =	sand.u32 $0x1, s4;
	s29 =	smul.u32 $0x50000, s0  }
0x8: {  	s4 =	simm.s32 $0x0;
	s12 =	smul.u32 $0x14000, s0;
	s16 =	sadd.s32 $0x67200, s6  }
0x9: {  	p0 =	seq.s32 s8, $0x0;
	[smem:$0x7FF] =	sst s4;
	s9 =	ssub.s32 $0x2, s8  }
0xa: {  	s20 =	smul.u32 $0x140000, s8;
	s5 =	sadd.s32 $0x3E0, s5;
	_ =	strace $0x8000004A  }
0xb: {  	s30 =	sshrl.u32 s9, $0x1;
	s31 =	sshrl.u32 s29, $0x2;
	s13 =	sadd.s32 $0x4000, s12  }
0xc: {  	s14 =	sadd.s32 $0x8000, s12;
	s15 =	sadd.s32 $0xC000, s12;
	s18 =	sadd.s32 $0x10000, s12  }
0xd: {  	s11 =	simm.s32 @!p0 $0x62;
	s5 =	smov.u32 @p0 s7;
	s17 =	ssub.s32 s9, s30  }
0xe: {  	s7 =	sadd.s32 s13, s3;
	s8 =	sadd.s32 s14, s3;
	s9 =	sadd.s32 s15, s3  }
0xf: {  	s10 =	sadd.s32 s18, s3;
	s12 =	sadd.s32 s12, s20;
	s13 =	sadd.s32 s20, s13  }
0x10: {  	s14 =	sadd.s32 s20, s14;
	s15 =	sadd.s32 s20, s15;
	s18 =	sadd.s32 s20, s18  }
0x11: {  	s20 =	simm.s32 $0x100;
	s5 =	sshll.u32 s5, $0x4;
	s12 =	sshrl.u32 s12, $0x3  }
0x12: {  	s13 =	sshrl.u32 s13, $0x3;
	s14 =	sshrl.u32 s14, $0x3;
	s15 =	sshrl.u32 s15, $0x3  }
0x13: {  	s18 =	sshrl.u32 s18, $0x3;
	s17 =	smax.u32 s17, $0x1;
	s19 =	sadd.s32 s5, s6  }
0x14: {  	s5 =	sadd.s32 $0xC200, s6;
	s6 =	sadd.s32 s31, s3;
	s12 =	sadd.s32 s16, s12  }
0x15: {  	s13 =	sadd.s32 s16, s13;
	s14 =	sadd.s32 s16, s14;
	s15 =	sadd.s32 s16, s15  }
0x16: {  	s16 =	sadd.s32 s16, s18;
	s18 =	sadd.s32 $0x2200, s19;
	s19 =	sadd.s32 $0x5D200, s19  }
.LBB2_1:
0x17: {  	[tilespmem:s20], [sflag:$0x1] =	stream.linear.gather [hbm4b:s5+s4], $0x4000, $0x38;
	[tilespmem:$0x18100] =	vst v63  }
0x18: {  	_ =	swait.ge [sflag:s21], $0x4000  }
0x19: {  	[sflag:s21] =	ssyncset.done $0x0  }
0x1a: {  	[sflag:s21] =	ssyncadd.s32 $0xFFFFC000  }
0x1b: {  	[spmem:s6] =	stream.linear.scatter [tilespmem:s20], [sflag:$0x1], $0x4000, $0x38;
	[tilespmem:$0x18100] =	vst v63  }
0x1c: {  	_ =	swait.ge [sflag:s21], $0x4000  }
0x1d: {  	[sflag:s21] =	ssyncset.done $0x0  }
0x1e: {  	[sflag:s21] =	ssyncadd.s32 $0xFFFFC000  }
0x1f: {  	[spmem:s7] =	stream.linear.scatter [tilespmem:s20], [sflag:$0x1], $0x4000, $0x38;
	[tilespmem:$0x18100] =	vst v63  }
0x20: {  	_ =	swait.ge [sflag:s21], $0x4000  }
0x21: {  	[sflag:s21] =	ssyncset.done $0x0  }
0x22: {  	[sflag:s21] =	ssyncadd.s32 $0xFFFFC000  }
0x23: {  	[spmem:s8] =	stream.linear.scatter [tilespmem:s20], [sflag:$0x1], $0x4000, $0x38;
	[tilespmem:$0x18100] =	vst v63  }
0x24: {  	_ =	swait.ge [sflag:s21], $0x4000  }
0x25: {  	[sflag:s21] =	ssyncset.done $0x0  }
0x26: {  	[sflag:s21] =	ssyncadd.s32 $0xFFFFC000  }
0x27: {  	[spmem:s9] =	stream.linear.scatter [tilespmem:s20], [sflag:$0x1], $0x4000, $0x38;
	[tilespmem:$0x18100] =	vst v63  }
0x28: {  	_ =	swait.ge [sflag:s21], $0x4000  }
0x29: {  	[sflag:s21] =	ssyncset.done $0x0  }
0x2a: {  	[sflag:s21] =	ssyncadd.s32 $0xFFFFC000  }
0x2b: {  	[spmem:s10] =	stream.linear.scatter [tilespmem:s20], [sflag:$0x1], $0x4000, $0x38;
	[tilespmem:$0x18100] =	vst v63  }
0x2c: {  	_ =	swait.ge [sflag:s21], $0x4000  }
0x2d: {  	[sflag:s21] =	ssyncset.done $0x0  }
0x2e: {  	[sflag:s21] =	ssyncadd.s32 $0xFFFFC000  }
0x2f: {  	[bflag:$0x0] =	sbarrier.arrive $0xFFFF  }
0x30: {  	[tilespmem:s4], [sflag:$0x1] =	stream.linear.gather [hbm4b:s19+s4], $0x80, $0x38;
	[tilespmem:$0x18100] =	vst v63  }
0x31: {  	_ =	swait.ge [sflag:s21], $0x80  }
0x32: {  	[sflag:s21] =	ssyncset.done $0x0  }
0x33: {  	[sflag:s21] =	ssyncadd.s32 $0xFFFFFF80  }
0x34: {  	[tilespmem:s22], [sflag:$0x1] =	stream.linear.gather [hbm4b:s18+s4], $0x80, $0x38;
	[tilespmem:$0x18100] =	vst v63  }
0x35: {  	_ =	swait.ge [sflag:s21], $0x80  }
0x36: {  	[sflag:s21] =	ssyncset.done $0x0  }
0x37: {  	[sflag:s21] =	ssyncadd.s32 $0xFFFFFF80  }
0x38: {  	[tilespmem:s20], [sflag:$0x1] =	stream.indirect.gather [hbm4b:s2+s22], $0x80, s4, s22, $0xb8;
	[tilespmem:$0x18100] =	vst v63  }
0x39: {  	p0 =	sne.s32 s11, $0x1;
	_ =	swait.ge [sflag:s21], $0x4000  }
.Ltmp0:
0x3a: {  	[sflag:s21] =	ssyncset.done $0x0;
	(pc) =	sbr.rel @!p0 .LBB2_3-.Ltmp0, $4  }
0x3b: {  	[sflag:s21] =	ssyncadd.s32 $0xFFFFC000  }
0x3c: {  	[spmem:s3] =	stream.indirect.scatter.add.f32 [tilespmem:s20], [sflag:$0x1], $0x80, s22, s22, $0xb8;
	[tilespmem:$0x18100] =	vst v63  }
0x3d: {  	s24 =	sadd.s32 $0xFFFFFFFF, s11;
	_ =	swait.ge [sflag:s21], $0x4000  }
0x3e: {  	s25 =	smov.u32 s18;
	s26 =	smov.u32 s19;
	[sflag:s21] =	ssyncset.done $0x0  }
.LBB2_2:
0x3f: {  	[sflag:s21] =	ssyncadd.s32 $0xFFFFC000;
	s25 =	sadd.s32 $0x10, s25;
	s26 =	sadd.s32 $0x10, s26  }
0x40: {  	[tilespmem:s4], [sflag:$0x1] =	stream.linear.gather [hbm4b:s26+s4], $0x80, $0x38;
	[tilespmem:$0x18100] =	vst v63  }
0x41: {  	p0 =	sne.s32 s24, $0x1;
	s24 =	sadd.s32 $0xFFFFFFFF, s24;
	_ =	swait.ge [sflag:s21], $0x80  }
0x42: {  	[sflag:s21] =	ssyncset.done $0x0  }
0x43: {  	[sflag:s21] =	ssyncadd.s32 $0xFFFFFF80  }
0x44: {  	[tilespmem:s22], [sflag:$0x1] =	stream.linear.gather [hbm4b:s25+s4], $0x80, $0x38;
	[tilespmem:$0x18100] =	vst v63  }
0x45: {  	_ =	swait.ge [sflag:s21], $0x80  }
0x46: {  	[sflag:s21] =	ssyncset.done $0x0  }
0x47: {  	[sflag:s21] =	ssyncadd.s32 $0xFFFFFF80  }
0x48: {  	[tilespmem:s20], [sflag:$0x1] =	stream.indirect.gather [hbm4b:s2+s22], $0x80, s4, s22, $0xb8;
	[tilespmem:$0x18100] =	vst v63  }
0x49: {  	_ =	swait.ge [sflag:s21], $0x4000  }
.Ltmp1:
0x4a: {  	[sflag:s21] =	ssyncset.done $0x0;
	(pc) =	sbr.rel @p0 .LBB2_2-.Ltmp1, $4  }
0x4b: {  	[sflag:s21] =	ssyncadd.s32 $0xFFFFC000  }
0x4c: {  	[spmem:s3] =	stream.indirect.scatter.add.f32 [tilespmem:s20], [sflag:$0x1], $0x80, s22, s22, $0xb8;
	[tilespmem:$0x18100] =	vst v63  }
0x4d: {  	_ =	swait.ge [sflag:s21], $0x4000  }
0x4e: {  	[sflag:s21] =	ssyncset.done $0x0  }
.LBB2_3:
0x4f: {  	[sflag:s21] =	ssyncadd.s32 $0xFFFFC000  }
0x50: {  	[bflag:$0x0] =	sbarrier.arrive $0xFFFF  }
0x51: {  	[tilespmem:s20], [sflag:$0x1] =	stream.linear.gather [spmem:s6], $0x4000, $0x38;
	[tilespmem:$0x18100] =	vst v63  }
0x52: {  	_ =	swait.ge [sflag:s21], $0x4000  }
0x53: {  	[sflag:s21] =	ssyncset.done $0x0  }
0x54: {  	[sflag:s21] =	ssyncadd.s32 $0xFFFFC000  }
0x55: {  	[hbm4b:s12+s4] =	stream.linear.scatter [tilespmem:s20], [sflag:$0x1], $0x4000, $0x38;
	[tilespmem:$0x18100] =	vst v63  }
0x56: {  	_ =	swait.ge [sflag:s21], $0x4000  }
0x57: {  	[sflag:s21] =	ssyncset.done $0x0  }
0x58: {  	[sflag:s21] =	ssyncadd.s32 $0xFFFFC000  }
0x59: {  	[tilespmem:s20], [sflag:$0x1] =	stream.linear.gather [spmem:s7], $0x4000, $0x38;
	[tilespmem:$0x18100] =	vst v63  }
0x5a: {  	_ =	swait.ge [sflag:s21], $0x4000  }
0x5b: {  	[sflag:s21] =	ssyncset.done $0x0  }
0x5c: {  	[sflag:s21] =	ssyncadd.s32 $0xFFFFC000  }
0x5d: {  	[hbm4b:s13+s4] =	stream.linear.scatter [tilespmem:s20], [sflag:$0x1], $0x4000, $0x38;
	[tilespmem:$0x18100] =	vst v63  }
0x5e: {  	_ =	swait.ge [sflag:s21], $0x4000  }
0x5f: {  	[sflag:s21] =	ssyncset.done $0x0  }
0x60: {  	[sflag:s21] =	ssyncadd.s32 $0xFFFFC000  }
0x61: {  	[tilespmem:s20], [sflag:$0x1] =	stream.linear.gather [spmem:s8], $0x4000, $0x38;
	[tilespmem:$0x18100] =	vst v63  }
0x62: {  	_ =	swait.ge [sflag:s21], $0x4000  }
0x63: {  	[sflag:s21] =	ssyncset.done $0x0  }
0x64: {  	[sflag:s21] =	ssyncadd.s32 $0xFFFFC000  }
0x65: {  	[hbm4b:s14+s4] =	stream.linear.scatter [tilespmem:s20], [sflag:$0x1], $0x4000, $0x38;
	[tilespmem:$0x18100] =	vst v63  }
0x66: {  	_ =	swait.ge [sflag:s21], $0x4000  }
0x67: {  	[sflag:s21] =	ssyncset.done $0x0  }
0x68: {  	[sflag:s21] =	ssyncadd.s32 $0xFFFFC000  }
0x69: {  	[tilespmem:s20], [sflag:$0x1] =	stream.linear.gather [spmem:s9], $0x4000, $0x38;
	[tilespmem:$0x18100] =	vst v63  }
0x6a: {  	_ =	swait.ge [sflag:s21], $0x4000  }
0x6b: {  	[sflag:s21] =	ssyncset.done $0x0  }
0x6c: {  	[sflag:s21] =	ssyncadd.s32 $0xFFFFC000  }
0x6d: {  	[hbm4b:s15+s4] =	stream.linear.scatter [tilespmem:s20], [sflag:$0x1], $0x4000, $0x38;
	[tilespmem:$0x18100] =	vst v63  }
0x6e: {  	_ =	swait.ge [sflag:s21], $0x4000  }
0x6f: {  	[sflag:s21] =	ssyncset.done $0x0  }
0x70: {  	[sflag:s21] =	ssyncadd.s32 $0xFFFFC000  }
0x71: {  	[tilespmem:s20], [sflag:$0x1] =	stream.linear.gather [spmem:s10], $0x4000, $0x38;
	[tilespmem:$0x18100] =	vst v63  }
0x72: {  	s23 =	sadd.s32 $0x1, s23;
	_ =	swait.ge [sflag:s21], $0x4000  }
0x73: {  	p0 =	sne.s32 s23, s17;
	[sflag:s21] =	ssyncset.done $0x0  }
.Ltmp2:
0x74: {  	[sflag:s21] =	ssyncadd.s32 $0xFFFFC000;
	(pc) =	sbr.rel @p0 .LBB2_1-.Ltmp2, $4  }
0x75: {  	[hbm4b:s16+s4] =	stream.linear.scatter [tilespmem:s20], [sflag:$0x1], $0x4000, $0x38;
	[tilespmem:$0x18100] =	vst v63  }
0x76: {  	_ =	swait.ge [sflag:s21], $0x4000  }
0x77: {  	[sflag:s21] =	ssyncset.done $0x0  }
0x78: {  	[sflag:s21] =	ssyncadd.s32 $0xFFFFC000  }
0x79: {  	_ =	sfence.sel $0x180000  }
0x7a: {  	[bflag:$0x0] =	sbarrier.arrive $0xFFFF  }
0x7b: {  	p0 =	sne.s32 s0, $0x0;
	_ =	strace $0x9000004A  }
0x7c: {  	s0 =	sadd.s32 @!p0 $0x100000, s1;
	[bflag:$0x2] =	sbarrier.arrive $0xFFFF  }
0x7d: {  	[sflag:s0] =	ssyncadd.tile.s32 @!p0 $0x1;
	_ =	shalt  }
.Lfunc_end2:
_tile_overlayer_lowered:
.L_overlay_start_2:
0x7e: {  	(tag) =	ssettag $0x2  }
0x7f: {  	s0 =	rddreg [dreg:$0x0];
	s2 =	stileid.u32  }
0x80: {  	s1 =	rddreg [dreg:$0x1];
	p0 =	sne.s32 s2, $0x0  }
0x81: {  	s3 =	rddreg [dreg:$0x2];
	[bflag:$0x3] =	sbarrier.arrive $0xFFFF;
	s2 =	simm.s32 @!p0 $0x1C01  }
0x82: {  	[timem:s3], [sflag:s2] =	dma.local @!p0 [hbm:s0], s1  }
0x83: {  	s0 =	simm.s32 @!p0 $0x1  }
0x84: {  	_ =	swait.ge @!p0 [sflag:s0], s1  }
0x85: {  	s1 =	ssub.s32 @!p0 $0x0, s1;
	[sflag:s0] =	ssyncset.done @!p0 $0x0  }
0x86: {  	[sflag:s0] =	ssyncadd.s32 @!p0 s1  }
0x87: {  	[bflag:$0x3] =	sbarrier.arrive $0xFFFF  }
0x88: {  	_ =	shalt  }

// kernel: kernel.13.cloned.1.call-start
scs
__scs_entry_jumppad:
0x0: {  	(pc) =	sbr.rel $0x88, $3  }
0x1: {  	(tag) =	ssettag $0x0;
	lr =	simm.s32 $0x1  }
0x2: {  	[smem:$0x3F99] =	sst lr;
	_ =	strace $0xD0000000  }
0x3: {  	_ = 	snop  }
0x4: {  	_ = 	snop  }
0x5: {  	_ = 	snop  }
0x6: {  	_ = 	snop  }
0x7: {  	_ = 	snop  }
__scs_overlays_trampoline_lowered:
0x8: {  	[smem:$0x3FA8] =	sst s0  }
0x9: {  	[smem:$0x3FA9] =	sst s1  }
0xa: {  	[smem:$0x3FAA] =	sst s2  }
0xb: {  	[smem:$0x3FAB] =	sst s3  }
0xc: {  	[smem:$0x3FAC] =	sst s4  }
0xd: {  	[smem:$0x3FAD] =	sst s5  }
0xe: {  	[smem:$0x3FAE] =	sst s6  }
0xf: {  	[smem:$0x3FAF] =	sst s7  }
0x10: {  	[smem:$0x3FB0] =	sst s8  }
0x11: {  	[smem:$0x3FB1] =	sst s9;
	s0 =	simm.s32 @!p0 $0x0  }
0x12: {  	s1 =	sld [smem:$0x3F97];
	s0 =	simm.s32 @p0 $0x1  }
0x13: {  	[smem:$0x3FB2] =	sst s0;
	s0 =	simm.s32 @!p1 $0x0  }
0x14: {  	s2 =	sld [smem:$0x3F96];
	s0 =	simm.s32 @p1 $0x1  }
0x15: {  	[smem:$0x3FB3] =	sst s0;
	s0 =	simm.s32 @!p2 $0x0  }
0x16: {  	s3 =	sld [smem:$0x3FDB];
	s0 =	simm.s32 @p2 $0x1  }
0x17: {  	s4 =	simm.s32 $0x1BF5;
	[smem:$0x3FB5] =	sst s0  }
0x18: {  	s0 =	sld [smem:$0x3F98];
	_ =	swait.ge [sflag:s4], $0x0  }
0x19: {  	s7 =	sld [smem:$0x3F99]  }
0x1a: {  	s8 =	sadd.s32 $0xFFFFE003, lr  }
0x1b: {  	s9 =	sadd.s32 $0xFFFFFEF7, lr;
	s5 =	simm.s32 $0xFFFFFFFF;
	p2 =	slt.u32 s8, $0xFFFFF086  }
0x1c: {  	p1 =	slt.u32 s9, $0xF7A;
	s5 =	simm.s32 @!p2 $0x0  }
0x1d: {  	s5 =	simm.s32 @p1 $0x1;
	p0 =	seq.s32 s7, s2  }
0x1e: {  	s7 =	smul.u32 @!p0 $0xF7A, s2;
	p2 =	seq.s32 @!p0 s5, $0x0  }
0x1f: {  	s9 =	smul.u32 $0xF7A, s1;
	s8 =	simm.s32 @!p0 $0x1BF5;
	p2 =	por !p2, p0  }
0x20: {  	[sflag:s8] =	ssyncset.s32 @!p0 $0xFFFFF086;
	s6 =	sadd.s32 @!p0 s3, s7;
	s7 =	simm.s32 @!p0 $0x108  }
0x21: {  	s3 =	sadd.s32 s3, s9;
	s6 =	sadd.s32 @!p0 $0x88, s6;
	s7 =	simm.s32 @p2 $0x1082  }
0x22: {  	[simem:s7], [sflag:s8] =	dma.local @!p0 [hbm:s6], $0xF7A  }
0x23: {  	s9 =	sor.u32 $0xD0000000, s2;
	s6 =	simm.s32 $0x108;
	_ =	swait.ge @!p0 [sflag:s8], $0x0  }
0x24: {  	s3 =	sadd.s32 $0x88, s3;
	s6 =	simm.s32 @!p1 $0x1082;
	[sflag:s4] =	ssyncset.s32 $0xFFFFF086  }
0x25: {  	[simem:s6], [sflag:s4] =	dma.local [hbm:s3], $0xF7A  }
0x26: {  	[smem:$0x3F99] =	sst s1;
	(tag) =	ssettag s2;
	_ =	strace s9  }
0x27: {  	s1 =	sld [smem:$0x3FA9]  }
0x28: {  	s2 =	sld [smem:$0x3FAA]  }
0x29: {  	s4 =	sld [smem:$0x3FAC]  }
0x2a: {  	p0 =	seq.s32 s5, $0x0;
	s5 =	sld [smem:$0x3FAD]  }
0x2b: {  	s6 =	sld [smem:$0x3FAE]  }
0x2c: {  	s7 =	sld [smem:$0x3FAF]  }
0x2d: {  	s3 =	simm.s32 $0x108;
	s8 =	sld [smem:$0x3FB0]  }
0x2e: {  	s3 =	simm.s32 @!p0 $0x1082;
	s9 =	sld [smem:$0x3FB1]  }
0x2f: {  	lr =	sadd.s32 s0, s3;
	s0 =	sld [smem:$0x3FA8]  }
0x30: {  	s3 =	sld [smem:$0x3FAB]  }
0x31: {  	[smem:$0x3FB4] =	sst s10  }
0x32: {  	s10 =	sld [smem:$0x3FB2];
	_ =	sdelay $0x3  }
0x33: {  	p0 =	seq.s32 s10, $0x1;
	s10 =	sld [smem:$0x3FB4];
	_ =	sdelay $0x3  }
0x34: {  	[smem:$0x3FB4] =	sst s10  }
0x35: {  	s10 =	sld [smem:$0x3FB3];
	_ =	sdelay $0x3  }
0x36: {  	p1 =	seq.s32 s10, $0x1;
	s10 =	sld [smem:$0x3FB4];
	_ =	sdelay $0x3  }
0x37: {  	[smem:$0x3FB4] =	sst s10  }
0x38: {  	s10 =	sld [smem:$0x3FB5]  }
0x39: {  	_ = 	snop;
	(pc) =	sbr.ind lr, $3  }
0x3a: {  	_ = 	snop  }
0x3b: {  	_ = 	snop  }
0x3c: {  	p2 =	seq.s32 s10, $0x1;
	s10 =	sld [smem:$0x3FB4]  }
0x3d: {  	_ =	shalt  }
0x3e: {  	_ =	shalt  }
0x3f: {  	_ =	shalt  }
0x40: {  	_ =	shalt  }
0x41: {  	_ =	shalt  }
0x42: {  	_ =	shalt  }
0x43: {  	_ =	shalt  }
0x44: {  	_ =	shalt  }
0x45: {  	_ =	shalt  }
0x46: {  	_ =	shalt  }
0x47: {  	_ =	shalt  }
0x48: {  	_ =	shalt  }
0x49: {  	_ =	shalt  }
0x4a: {  	_ =	shalt  }
0x4b: {  	_ =	shalt  }
0x4c: {  	_ =	shalt  }
0x4d: {  	_ =	shalt  }
0x4e: {  	_ =	shalt  }
0x4f: {  	_ =	shalt  }
0x50: {  	_ =	shalt  }
0x51: {  	_ =	shalt  }
0x52: {  	_ =	shalt  }
0x53: {  	_ =	shalt  }
0x54: {  	_ =	shalt  }
0x55: {  	_ =	shalt  }
0x56: {  	_ =	shalt  }
0x57: {  	_ =	shalt  }
0x58: {  	_ =	shalt  }
0x59: {  	_ =	shalt  }
0x5a: {  	_ =	shalt  }
0x5b: {  	_ =	shalt  }
0x5c: {  	_ =	shalt  }
0x5d: {  	_ =	shalt  }
0x5e: {  	_ =	shalt  }
0x5f: {  	_ =	shalt  }
0x60: {  	_ =	shalt  }
0x61: {  	_ =	shalt  }
0x62: {  	_ =	shalt  }
0x63: {  	_ =	shalt  }
0x64: {  	_ =	shalt  }
0x65: {  	_ =	shalt  }
0x66: {  	_ =	shalt  }
0x67: {  	_ =	shalt  }
0x68: {  	_ =	shalt  }
0x69: {  	_ =	shalt  }
0x6a: {  	_ =	shalt  }
0x6b: {  	_ =	shalt  }
0x6c: {  	_ =	shalt  }
0x6d: {  	_ =	shalt  }
0x6e: {  	_ =	shalt  }
0x6f: {  	_ =	shalt  }
0x70: {  	_ =	shalt  }
0x71: {  	_ =	shalt  }
0x72: {  	_ =	shalt  }
0x73: {  	_ =	shalt  }
0x74: {  	_ =	shalt  }
0x75: {  	_ =	shalt  }
0x76: {  	_ =	shalt  }
0x77: {  	_ =	shalt  }
0x78: {  	_ =	shalt  }
0x79: {  	_ =	shalt  }
0x7a: {  	_ =	shalt  }
0x7b: {  	_ =	shalt  }
0x7c: {  	_ =	shalt  }
0x7d: {  	_ =	shalt  }
0x7e: {  	_ =	shalt  }
0x7f: {  	_ =	shalt  }
0x80: {  	_ =	shalt  }
0x81: {  	_ =	shalt  }
0x82: {  	_ =	shalt  }
0x83: {  	_ =	shalt  }
0x84: {  	_ =	shalt  }
0x85: {  	_ =	shalt  }
0x86: {  	_ =	shalt  }
0x87: {  	_ =	shalt  }
.Lfunc_end0:
.L_simem_size_0:
called_computation.2_lowered:
.L_overlay_start_0:
0x88: {  	s2 =	sld [smem:$0x3FD9]  }
0x89: {  	s3 =	sld [smem:$0x3FFE];
	_ =	sdelay $0x1  }
0x8a: {  	s1 =	srdreg.scid  }
0x8b: {  	s0 =	sand.u32 $0x1, s1  }
0x8c: {  	s17 =	sshll.u32 s0, $0xA;
	s2 =	sadd.s32 s3, s2  }
0x8d: {  	s2 =	sadd.s32 s2, s17  }
0x8e: {  	[smem:$0x3FC0] =	sst s2  }
0x8f: {  	_ = 	snop  }
0x90: {  	s2 =	sld [smem:$0x3FD0];
	(tm) =	ssettm $0x1  }
0x91: {  	s18 =	sld [smem:$0x3FFB];
	_ =	sdelay $0x3  }
0x92: {  	_ =	strace s18  }
0x93: {  	s3 =	sld [smem:$0x3FFC];
	_ =	sdelay $0x3  }
0x94: {  	_ =	strace s3  }
0x95: {  	s3 =	sld [smem:$0x3FFD];
	_ =	sdelay $0x3  }
0x96: {  	_ =	strace s3  }
0x97: {  	_ =	strace $0x8FFFFFFF  }
0x98: {  	s19 =	sld [smem:$0x3FDB];
	_ =	sdelay $0x1  }
0x99: {  	s4 =	simm.s32 $_scs_section_size  }
0x9a: {  	s5 =	simm.s32 $_size__tile_overlayer_lowered;
	s6 =	simm.s32 $_tile_overlayer_lowered  }
0x9b: {  	s22 =	simm.s32 $0x1BFF;
	s21 =	sshll.u32 s6, $0x1;
	s3 =	sadd.s32 s4, s19  }
0x9c: {  	s7 =	simm.s32 $0x0;
	s20 =	sshll.u32 s5, $0x1;
	s5 =	sadd.s32 s21, s3  }
0x9d: {  	[timem:s7], [sflag:s22] =	dma.local [hbm:s5], s20  }
0x9e: {  	_ =	swait.ge [sflag:s22], s20  }
0x9f: {  	s4 =	ssub.s32 $0x0, s20;
	[sflag:s22] =	ssyncset.done $0x0  }
0xa0: {  	[sflag:s22] =	ssyncadd.s32 s4;
	_ =	sdelay $0x1  }
0xa1: {  	s23 =	simm.s32 $0x1B8B  }
0xa2: {  	_ =	swait.ge [sflag:s23], $0x1  }
0xa3: {  	[sflag:s23] =	ssyncset.done $0x0  }
0xa4: {  	s25 =	simm.s32 $0x1B8E;
	s24 =	sld [smem:$0x3FFE];
	[sflag:s23] =	ssyncadd.s32 $0xFFFFFFFF  }
0xa5: {  	s26 =	simm.s32 $execute0_lowered;
	[smem:$0x3FD2] =	sst s25  }
0xa6: {  	s5 =	sshll.u32 s26, $0x1;
	_ =	strace $0x8000004C;
	[dreg:$0x1] =	wrdreg $0xFFFFFFFF  }
0xa7: {  	s28 =	simm.s32 $_size_execute0_lowered;
	s3 =	sadd.s32 s3, s5;
	[dreg:$0x0] =	wrdreg $0x0  }
0xa8: {  	s5 =	sshll.u32 s28, $0x1;
	[dreg:$0x2] =	wrdreg s3  }
0xa9: {  	[dreg:$0x3] =	wrdreg s5  }
0xaa: {  	[dreg:$0x4] =	wrdreg $0xC0  }
0xab: {  	_ =	task [dreg:s7], $0x5FFFF  }
0xac: {  	[dreg:$0x1] =	wrdreg $0xFFFFFFFF  }
0xad: {  	[dreg:$0x0] =	wrdreg $0x60  }
0xae: {  	[dreg:$0x2] =	wrdreg s2  }
0xaf: {  	[dreg:$0x3] =	wrdreg s24  }
0xb0: {  	[dreg:$0x4] =	wrdreg $0x41000  }
0xb1: {  	[dreg:$0x5] =	wrdreg $0x9  }
0xb2: {  	_ =	task.clear_ibuf [dreg:s7], $0x6FFFF;
	_ =	strace $0x9000004C  }
0xb3: {  	s29 =	simm.s32 $0x9;
	_ =	strace $0x8000004E  }
0xb4: {  	_ =	swait.ge [sflag:s29], $0x1  }
0xb5: {  	[sflag:s29] =	ssyncadd.s32 $0xFFFFFFFF  }
0xb6: {  	_ =	strace $0x9000004E  }
0xb7: {  	_ =	sfence  }
0xb8: {  	s30 =	sld [smem:$0x0];
	_ =	sdelay $0x2  }
0xb9: {  	s31 =	sshll.u32 s1, $0xD;
	s1 =	sshrl.u32 s1, $0x2  }
0xba: {  	s3 =	sand.u32 $0x4000, s31;
	s1 =	sadd.s32 s1, s30  }
0xbb: {  	s0 =	sor.u32 s3, s0;
	s1 =	sshll.u32 s1, $0x11  }
0xbc: {  	s0 =	sor.u32 s1, s0  }
0xbd: {  	s0 =	sadd.s32 $0x8F2B, s0  }
0xbe: {  	[sflag:s0] =	ssyncadd.remote.s32 $0x1  }
0xbf: {  	_ =	sfence.sel $0xFFFF  }
0xc0: {  	[dreg:$0x0] =	wrdreg $0xFFFFFFFF;
	(pc) =	sbr.abs _section_cstart, $3  }
0xc1: {  	[dreg:$0x1] =	wrdreg $0xFFFFFFFF  }
0xc2: {  	_ =	task.clear_ibuf [dreg:s7], $0x2FFFF;
	_ =	strace $0x9FFFFFFF  }
0xc3: {  	(tm) =	ssettm $0x7FFFFFFF  }
tec
execute0_lowered:
.L_overlay_start_1:
0x0: {  	(tag) =	ssettag $0x1  }
0x1: {  	s2 =	rddreg [dreg:$0x0]  }
0x2: {  	s6 =	rddreg [dreg:$0x1]  }
0x3: {  	s3 =	rddreg [dreg:$0x2]  }
0x4: {  	s0 =	stileid.u32;
	s4 =	srdreg.scid  }
0x5: {  	s1 =	rddreg [dreg:$0x3];
	s11 =	simm.s32 $0x3E;
	s5 =	smul.u32 $0x62, s0  }
0x6: {  	s21 =	simm.s32 $0x1;
	s22 =	simm.s32 $0x80;
	s7 =	smul.u32 $0x3E, s0  }
0x7: {  	s23 =	simm.s32 $0x0;
	s8 =	sand.u32 $0x1, s4;
	s29 =	smul.u32 $0x50000, s0  }
0x8: {  	s4 =	simm.s32 $0x0;
	s12 =	smul.u32 $0x14000, s0;
	s16 =	sadd.s32 $0x67200, s6  }
0x9: {  	p0 =	seq.s32 s8, $0x0;
	[smem:$0x7FF] =	sst s4;
	s9 =	ssub.s32 $0x2, s8  }
0xa: {  	s20 =	smul.u32 $0x140000, s8;
	s5 =	sadd.s32 $0x3E0, s5;
	_ =	strace $0x8000004D  }
0xb: {  	s30 =	sshrl.u32 s9, $0x1;
	s31 =	sshrl.u32 s29, $0x2;
	s13 =	sadd.s32 $0x4000, s12  }
0xc: {  	s14 =	sadd.s32 $0x8000, s12;
	s15 =	sadd.s32 $0xC000, s12;
	s18 =	sadd.s32 $0x10000, s12  }
0xd: {  	s11 =	simm.s32 @!p0 $0x62;
	s5 =	smov.u32 @p0 s7;
	s17 =	ssub.s32 s9, s30  }
0xe: {  	s7 =	sadd.s32 s13, s3;
	s8 =	sadd.s32 s14, s3;
	s9 =	sadd.s32 s15, s3  }
0xf: {  	s10 =	sadd.s32 s18, s3;
	s12 =	sadd.s32 s12, s20;
	s13 =	sadd.s32 s20, s13  }
0x10: {  	s14 =	sadd.s32 s20, s14;
	s15 =	sadd.s32 s20, s15;
	s18 =	sadd.s32 s20, s18  }
0x11: {  	s20 =	simm.s32 $0x100;
	s5 =	sshll.u32 s5, $0x4;
	s12 =	sshrl.u32 s12, $0x3  }
0x12: {  	s13 =	sshrl.u32 s13, $0x3;
	s14 =	sshrl.u32 s14, $0x3;
	s15 =	sshrl.u32 s15, $0x3  }
0x13: {  	s18 =	sshrl.u32 s18, $0x3;
	s17 =	smax.u32 s17, $0x1;
	s19 =	sadd.s32 s5, s6  }
0x14: {  	s5 =	sadd.s32 $0xC200, s6;
	s6 =	sadd.s32 s31, s3;
	s12 =	sadd.s32 s16, s12  }
0x15: {  	s13 =	sadd.s32 s16, s13;
	s14 =	sadd.s32 s16, s14;
	s15 =	sadd.s32 s16, s15  }
0x16: {  	s16 =	sadd.s32 s16, s18;
	s18 =	sadd.s32 $0x2200, s19;
	s19 =	sadd.s32 $0x5D200, s19  }
.LBB2_1:
0x17: {  	[tilespmem:s20], [sflag:$0x1] =	stream.linear.gather [hbm4b:s5+s4], $0x4000, $0x38;
	[tilespmem:$0x18100] =	vst v63  }
0x18: {  	_ =	swait.ge [sflag:s21], $0x4000  }
0x19: {  	[sflag:s21] =	ssyncset.done $0x0  }
0x1a: {  	[sflag:s21] =	ssyncadd.s32 $0xFFFFC000  }
0x1b: {  	[spmem:s6] =	stream.linear.scatter [tilespmem:s20], [sflag:$0x1], $0x4000, $0x38;
	[tilespmem:$0x18100] =	vst v63  }
0x1c: {  	_ =	swait.ge [sflag:s21], $0x4000  }
0x1d: {  	[sflag:s21] =	ssyncset.done $0x0  }
0x1e: {  	[sflag:s21] =	ssyncadd.s32 $0xFFFFC000  }
0x1f: {  	[spmem:s7] =	stream.linear.scatter [tilespmem:s20], [sflag:$0x1], $0x4000, $0x38;
	[tilespmem:$0x18100] =	vst v63  }
0x20: {  	_ =	swait.ge [sflag:s21], $0x4000  }
0x21: {  	[sflag:s21] =	ssyncset.done $0x0  }
0x22: {  	[sflag:s21] =	ssyncadd.s32 $0xFFFFC000  }
0x23: {  	[spmem:s8] =	stream.linear.scatter [tilespmem:s20], [sflag:$0x1], $0x4000, $0x38;
	[tilespmem:$0x18100] =	vst v63  }
0x24: {  	_ =	swait.ge [sflag:s21], $0x4000  }
0x25: {  	[sflag:s21] =	ssyncset.done $0x0  }
0x26: {  	[sflag:s21] =	ssyncadd.s32 $0xFFFFC000  }
0x27: {  	[spmem:s9] =	stream.linear.scatter [tilespmem:s20], [sflag:$0x1], $0x4000, $0x38;
	[tilespmem:$0x18100] =	vst v63  }
0x28: {  	_ =	swait.ge [sflag:s21], $0x4000  }
0x29: {  	[sflag:s21] =	ssyncset.done $0x0  }
0x2a: {  	[sflag:s21] =	ssyncadd.s32 $0xFFFFC000  }
0x2b: {  	[spmem:s10] =	stream.linear.scatter [tilespmem:s20], [sflag:$0x1], $0x4000, $0x38;
	[tilespmem:$0x18100] =	vst v63  }
0x2c: {  	_ =	swait.ge [sflag:s21], $0x4000  }
0x2d: {  	[sflag:s21] =	ssyncset.done $0x0  }
0x2e: {  	[sflag:s21] =	ssyncadd.s32 $0xFFFFC000  }
0x2f: {  	[bflag:$0x0] =	sbarrier.arrive $0xFFFF  }
0x30: {  	[tilespmem:s4], [sflag:$0x1] =	stream.linear.gather [hbm4b:s19+s4], $0x80, $0x38;
	[tilespmem:$0x18100] =	vst v63  }
0x31: {  	_ =	swait.ge [sflag:s21], $0x80  }
0x32: {  	[sflag:s21] =	ssyncset.done $0x0  }
0x33: {  	[sflag:s21] =	ssyncadd.s32 $0xFFFFFF80  }
0x34: {  	[tilespmem:s22], [sflag:$0x1] =	stream.linear.gather [hbm4b:s18+s4], $0x80, $0x38;
	[tilespmem:$0x18100] =	vst v63  }
0x35: {  	_ =	swait.ge [sflag:s21], $0x80  }
0x36: {  	[sflag:s21] =	ssyncset.done $0x0  }
0x37: {  	[sflag:s21] =	ssyncadd.s32 $0xFFFFFF80  }
0x38: {  	[tilespmem:s20], [sflag:$0x1] =	stream.indirect.gather [hbm4b:s2+s22], $0x80, s4, s22, $0xb8;
	[tilespmem:$0x18100] =	vst v63  }
0x39: {  	p0 =	sne.s32 s11, $0x1;
	_ =	swait.ge [sflag:s21], $0x4000  }
.Ltmp0:
0x3a: {  	[sflag:s21] =	ssyncset.done $0x0;
	(pc) =	sbr.rel @!p0 .LBB2_3-.Ltmp0, $4  }
0x3b: {  	[sflag:s21] =	ssyncadd.s32 $0xFFFFC000  }
0x3c: {  	[spmem:s3] =	stream.indirect.scatter.add.f32 [tilespmem:s20], [sflag:$0x1], $0x80, s22, s22, $0xb8;
	[tilespmem:$0x18100] =	vst v63  }
0x3d: {  	s24 =	sadd.s32 $0xFFFFFFFF, s11;
	_ =	swait.ge [sflag:s21], $0x4000  }
0x3e: {  	s25 =	smov.u32 s18;
	s26 =	smov.u32 s19;
	[sflag:s21] =	ssyncset.done $0x0  }
.LBB2_2:
0x3f: {  	[sflag:s21] =	ssyncadd.s32 $0xFFFFC000;
	s25 =	sadd.s32 $0x10, s25;
	s26 =	sadd.s32 $0x10, s26  }
0x40: {  	[tilespmem:s4], [sflag:$0x1] =	stream.linear.gather [hbm4b:s26+s4], $0x80, $0x38;
	[tilespmem:$0x18100] =	vst v63  }
0x41: {  	p0 =	sne.s32 s24, $0x1;
	s24 =	sadd.s32 $0xFFFFFFFF, s24;
	_ =	swait.ge [sflag:s21], $0x80  }
0x42: {  	[sflag:s21] =	ssyncset.done $0x0  }
0x43: {  	[sflag:s21] =	ssyncadd.s32 $0xFFFFFF80  }
0x44: {  	[tilespmem:s22], [sflag:$0x1] =	stream.linear.gather [hbm4b:s25+s4], $0x80, $0x38;
	[tilespmem:$0x18100] =	vst v63  }
0x45: {  	_ =	swait.ge [sflag:s21], $0x80  }
0x46: {  	[sflag:s21] =	ssyncset.done $0x0  }
0x47: {  	[sflag:s21] =	ssyncadd.s32 $0xFFFFFF80  }
0x48: {  	[tilespmem:s20], [sflag:$0x1] =	stream.indirect.gather [hbm4b:s2+s22], $0x80, s4, s22, $0xb8;
	[tilespmem:$0x18100] =	vst v63  }
0x49: {  	_ =	swait.ge [sflag:s21], $0x4000  }
.Ltmp1:
0x4a: {  	[sflag:s21] =	ssyncset.done $0x0;
	(pc) =	sbr.rel @p0 .LBB2_2-.Ltmp1, $4  }
0x4b: {  	[sflag:s21] =	ssyncadd.s32 $0xFFFFC000  }
0x4c: {  	[spmem:s3] =	stream.indirect.scatter.add.f32 [tilespmem:s20], [sflag:$0x1], $0x80, s22, s22, $0xb8;
	[tilespmem:$0x18100] =	vst v63  }
0x4d: {  	_ =	swait.ge [sflag:s21], $0x4000  }
0x4e: {  	[sflag:s21] =	ssyncset.done $0x0  }
.LBB2_3:
0x4f: {  	[sflag:s21] =	ssyncadd.s32 $0xFFFFC000  }
0x50: {  	[bflag:$0x0] =	sbarrier.arrive $0xFFFF  }
0x51: {  	[tilespmem:s20], [sflag:$0x1] =	stream.linear.gather [spmem:s6], $0x4000, $0x38;
	[tilespmem:$0x18100] =	vst v63  }
0x52: {  	_ =	swait.ge [sflag:s21], $0x4000  }
0x53: {  	[sflag:s21] =	ssyncset.done $0x0  }
0x54: {  	[sflag:s21] =	ssyncadd.s32 $0xFFFFC000  }
0x55: {  	[hbm4b:s12+s4] =	stream.linear.scatter [tilespmem:s20], [sflag:$0x1], $0x4000, $0x38;
	[tilespmem:$0x18100] =	vst v63  }
0x56: {  	_ =	swait.ge [sflag:s21], $0x4000  }
0x57: {  	[sflag:s21] =	ssyncset.done $0x0  }
0x58: {  	[sflag:s21] =	ssyncadd.s32 $0xFFFFC000  }
0x59: {  	[tilespmem:s20], [sflag:$0x1] =	stream.linear.gather [spmem:s7], $0x4000, $0x38;
	[tilespmem:$0x18100] =	vst v63  }
0x5a: {  	_ =	swait.ge [sflag:s21], $0x4000  }
0x5b: {  	[sflag:s21] =	ssyncset.done $0x0  }
0x5c: {  	[sflag:s21] =	ssyncadd.s32 $0xFFFFC000  }
0x5d: {  	[hbm4b:s13+s4] =	stream.linear.scatter [tilespmem:s20], [sflag:$0x1], $0x4000, $0x38;
	[tilespmem:$0x18100] =	vst v63  }
0x5e: {  	_ =	swait.ge [sflag:s21], $0x4000  }
0x5f: {  	[sflag:s21] =	ssyncset.done $0x0  }
0x60: {  	[sflag:s21] =	ssyncadd.s32 $0xFFFFC000  }
0x61: {  	[tilespmem:s20], [sflag:$0x1] =	stream.linear.gather [spmem:s8], $0x4000, $0x38;
	[tilespmem:$0x18100] =	vst v63  }
0x62: {  	_ =	swait.ge [sflag:s21], $0x4000  }
0x63: {  	[sflag:s21] =	ssyncset.done $0x0  }
0x64: {  	[sflag:s21] =	ssyncadd.s32 $0xFFFFC000  }
0x65: {  	[hbm4b:s14+s4] =	stream.linear.scatter [tilespmem:s20], [sflag:$0x1], $0x4000, $0x38;
	[tilespmem:$0x18100] =	vst v63  }
0x66: {  	_ =	swait.ge [sflag:s21], $0x4000  }
0x67: {  	[sflag:s21] =	ssyncset.done $0x0  }
0x68: {  	[sflag:s21] =	ssyncadd.s32 $0xFFFFC000  }
0x69: {  	[tilespmem:s20], [sflag:$0x1] =	stream.linear.gather [spmem:s9], $0x4000, $0x38;
	[tilespmem:$0x18100] =	vst v63  }
0x6a: {  	_ =	swait.ge [sflag:s21], $0x4000  }
0x6b: {  	[sflag:s21] =	ssyncset.done $0x0  }
0x6c: {  	[sflag:s21] =	ssyncadd.s32 $0xFFFFC000  }
0x6d: {  	[hbm4b:s15+s4] =	stream.linear.scatter [tilespmem:s20], [sflag:$0x1], $0x4000, $0x38;
	[tilespmem:$0x18100] =	vst v63  }
0x6e: {  	_ =	swait.ge [sflag:s21], $0x4000  }
0x6f: {  	[sflag:s21] =	ssyncset.done $0x0  }
0x70: {  	[sflag:s21] =	ssyncadd.s32 $0xFFFFC000  }
0x71: {  	[tilespmem:s20], [sflag:$0x1] =	stream.linear.gather [spmem:s10], $0x4000, $0x38;
	[tilespmem:$0x18100] =	vst v63  }
0x72: {  	s23 =	sadd.s32 $0x1, s23;
	_ =	swait.ge [sflag:s21], $0x4000  }
0x73: {  	p0 =	sne.s32 s23, s17;
	[sflag:s21] =	ssyncset.done $0x0  }
.Ltmp2:
0x74: {  	[sflag:s21] =	ssyncadd.s32 $0xFFFFC000;
	(pc) =	sbr.rel @p0 .LBB2_1-.Ltmp2, $4  }
0x75: {  	[hbm4b:s16+s4] =	stream.linear.scatter [tilespmem:s20], [sflag:$0x1], $0x4000, $0x38;
	[tilespmem:$0x18100] =	vst v63  }
0x76: {  	_ =	swait.ge [sflag:s21], $0x4000  }
0x77: {  	[sflag:s21] =	ssyncset.done $0x0  }
0x78: {  	[sflag:s21] =	ssyncadd.s32 $0xFFFFC000  }
0x79: {  	_ =	sfence.sel $0x180000  }
0x7a: {  	[bflag:$0x0] =	sbarrier.arrive $0xFFFF  }
0x7b: {  	p0 =	sne.s32 s0, $0x0;
	_ =	strace $0x9000004D  }
0x7c: {  	s0 =	sadd.s32 @!p0 $0x100000, s1;
	[bflag:$0x2] =	sbarrier.arrive $0xFFFF  }
0x7d: {  	[sflag:s0] =	ssyncadd.tile.s32 @!p0 $0x1;
	_ =	shalt  }
.Lfunc_end2:
_tile_overlayer_lowered:
.L_overlay_start_2:
0x7e: {  	(tag) =	ssettag $0x2  }
0x7f: {  	s0 =	rddreg [dreg:$0x0];
	s2 =	stileid.u32  }
0x80: {  	s1 =	rddreg [dreg:$0x1];
	p0 =	sne.s32 s2, $0x0  }
0x81: {  	s3 =	rddreg [dreg:$0x2];
	[bflag:$0x3] =	sbarrier.arrive $0xFFFF;
	s2 =	simm.s32 @!p0 $0x1C01  }
0x82: {  	[timem:s3], [sflag:s2] =	dma.local @!p0 [hbm:s0], s1  }
0x83: {  	s0 =	simm.s32 @!p0 $0x1  }
0x84: {  	_ =	swait.ge @!p0 [sflag:s0], s1  }
0x85: {  	s1 =	ssub.s32 @!p0 $0x0, s1;
	[sflag:s0] =	ssyncset.done @!p0 $0x0  }
0x86: {  	[sflag:s0] =	ssyncadd.s32 @!p0 s1  }
0x87: {  	[bflag:$0x3] =	sbarrier.arrive $0xFFFF  }
0x88: {  	_ =	shalt  }

// kernel: kernel.7.cloned.1.call-start
scs
__scs_entry_jumppad:
0x0: {  	(pc) =	sbr.rel $0x88, $3  }
0x1: {  	(tag) =	ssettag $0x0;
	lr =	simm.s32 $0x1  }
0x2: {  	[smem:$0x3F99] =	sst lr;
	_ =	strace $0xD0000000  }
0x3: {  	_ = 	snop  }
0x4: {  	_ = 	snop  }
0x5: {  	_ = 	snop  }
0x6: {  	_ = 	snop  }
0x7: {  	_ = 	snop  }
__scs_overlays_trampoline_lowered:
0x8: {  	[smem:$0x3FA8] =	sst s0  }
0x9: {  	[smem:$0x3FA9] =	sst s1  }
0xa: {  	[smem:$0x3FAA] =	sst s2  }
0xb: {  	[smem:$0x3FAB] =	sst s3  }
0xc: {  	[smem:$0x3FAC] =	sst s4  }
0xd: {  	[smem:$0x3FAD] =	sst s5  }
0xe: {  	[smem:$0x3FAE] =	sst s6  }
0xf: {  	[smem:$0x3FAF] =	sst s7  }
0x10: {  	[smem:$0x3FB0] =	sst s8  }
0x11: {  	[smem:$0x3FB1] =	sst s9;
	s0 =	simm.s32 @!p0 $0x0  }
0x12: {  	s1 =	sld [smem:$0x3F97];
	s0 =	simm.s32 @p0 $0x1  }
0x13: {  	[smem:$0x3FB2] =	sst s0;
	s0 =	simm.s32 @!p1 $0x0  }
0x14: {  	s2 =	sld [smem:$0x3F96];
	s0 =	simm.s32 @p1 $0x1  }
0x15: {  	[smem:$0x3FB3] =	sst s0;
	s0 =	simm.s32 @!p2 $0x0  }
0x16: {  	s3 =	sld [smem:$0x3FDB];
	s0 =	simm.s32 @p2 $0x1  }
0x17: {  	s4 =	simm.s32 $0x1BF5;
	[smem:$0x3FB5] =	sst s0  }
0x18: {  	s0 =	sld [smem:$0x3F98];
	_ =	swait.ge [sflag:s4], $0x0  }
0x19: {  	s7 =	sld [smem:$0x3F99]  }
0x1a: {  	s8 =	sadd.s32 $0xFFFFE003, lr  }
0x1b: {  	s9 =	sadd.s32 $0xFFFFFEF7, lr;
	s5 =	simm.s32 $0xFFFFFFFF;
	p2 =	slt.u32 s8, $0xFFFFF086  }
0x1c: {  	p1 =	slt.u32 s9, $0xF7A;
	s5 =	simm.s32 @!p2 $0x0  }
0x1d: {  	s5 =	simm.s32 @p1 $0x1;
	p0 =	seq.s32 s7, s2  }
0x1e: {  	s7 =	smul.u32 @!p0 $0xF7A, s2;
	p2 =	seq.s32 @!p0 s5, $0x0  }
0x1f: {  	s9 =	smul.u32 $0xF7A, s1;
	s8 =	simm.s32 @!p0 $0x1BF5;
	p2 =	por !p2, p0  }
0x20: {  	[sflag:s8] =	ssyncset.s32 @!p0 $0xFFFFF086;
	s6 =	sadd.s32 @!p0 s3, s7;
	s7 =	simm.s32 @!p0 $0x108  }
0x21: {  	s3 =	sadd.s32 s3, s9;
	s6 =	sadd.s32 @!p0 $0x88, s6;
	s7 =	simm.s32 @p2 $0x1082  }
0x22: {  	[simem:s7], [sflag:s8] =	dma.local @!p0 [hbm:s6], $0xF7A  }
0x23: {  	s9 =	sor.u32 $0xD0000000, s2;
	s6 =	simm.s32 $0x108;
	_ =	swait.ge @!p0 [sflag:s8], $0x0  }
0x24: {  	s3 =	sadd.s32 $0x88, s3;
	s6 =	simm.s32 @!p1 $0x1082;
	[sflag:s4] =	ssyncset.s32 $0xFFFFF086  }
0x25: {  	[simem:s6], [sflag:s4] =	dma.local [hbm:s3], $0xF7A  }
0x26: {  	[smem:$0x3F99] =	sst s1;
	(tag) =	ssettag s2;
	_ =	strace s9  }
0x27: {  	s1 =	sld [smem:$0x3FA9]  }
0x28: {  	s2 =	sld [smem:$0x3FAA]  }
0x29: {  	s4 =	sld [smem:$0x3FAC]  }
0x2a: {  	p0 =	seq.s32 s5, $0x0;
	s5 =	sld [smem:$0x3FAD]  }
0x2b: {  	s6 =	sld [smem:$0x3FAE]  }
0x2c: {  	s7 =	sld [smem:$0x3FAF]  }
0x2d: {  	s3 =	simm.s32 $0x108;
	s8 =	sld [smem:$0x3FB0]  }
0x2e: {  	s3 =	simm.s32 @!p0 $0x1082;
	s9 =	sld [smem:$0x3FB1]  }
0x2f: {  	lr =	sadd.s32 s0, s3;
	s0 =	sld [smem:$0x3FA8]  }
0x30: {  	s3 =	sld [smem:$0x3FAB]  }
0x31: {  	[smem:$0x3FB4] =	sst s10  }
0x32: {  	s10 =	sld [smem:$0x3FB2];
	_ =	sdelay $0x3  }
0x33: {  	p0 =	seq.s32 s10, $0x1;
	s10 =	sld [smem:$0x3FB4];
	_ =	sdelay $0x3  }
0x34: {  	[smem:$0x3FB4] =	sst s10  }
0x35: {  	s10 =	sld [smem:$0x3FB3];
	_ =	sdelay $0x3  }
0x36: {  	p1 =	seq.s32 s10, $0x1;
	s10 =	sld [smem:$0x3FB4];
	_ =	sdelay $0x3  }
0x37: {  	[smem:$0x3FB4] =	sst s10  }
0x38: {  	s10 =	sld [smem:$0x3FB5]  }
0x39: {  	_ = 	snop;
	(pc) =	sbr.ind lr, $3  }
0x3a: {  	_ = 	snop  }
0x3b: {  	_ = 	snop  }
0x3c: {  	p2 =	seq.s32 s10, $0x1;
	s10 =	sld [smem:$0x3FB4]  }
0x3d: {  	_ =	shalt  }
0x3e: {  	_ =	shalt  }
0x3f: {  	_ =	shalt  }
0x40: {  	_ =	shalt  }
0x41: {  	_ =	shalt  }
0x42: {  	_ =	shalt  }
0x43: {  	_ =	shalt  }
0x44: {  	_ =	shalt  }
0x45: {  	_ =	shalt  }
0x46: {  	_ =	shalt  }
0x47: {  	_ =	shalt  }
0x48: {  	_ =	shalt  }
0x49: {  	_ =	shalt  }
0x4a: {  	_ =	shalt  }
0x4b: {  	_ =	shalt  }
0x4c: {  	_ =	shalt  }
0x4d: {  	_ =	shalt  }
0x4e: {  	_ =	shalt  }
0x4f: {  	_ =	shalt  }
0x50: {  	_ =	shalt  }
0x51: {  	_ =	shalt  }
0x52: {  	_ =	shalt  }
0x53: {  	_ =	shalt  }
0x54: {  	_ =	shalt  }
0x55: {  	_ =	shalt  }
0x56: {  	_ =	shalt  }
0x57: {  	_ =	shalt  }
0x58: {  	_ =	shalt  }
0x59: {  	_ =	shalt  }
0x5a: {  	_ =	shalt  }
0x5b: {  	_ =	shalt  }
0x5c: {  	_ =	shalt  }
0x5d: {  	_ =	shalt  }
0x5e: {  	_ =	shalt  }
0x5f: {  	_ =	shalt  }
0x60: {  	_ =	shalt  }
0x61: {  	_ =	shalt  }
0x62: {  	_ =	shalt  }
0x63: {  	_ =	shalt  }
0x64: {  	_ =	shalt  }
0x65: {  	_ =	shalt  }
0x66: {  	_ =	shalt  }
0x67: {  	_ =	shalt  }
0x68: {  	_ =	shalt  }
0x69: {  	_ =	shalt  }
0x6a: {  	_ =	shalt  }
0x6b: {  	_ =	shalt  }
0x6c: {  	_ =	shalt  }
0x6d: {  	_ =	shalt  }
0x6e: {  	_ =	shalt  }
0x6f: {  	_ =	shalt  }
0x70: {  	_ =	shalt  }
0x71: {  	_ =	shalt  }
0x72: {  	_ =	shalt  }
0x73: {  	_ =	shalt  }
0x74: {  	_ =	shalt  }
0x75: {  	_ =	shalt  }
0x76: {  	_ =	shalt  }
0x77: {  	_ =	shalt  }
0x78: {  	_ =	shalt  }
0x79: {  	_ =	shalt  }
0x7a: {  	_ =	shalt  }
0x7b: {  	_ =	shalt  }
0x7c: {  	_ =	shalt  }
0x7d: {  	_ =	shalt  }
0x7e: {  	_ =	shalt  }
0x7f: {  	_ =	shalt  }
0x80: {  	_ =	shalt  }
0x81: {  	_ =	shalt  }
0x82: {  	_ =	shalt  }
0x83: {  	_ =	shalt  }
0x84: {  	_ =	shalt  }
0x85: {  	_ =	shalt  }
0x86: {  	_ =	shalt  }
0x87: {  	_ =	shalt  }
.Lfunc_end0:
.L_simem_size_0:
called_computation_lowered:
.L_overlay_start_0:
0x88: {  	s2 =	sld [smem:$0x3FD9]  }
0x89: {  	s3 =	sld [smem:$0x3FFE];
	_ =	sdelay $0x1  }
0x8a: {  	s1 =	srdreg.scid  }
0x8b: {  	s0 =	sand.u32 $0x1, s1  }
0x8c: {  	s17 =	sshll.u32 s0, $0xA;
	s2 =	sadd.s32 s3, s2  }
0x8d: {  	s2 =	sadd.s32 s2, s17  }
0x8e: {  	[smem:$0x3FC0] =	sst s2  }
0x8f: {  	_ = 	snop  }
0x90: {  	s2 =	sld [smem:$0x3FD0];
	(tm) =	ssettm $0x1  }
0x91: {  	s18 =	sld [smem:$0x3FFB];
	_ =	sdelay $0x3  }
0x92: {  	_ =	strace s18  }
0x93: {  	s3 =	sld [smem:$0x3FFC];
	_ =	sdelay $0x3  }
0x94: {  	_ =	strace s3  }
0x95: {  	s3 =	sld [smem:$0x3FFD];
	_ =	sdelay $0x3  }
0x96: {  	_ =	strace s3  }
0x97: {  	_ =	strace $0x8FFFFFFF  }
0x98: {  	s19 =	sld [smem:$0x3FDB];
	_ =	sdelay $0x1  }
0x99: {  	s4 =	simm.s32 $_scs_section_size  }
0x9a: {  	s5 =	simm.s32 $_size__tile_overlayer_lowered;
	s6 =	simm.s32 $_tile_overlayer_lowered  }
0x9b: {  	s22 =	simm.s32 $0x1BFF;
	s21 =	sshll.u32 s6, $0x1;
	s3 =	sadd.s32 s4, s19  }
0x9c: {  	s7 =	simm.s32 $0x0;
	s20 =	sshll.u32 s5, $0x1;
	s5 =	sadd.s32 s21, s3  }
0x9d: {  	[timem:s7], [sflag:s22] =	dma.local [hbm:s5], s20  }
0x9e: {  	_ =	swait.ge [sflag:s22], s20  }
0x9f: {  	s4 =	ssub.s32 $0x0, s20;
	[sflag:s22] =	ssyncset.done $0x0  }
0xa0: {  	[sflag:s22] =	ssyncadd.s32 s4;
	_ =	sdelay $0x1  }
0xa1: {  	s23 =	simm.s32 $0x1B8B  }
0xa2: {  	_ =	swait.ge [sflag:s23], $0x1  }
0xa3: {  	[sflag:s23] =	ssyncset.done $0x0  }
0xa4: {  	s25 =	simm.s32 $0x1B8E;
	s24 =	sld [smem:$0x3FFE];
	[sflag:s23] =	ssyncadd.s32 $0xFFFFFFFF  }
0xa5: {  	s26 =	simm.s32 $execute0_lowered;
	[smem:$0x3FD2] =	sst s25  }
0xa6: {  	s5 =	sshll.u32 s26, $0x1;
	_ =	strace $0x80000046;
	[dreg:$0x1] =	wrdreg $0xFFFFFFFF  }
0xa7: {  	s28 =	simm.s32 $_size_execute0_lowered;
	s3 =	sadd.s32 s3, s5;
	[dreg:$0x0] =	wrdreg $0x0  }
0xa8: {  	s5 =	sshll.u32 s28, $0x1;
	[dreg:$0x2] =	wrdreg s3  }
0xa9: {  	[dreg:$0x3] =	wrdreg s5  }
0xaa: {  	[dreg:$0x4] =	wrdreg $0xC0  }
0xab: {  	_ =	task [dreg:s7], $0x5FFFF  }
0xac: {  	[dreg:$0x1] =	wrdreg $0xFFFFFFFF  }
0xad: {  	[dreg:$0x0] =	wrdreg $0x60  }
0xae: {  	[dreg:$0x2] =	wrdreg s2  }
0xaf: {  	[dreg:$0x3] =	wrdreg s24  }
0xb0: {  	[dreg:$0x4] =	wrdreg $0x40800  }
0xb1: {  	[dreg:$0x5] =	wrdreg $0x9  }
0xb2: {  	_ =	task.clear_ibuf [dreg:s7], $0x6FFFF;
	_ =	strace $0x90000046  }
0xb3: {  	s29 =	simm.s32 $0x9;
	_ =	strace $0x80000048  }
0xb4: {  	_ =	swait.ge [sflag:s29], $0x1  }
0xb5: {  	[sflag:s29] =	ssyncadd.s32 $0xFFFFFFFF  }
0xb6: {  	_ =	strace $0x90000048  }
0xb7: {  	_ =	sfence  }
0xb8: {  	s30 =	sld [smem:$0x0];
	_ =	sdelay $0x2  }
0xb9: {  	s31 =	sshll.u32 s1, $0xD;
	s1 =	sshrl.u32 s1, $0x2  }
0xba: {  	s3 =	sand.u32 $0x4000, s31;
	s1 =	sadd.s32 s1, s30  }
0xbb: {  	s0 =	sor.u32 s3, s0;
	s1 =	sshll.u32 s1, $0x11  }
0xbc: {  	s0 =	sor.u32 s1, s0  }
0xbd: {  	s0 =	sadd.s32 $0x8F2B, s0  }
0xbe: {  	[sflag:s0] =	ssyncadd.remote.s32 $0x1  }
0xbf: {  	_ =	sfence.sel $0xFFFF  }
0xc0: {  	[dreg:$0x0] =	wrdreg $0xFFFFFFFF;
	(pc) =	sbr.abs _section_cstart, $3  }
0xc1: {  	[dreg:$0x1] =	wrdreg $0xFFFFFFFF  }
0xc2: {  	_ =	task.clear_ibuf [dreg:s7], $0x2FFFF;
	_ =	strace $0x9FFFFFFF  }
0xc3: {  	(tm) =	ssettm $0x7FFFFFFF  }
tec
execute0_lowered:
.L_overlay_start_1:
0x0: {  	(tag) =	ssettag $0x1  }
0x1: {  	s1 =	rddreg [dreg:$0x0]  }
0x2: {  	s7 =	rddreg [dreg:$0x1]  }
0x3: {  	s2 =	rddreg [dreg:$0x2]  }
0x4: {  	s0 =	rddreg [dreg:$0x3]  }
0x5: {  	s4 =	simm.s32 $0x0;
	s5 =	srdreg.scid;
	s3 =	stileid.u32  }
0x6: {  	[smem:$0x7FF] =	sst s4;
	s10 =	smul.u32 $0x50000, s3  }
0x7: {  	s9 =	sand.u32 $0x1, s5;
	s5 =	sadd.s32 $0xC200, s7;
	s12 =	smul.u32 $0x14000, s3  }
0x8: {  	s6 =	sadd.s32 $0xCA00, s7;
	s17 =	sadd.s32 $0xD200, s7;
	s28 =	sshll.u32 s3, $0x1  }
0x9: {  	_ =	strace $0x80000047;
	s8 =	ssub.s32 $0x2, s9;
	s14 =	sor.u32 s9, s28  }
0xa: {  	s19 =	smul.u32 $0x140000, s9;
	s11 =	sshrl.u32 s8, $0x1;
	s29 =	sshrl.u32 s10, $0x2  }
0xb: {  	s13 =	sadd.s32 $0x4000, s12;
	s15 =	sadd.s32 $0x8000, s12;
	s16 =	sadd.s32 $0xC000, s12  }
0xc: {  	s20 =	sadd.s32 $0x10000, s12;
	s18 =	ssub.s32 s8, s11;
	s7 =	sadd.s32 s29, s2  }
0xd: {  	s8 =	sadd.s32 s13, s2;
	s9 =	sadd.s32 s15, s2;
	s10 =	sadd.s32 s16, s2  }
0xe: {  	s11 =	sadd.s32 s20, s2;
	s21 =	sadd.s32 s12, s19;
	s13 =	sadd.s32 s19, s13  }
0xf: {  	s12 =	smul.u32 $0x2800, s14;
	s15 =	sadd.s32 s19, s15;
	s16 =	sadd.s32 s19, s16  }
0x10: {  	s19 =	sadd.s32 s19, s20;
	s20 =	simm.s32 $0x1;
	s30 =	sshrl.u32 s21, $0x3  }
0x11: {  	s31 =	sshrl.u32 s13, $0x3;
	s15 =	sshrl.u32 s15, $0x3;
	s16 =	sshrl.u32 s16, $0x3  }
0x12: {  	s19 =	sshrl.u32 s19, $0x3;
	s18 =	smax.u32 s18, $0x1;
	s21 =	simm.s32 $0x0  }
0x13: {  	s13 =	sadd.s32 s17, s30;
	s14 =	sadd.s32 s17, s31;
	s15 =	sadd.s32 s17, s15  }
0x14: {  	s16 =	sadd.s32 s17, s16;
	s17 =	sadd.s32 s17, s19;
	s19 =	simm.s32 $0x80  }
.LBB2_1:
0x15: {  	[tilespmem:s19], [sflag:$0x1] =	stream.linear.gather [hbm4b:s5+s4], $0x4000, $0x38;
	[tilespmem:$0x18080] =	vst v63  }
0x16: {  	_ =	swait.ge [sflag:s20], $0x4000  }
0x17: {  	[sflag:s20] =	ssyncset.done $0x0  }
0x18: {  	[sflag:s20] =	ssyncadd.s32 $0xFFFFC000  }
0x19: {  	[spmem:s7] =	stream.linear.scatter [tilespmem:s19], [sflag:$0x1], $0x4000, $0x38;
	[tilespmem:$0x18080] =	vst v63  }
0x1a: {  	_ =	swait.ge [sflag:s20], $0x4000  }
0x1b: {  	[sflag:s20] =	ssyncset.done $0x0  }
0x1c: {  	[sflag:s20] =	ssyncadd.s32 $0xFFFFC000  }
0x1d: {  	[spmem:s8] =	stream.linear.scatter [tilespmem:s19], [sflag:$0x1], $0x4000, $0x38;
	[tilespmem:$0x18080] =	vst v63  }
0x1e: {  	_ =	swait.ge [sflag:s20], $0x4000  }
0x1f: {  	[sflag:s20] =	ssyncset.done $0x0  }
0x20: {  	[sflag:s20] =	ssyncadd.s32 $0xFFFFC000  }
0x21: {  	[spmem:s9] =	stream.linear.scatter [tilespmem:s19], [sflag:$0x1], $0x4000, $0x38;
	[tilespmem:$0x18080] =	vst v63  }
0x22: {  	_ =	swait.ge [sflag:s20], $0x4000  }
0x23: {  	[sflag:s20] =	ssyncset.done $0x0  }
0x24: {  	[sflag:s20] =	ssyncadd.s32 $0xFFFFC000  }
0x25: {  	[spmem:s10] =	stream.linear.scatter [tilespmem:s19], [sflag:$0x1], $0x4000, $0x38;
	[tilespmem:$0x18080] =	vst v63  }
0x26: {  	_ =	swait.ge [sflag:s20], $0x4000  }
0x27: {  	[sflag:s20] =	ssyncset.done $0x0  }
0x28: {  	[sflag:s20] =	ssyncadd.s32 $0xFFFFC000  }
0x29: {  	[spmem:s11] =	stream.linear.scatter [tilespmem:s19], [sflag:$0x1], $0x4000, $0x38;
	[tilespmem:$0x18080] =	vst v63  }
0x2a: {  	_ =	swait.ge [sflag:s20], $0x4000  }
0x2b: {  	[sflag:s20] =	ssyncset.done $0x0  }
0x2c: {  	s22 =	sand.u32 $0x3C00, s4;
	[sflag:s20] =	ssyncadd.s32 $0xFFFFC000  }
0x2d: {  	[tilespmem:s19], [sflag:$0x1] =	stream.linear.gather [hbm4b:s6+s4], $0x4000, $0x38;
	[tilespmem:$0x18080] =	vst v63  }
0x2e: {  	s23 =	sand.u32 $0x380, s4;
	s22 =	sadd.s32 s12, s22;
	_ =	swait.ge [sflag:s20], $0x4000  }
0x2f: {  	s22 =	sor.u32 s23, s22;
	[sflag:s20] =	ssyncset.done $0x0  }
0x30: {  	s22 =	sshrl.u32 s22, $0x3;
	[sflag:s20] =	ssyncadd.s32 $0xFFFFC000  }
0x31: {  	s22 =	sadd.s32 s1, s22;
	[bflag:$0x0] =	sbarrier.arrive $0xFFFF  }
0x32: {  	[tilespmem:s4], [sflag:$0x1] =	stream.linear.gather [hbm4b:s22+s4], $0x80, $0x38;
	[tilespmem:$0x18080] =	vst v63  }
0x33: {  	_ =	swait.ge [sflag:s20], $0x80  }
0x34: {  	s30 =	simm.s32 $0x80;
	[sflag:s20] =	ssyncset.done $0x0  }
0x35: {  	s31 =	sand.u32 $0x3C00, s30;
	[sflag:s20] =	ssyncadd.s32 $0xFFFFFF80  }
0x36: {  	[spmem:s2] =	stream.indirect.scatter.add.f32 [tilespmem:s19], [sflag:$0x1], $0x80, s4, s19, $0xb8;
	[tilespmem:$0x18080] =	vst v63  }
0x37: {  	s24 =	sand.u32 $0x380, s30;
	s23 =	sadd.s32 s12, s31;
	_ =	swait.ge [sflag:s20], $0x4000  }
0x38: {  	s23 =	sor.u32 s24, s23;
	s22 =	simm.s32 $0x100;
	[sflag:s20] =	ssyncset.done $0x0  }
.LBB2_2:
0x39: {  	s23 =	sshrl.u32 s23, $0x3  }
0x3a: {  	[sflag:s20] =	ssyncadd.s32 $0xFFFFC000;
	s24 =	smov.u32 s22;
	s25 =	sadd.s32 $0x80, s22  }
0x3b: {  	p0 =	sne.s32 s22, $0x2780;
	s22 =	sadd.s32 s1, s23  }
0x3c: {  	[tilespmem:s4], [sflag:$0x1] =	stream.linear.gather [hbm4b:s22+s4], $0x80, $0x38;
	[tilespmem:$0x18080] =	vst v63  }
0x3d: {  	_ =	swait.ge [sflag:s20], $0x80  }
.Ltmp0:
0x3e: {  	[sflag:s20] =	ssyncset.done $0x0;
	(pc) =	sbr.rel @p0 .LBB2_2-.Ltmp0, $4  }
0x3f: {  	s22 =	sand.u32 $0x3C00, s24;
	[sflag:s20] =	ssyncadd.s32 $0xFFFFFF80  }
0x40: {  	[spmem:s2] =	stream.indirect.scatter.add.f32 [tilespmem:s19], [sflag:$0x1], $0x80, s4, s19, $0xb8;
	[tilespmem:$0x18080] =	vst v63  }
0x41: {  	s23 =	sand.u32 $0x380, s24;
	s22 =	sadd.s32 s12, s22;
	_ =	swait.ge [sflag:s20], $0x4000  }
0x42: {  	s23 =	sor.u32 s23, s22;
	s22 =	smov.u32 s25;
	[sflag:s20] =	ssyncset.done $0x0  }
0x43: {  	s22 =	sshrl.u32 s23, $0x3  }
0x44: {  	[sflag:s20] =	ssyncadd.s32 $0xFFFFC000;
	s22 =	sadd.s32 s1, s22  }
0x45: {  	[tilespmem:s4], [sflag:$0x1] =	stream.linear.gather [hbm4b:s22+s4], $0x80, $0x38;
	[tilespmem:$0x18080] =	vst v63  }
0x46: {  	_ =	swait.ge [sflag:s20], $0x80  }
0x47: {  	[sflag:s20] =	ssyncset.done $0x0  }
0x48: {  	[sflag:s20] =	ssyncadd.s32 $0xFFFFFF80  }
0x49: {  	[spmem:s2] =	stream.indirect.scatter.add.f32 [tilespmem:s19], [sflag:$0x1], $0x80, s4, s19, $0xb8;
	[tilespmem:$0x18080] =	vst v63  }
0x4a: {  	_ =	swait.ge [sflag:s20], $0x4000  }
0x4b: {  	[sflag:s20] =	ssyncset.done $0x0  }
0x4c: {  	[sflag:s20] =	ssyncadd.s32 $0xFFFFC000  }
0x4d: {  	[bflag:$0x0] =	sbarrier.arrive $0xFFFF  }
0x4e: {  	[tilespmem:s19], [sflag:$0x1] =	stream.linear.gather [spmem:s7], $0x4000, $0x38;
	[tilespmem:$0x18080] =	vst v63  }
0x4f: {  	_ =	swait.ge [sflag:s20], $0x4000  }
0x50: {  	[sflag:s20] =	ssyncset.done $0x0  }
0x51: {  	[sflag:s20] =	ssyncadd.s32 $0xFFFFC000  }
0x52: {  	[hbm4b:s13+s4] =	stream.linear.scatter [tilespmem:s19], [sflag:$0x1], $0x4000, $0x38;
	[tilespmem:$0x18080] =	vst v63  }
0x53: {  	_ =	swait.ge [sflag:s20], $0x4000  }
0x54: {  	[sflag:s20] =	ssyncset.done $0x0  }
0x55: {  	[sflag:s20] =	ssyncadd.s32 $0xFFFFC000  }
0x56: {  	[tilespmem:s19], [sflag:$0x1] =	stream.linear.gather [spmem:s8], $0x4000, $0x38;
	[tilespmem:$0x18080] =	vst v63  }
0x57: {  	_ =	swait.ge [sflag:s20], $0x4000  }
0x58: {  	[sflag:s20] =	ssyncset.done $0x0  }
0x59: {  	[sflag:s20] =	ssyncadd.s32 $0xFFFFC000  }
0x5a: {  	[hbm4b:s14+s4] =	stream.linear.scatter [tilespmem:s19], [sflag:$0x1], $0x4000, $0x38;
	[tilespmem:$0x18080] =	vst v63  }
0x5b: {  	_ =	swait.ge [sflag:s20], $0x4000  }
0x5c: {  	[sflag:s20] =	ssyncset.done $0x0  }
0x5d: {  	[sflag:s20] =	ssyncadd.s32 $0xFFFFC000  }
0x5e: {  	[tilespmem:s19], [sflag:$0x1] =	stream.linear.gather [spmem:s9], $0x4000, $0x38;
	[tilespmem:$0x18080] =	vst v63  }
0x5f: {  	_ =	swait.ge [sflag:s20], $0x4000  }
0x60: {  	[sflag:s20] =	ssyncset.done $0x0  }
0x61: {  	[sflag:s20] =	ssyncadd.s32 $0xFFFFC000  }
0x62: {  	[hbm4b:s15+s4] =	stream.linear.scatter [tilespmem:s19], [sflag:$0x1], $0x4000, $0x38;
	[tilespmem:$0x18080] =	vst v63  }
0x63: {  	_ =	swait.ge [sflag:s20], $0x4000  }
0x64: {  	[sflag:s20] =	ssyncset.done $0x0  }
0x65: {  	[sflag:s20] =	ssyncadd.s32 $0xFFFFC000  }
0x66: {  	[tilespmem:s19], [sflag:$0x1] =	stream.linear.gather [spmem:s10], $0x4000, $0x38;
	[tilespmem:$0x18080] =	vst v63  }
0x67: {  	_ =	swait.ge [sflag:s20], $0x4000  }
0x68: {  	[sflag:s20] =	ssyncset.done $0x0  }
0x69: {  	[sflag:s20] =	ssyncadd.s32 $0xFFFFC000  }
0x6a: {  	[hbm4b:s16+s4] =	stream.linear.scatter [tilespmem:s19], [sflag:$0x1], $0x4000, $0x38;
	[tilespmem:$0x18080] =	vst v63  }
0x6b: {  	_ =	swait.ge [sflag:s20], $0x4000  }
0x6c: {  	[sflag:s20] =	ssyncset.done $0x0  }
0x6d: {  	[sflag:s20] =	ssyncadd.s32 $0xFFFFC000  }
0x6e: {  	[tilespmem:s19], [sflag:$0x1] =	stream.linear.gather [spmem:s11], $0x4000, $0x38;
	[tilespmem:$0x18080] =	vst v63  }
0x6f: {  	s21 =	sadd.s32 $0x1, s21;
	_ =	swait.ge [sflag:s20], $0x4000  }
0x70: {  	p0 =	sne.s32 s21, s18;
	[sflag:s20] =	ssyncset.done $0x0  }
.Ltmp1:
0x71: {  	[sflag:s20] =	ssyncadd.s32 $0xFFFFC000;
	(pc) =	sbr.rel @p0 .LBB2_1-.Ltmp1, $4  }
0x72: {  	[hbm4b:s17+s4] =	stream.linear.scatter [tilespmem:s19], [sflag:$0x1], $0x4000, $0x38;
	[tilespmem:$0x18080] =	vst v63  }
0x73: {  	_ =	swait.ge [sflag:s20], $0x4000  }
0x74: {  	[sflag:s20] =	ssyncset.done $0x0  }
0x75: {  	[sflag:s20] =	ssyncadd.s32 $0xFFFFC000  }
0x76: {  	_ =	sfence.sel $0x180000  }
0x77: {  	[bflag:$0x0] =	sbarrier.arrive $0xFFFF  }
0x78: {  	p0 =	sne.s32 s3, $0x0;
	_ =	strace $0x90000047  }
0x79: {  	s0 =	sadd.s32 @!p0 $0x100000, s0;
	[bflag:$0x2] =	sbarrier.arrive $0xFFFF  }
0x7a: {  	[sflag:s0] =	ssyncadd.tile.s32 @!p0 $0x1;
	_ =	shalt  }
.Lfunc_end2:
_tile_overlayer_lowered:
.L_overlay_start_2:
0x7b: {  	(tag) =	ssettag $0x2  }
0x7c: {  	s0 =	rddreg [dreg:$0x0];
	s2 =	stileid.u32  }
0x7d: {  	s1 =	rddreg [dreg:$0x1];
	p0 =	sne.s32 s2, $0x0  }
0x7e: {  	s3 =	rddreg [dreg:$0x2];
	[bflag:$0x3] =	sbarrier.arrive $0xFFFF;
	s2 =	simm.s32 @!p0 $0x1C01  }
0x7f: {  	[timem:s3], [sflag:s2] =	dma.local @!p0 [hbm:s0], s1  }
0x80: {  	s0 =	simm.s32 @!p0 $0x1  }
0x81: {  	_ =	swait.ge @!p0 [sflag:s0], s1  }
0x82: {  	s1 =	ssub.s32 @!p0 $0x0, s1;
	[sflag:s0] =	ssyncset.done @!p0 $0x0  }
0x83: {  	[sflag:s0] =	ssyncadd.s32 @!p0 s1  }
0x84: {  	[bflag:$0x3] =	sbarrier.arrive $0xFFFF  }
0x85: {  	_ =	shalt  }

</sc_bundles>
